<compile_context>
chip_gen: v7x
topology: tpu7x:2x2x1
jax: 0.10.2.dev20260603
libtpu: 0.0.44.dev20260713+nightly
codegen_flags: <defaults>
</compile_context>

<pallas_src>
import jax
import jax.numpy as jnp
from jax import lax
from jax.experimental import pallas as pl
from jax.experimental.pallas import tpu as pltpu
from jax.experimental.pallas import tpu_sc as plsc

N = 10000
D = 128
NC = 2
NS = 16
NW = NC * NS
L = 16
NP = 10240
KB = 128
EPW = 10240
NB = EPW // KB
EP = NW * EPW
NBUF = 2
GA = 1
RPT = NP // NS
RB = 2000

IR = 4

B0 = 80
B1 = 80
NBT = NS * (B0 + B1)

_mesh = plsc.VectorSubcoreMesh(core_axis_name="c", subcore_axis_name="s")


def _deg_body(dst_hbm, deg_out, didx, ones_v, zbuf, deg_sh):
    c = lax.axis_index("c")
    s = lax.axis_index("s")
    wid = s * NC + c
    pltpu.sync_copy(dst_hbm.at[wid], didx)
    for k in range(KB // L):
        ones_v[pl.ds(k * L, L)] = jnp.ones((L,), jnp.float32)
    for k in range(RPT // L):
        zbuf[pl.ds(k * L, L)] = jnp.zeros((L,), jnp.float32)
    pltpu.sync_copy(zbuf, deg_sh.at[pl.ds(s * RPT, RPT)])
    plsc.subcore_barrier()

    def body(j, carry):
        pltpu.sync_copy(ones_v, deg_sh.at[didx.at[j]], add=True)
        return carry

    lax.fori_loop(0, NB, body, 0)
    plsc.subcore_barrier()
    pltpu.sync_copy(deg_sh.at[pl.ds(s * RPT, RPT)],
                    deg_out.at[c, pl.ds(s * RPT, RPT)])


def _msg_body(src_hbm, dst_hbm, y_hbm, acc_out,
              sring, dring, gbuf, acc_sh, isem, gsem, ssem):
    c = lax.axis_index("c")
    s = lax.axis_index("s")
    base = jnp.where(c == 0, s * B0, NS * B0 + s * B1)
    nb_mine = jnp.where(c == 0, B0, B1)

    def zrow(r, carry):
        for k in range(D // L):
            gbuf[0, r, pl.ds(k * L, L)] = jnp.zeros((L,), jnp.float32)
        return carry

    lax.fori_loop(0, KB, zrow, 0)
    for i in range(RPT // KB):
        pltpu.sync_copy(gbuf.at[0], acc_sh.at[pl.ds(s * RPT + i * KB, KB)])
    plsc.subcore_barrier()

    def iload_start(j, r):
        pltpu.async_copy(src_hbm.at[base + j], sring.at[r], isem.at[r])
        pltpu.async_copy(dst_hbm.at[base + j], dring.at[r], isem.at[r])

    def iload_wait(r):
        pltpu.make_async_copy(src_hbm.at[base], sring.at[r],
                              isem.at[r]).wait()
        pltpu.make_async_copy(dst_hbm.at[base], dring.at[r],
                              isem.at[r]).wait()

    def gather_start(r, bb):
        pltpu.async_copy(y_hbm.at[sring.at[r]], gbuf.at[bb], gsem.at[bb])

    def gather_wait(bb):
        pltpu.make_async_copy(y_hbm.at[sring.at[0]], gbuf.at[bb],
                              gsem.at[bb]).wait()

    def scat_start(r, bb):
        pltpu.async_copy(gbuf.at[bb], acc_sh.at[dring.at[r]], ssem.at[bb],
                         add=True)

    def scat_wait(bb):
        pltpu.make_async_copy(gbuf.at[bb], acc_sh.at[dring.at[0]],
                              ssem.at[bb]).wait()

    @pl.when(nb_mine > 0)
    def _():
        iload_start(0, 0)
        iload_start(1, 1)
        iload_wait(0)
        gather_start(0, 0)

    def group(g, carry):
        for u in range(IR):
            j = g * IR + u
            b = u % NBUF

            @pl.when(j >= 1)
            def _():
                scat_wait((u + 1) % NBUF)

            @pl.when(j + 2 < nb_mine)
            def _():
                iload_start(j + 2, (u + 2) % IR)

            @pl.when(j + 1 < nb_mine)
            def _():
                iload_wait((u + 1) % IR)
                gather_start((u + 1) % IR, (u + 1) % NBUF)

            gather_wait(b)
            scat_start(u, b)
        return carry

    lax.fori_loop(0, nb_mine // IR, group, 0)

    @pl.when(nb_mine > 0)
    def _():
        scat_wait(1)
    plsc.subcore_barrier()
    pltpu.sync_copy(acc_sh.at[pl.ds(s * RPT, RPT)],
                    acc_out.at[c, pl.ds(s * RPT, RPT)])


def _mm_body(x_ref, w_ref, dg_ref, y_ref):
    dg = dg_ref[...]
    dinv = lax.rsqrt(dg[:, 0:1] + dg[:, 1:2] + 1.0)
    y_ref[...] = jnp.dot(x_ref[...], w_ref[...],
                         preferred_element_type=jnp.float32) * dinv


def _fin_body(acc_ref, y_ref, dg_ref, b_ref, o_ref):
    dg = dg_ref[...]
    dinv = lax.rsqrt(dg[:, 0:1] + dg[:, 1:2] + 1.0)
    tot = acc_ref[0] + acc_ref[1] + y_ref[...]
    o_ref[...] = tot * dinv + b_ref[...]


def kernel(x, edge_index, W, b):
    pad = EP - edge_index.shape[1]
    pad_i = jnp.arange(pad, dtype=jnp.int32)
    src_p = jnp.concatenate(
        [edge_index[0], pad_i % N]).reshape(NBT, KB)
    dst_p = jnp.concatenate(
        [edge_index[1], N + pad_i % (NP - N)]).reshape(NBT, KB)

    deg_fn = pl.kernel(
        _deg_body,
        out_type=jax.ShapeDtypeStruct((NC, NP), jnp.float32),
        mesh=_mesh,
        scratch_types=[
            pltpu.VMEM((NB, KB), jnp.int32),
            pltpu.VMEM((KB,), jnp.float32),
            pltpu.VMEM((RPT,), jnp.float32),
            pltpu.VMEM_SHARED((NP,), jnp.float32),
        ],
    )
    deg = deg_fn(dst_p.reshape(NW, NB, KB))
    deg_t = deg.T

    y = pl.pallas_call(
        _mm_body,
        grid=(N // RB,),
        in_specs=[
            pl.BlockSpec((RB, D), lambda i: (i, 0)),
            pl.BlockSpec((D, D), lambda i: (0, 0)),
            pl.BlockSpec((RB, NC), lambda i: (i, 0)),
        ],
        out_specs=pl.BlockSpec((RB, D), lambda i: (i, 0)),
        out_shape=jax.ShapeDtypeStruct((N, D), jnp.float32),
    )(x, W, deg_t)

    msg_fn = pl.kernel(
        _msg_body,
        out_type=jax.ShapeDtypeStruct((NC, NP, D), jnp.float32),
        mesh=_mesh,
        scratch_types=[
            pltpu.VMEM((IR, KB), jnp.int32),
            pltpu.VMEM((IR, KB), jnp.int32),
            pltpu.VMEM((NBUF, KB, D), jnp.float32),
            pltpu.VMEM_SHARED((NP, D), jnp.float32),
            pltpu.SemaphoreType.DMA((IR,)),
            pltpu.SemaphoreType.DMA((NBUF,)),
            pltpu.SemaphoreType.DMA((NBUF,)),
        ],
    )
    acc = msg_fn(src_p, dst_p, y)

    out = pl.pallas_call(
        _fin_body,
        grid=(N // RB,),
        in_specs=[
            pl.BlockSpec((NC, RB, D), lambda i: (0, i, 0)),
            pl.BlockSpec((RB, D), lambda i: (i, 0)),
            pl.BlockSpec((RB, NC), lambda i: (i, 0)),
            pl.BlockSpec((1, D), lambda i: (0, 0)),
        ],
        out_specs=pl.BlockSpec((RB, D), lambda i: (i, 0)),
        out_shape=jax.ShapeDtypeStruct((N, D), jnp.float32),
    )(acc, y, deg_t, b.reshape(1, D))
    return out

# --- scband reference (transcript-rebuilt; emitter-appended) ---
"""Pipeline reference for scband-gcnlayer-25314537242828 (READ-ONLY COPY).

The authoritative reference and input builder live on the scoring server;
editing this copy changes nothing except your own understanding.
"""

import jax, jax.numpy as jnp
import numpy as np

N_NODES = 10000
N_EDGES = 320000
D_IN = 128
D_OUT = 128


def setup_inputs(seed: int = 0) -> dict:
    key = jax.random.key(seed)
    k1, k2, k3 = jax.random.split(key, 3)
    x = jax.random.normal(k1, (N_NODES, D_IN), dtype=jnp.float32)
    edge_index = jax.random.randint(k2, (2, N_EDGES), 0, N_NODES, dtype=jnp.int32)
    # GCNConv linear weight (glorot-ish init) and bias
    W = jax.random.normal(k3, (D_IN, D_OUT), dtype=jnp.float32) * (1.0 / np.sqrt(D_IN))
    b = jnp.zeros((D_OUT,), dtype=jnp.float32)
    return {"x": x, "edge_index": edge_index, "W": W, "b": b}


def reference(x, edge_index, W, b):
    # Dropout is identity in eval mode.
    N = x.shape[0]
    loop = jnp.arange(N, dtype=edge_index.dtype)
    src = jnp.concatenate([edge_index[0], loop])
    dst = jnp.concatenate([edge_index[1], loop])
    # symmetric normalization D^{-1/2} (A+I) D^{-1/2}, deg computed on dst (col)
    deg = jnp.zeros((N,), dtype=x.dtype).at[dst].add(1.0)
    dinv = jnp.where(deg > 0, deg ** -0.5, 0.0)
    norm = dinv[src] * dinv[dst]
    xw = x @ W
    msg = xw[src] * norm[:, None]
    out = jnp.zeros((N, W.shape[1]), dtype=x.dtype).at[dst].add(msg)
    return out + b

if __name__ == "__main__":
    import jax
    _d = setup_inputs()
    print(jax.jit(kernel)(*tuple(_d.values())))

</pallas_src>

<mosaic_0001>
#map = affine_map<(d0, d1) -> (0, 0, 0)>
#map1 = affine_map<(d0, d1) -> (0, 0)>
module attributes {stable_mosaic.version = 14 : i64} {
  func.func @_deg_body(%arg0: i32, %arg1: i32, %arg2: memref<32x80x128xi32, #tpu.memory_space<hbm>>, %arg3: memref<2x10240xf32, #tpu.memory_space<hbm>>, %arg4: memref<80x128xi32, #tpu.memory_space<vmem>>, %arg5: memref<128xf32, #tpu.memory_space<vmem>>, %arg6: memref<640xf32, #tpu.memory_space<vmem>>, %arg7: memref<10240xf32, #tpu.memory_space<vmem_shared>>) attributes {dimension_semantics = [#tpu.dimension_semantics<core_parallel>, #tpu.dimension_semantics<subcore_parallel>], iteration_bounds = array<i64: 2, 16>, scalar_prefetch = 0 : i64, scratch_operands = 4 : i64, tpu.core_type = #tpu.core_type<sc_vector_subcore>, window_params = [{transform_indices = #map}, {transform_indices = #map1}]} {
    %mul3A = arith.constant 2 : i32
    %mul3A_0 = arith.muli %arg1, %mul3A : i32
    %add3A = arith.addi %mul3A_0, %arg0 : i32
    "tpu.region"() ({
      %run_scoped3A = tpu.sem_alloc : memref<!tpu.dma_semaphore, #tpu.memory_space<semaphore_mem>>
      %dma_start3A = arith.constant 0 : i32
      %dma_start3A_299 = arith.constant 0 : i32
      %dma_start3A_300 = tpu.memref_slice %arg2[%add3A, %dma_start3A, %dma_start3A_299] : memref<32x80x128xi32, #tpu.memory_space<hbm>> -> memref<1x80x128xi32, #tpu.memory_space<hbm>>
      %dma_start3A_301 = tpu.memref_squeeze %dma_start3A_300 : memref<1x80x128xi32, #tpu.memory_space<hbm>> -> memref<80x128xi32, #tpu.memory_space<hbm>>
      %dma_start3A_302 = arith.constant 0 : i32
      %dma_start3A_303 = arith.constant 0 : i32
      %dma_start3A_304 = tpu.memref_slice %arg2[%add3A, %dma_start3A_302, %dma_start3A_303] : memref<32x80x128xi32, #tpu.memory_space<hbm>> -> memref<1x80x128xi32, #tpu.memory_space<hbm>>
      %dma_start3A_305 = tpu.memref_squeeze %dma_start3A_304 : memref<1x80x128xi32, #tpu.memory_space<hbm>> -> memref<80x128xi32, #tpu.memory_space<hbm>>
      tpu.enqueue_dma source(%dma_start3A_305 : memref<80x128xi32, #tpu.memory_space<hbm>>) target(%arg4 : memref<80x128xi32, #tpu.memory_space<vmem>>) target_semaphore(%run_scoped3A : memref<!tpu.dma_semaphore, #tpu.memory_space<semaphore_mem>>)
      %dma_wait3A = arith.constant 0 : i32
      %dma_wait3A_306 = arith.constant 0 : i32
      %dma_wait3A_307 = tpu.memref_slice %arg2[%add3A, %dma_wait3A, %dma_wait3A_306] : memref<32x80x128xi32, #tpu.memory_space<hbm>> -> memref<1x80x128xi32, #tpu.memory_space<hbm>>
      %dma_wait3A_308 = tpu.memref_squeeze %dma_wait3A_307 : memref<1x80x128xi32, #tpu.memory_space<hbm>> -> memref<80x128xi32, #tpu.memory_space<hbm>>
      %dma_wait3A_309 = arith.constant 0 : i32
      %dma_wait3A_310 = arith.constant 0 : i32
      %dma_wait3A_311 = tpu.memref_slice %arg2[%add3A, %dma_wait3A_309, %dma_wait3A_310] : memref<32x80x128xi32, #tpu.memory_space<hbm>> -> memref<1x80x128xi32, #tpu.memory_space<hbm>>
      %dma_wait3A_312 = tpu.memref_squeeze %dma_wait3A_311 : memref<1x80x128xi32, #tpu.memory_space<hbm>> -> memref<80x128xi32, #tpu.memory_space<hbm>>
      tpu.wait_dma2 semaphore(%run_scoped3A : memref<!tpu.dma_semaphore, #tpu.memory_space<semaphore_mem>>) src(%dma_wait3A_312 : memref<80x128xi32, #tpu.memory_space<hbm>>) dst(%arg4 : memref<80x128xi32, #tpu.memory_space<vmem>>)
      tpu.yield
    }) : () -> ()
    %broadcast_in_dim3A = arith.constant 1.000000e+00 : f32
    %broadcast_in_dim3A_1 = vector.broadcast %broadcast_in_dim3A : f32 to vector<16xf32>
    %swap3A = arith.constant 0 : index
    %swap3A_2 = tpu.vector_load %arg5[%swap3A] {strides = array<i32>} : memref<128xf32, #tpu.memory_space<vmem>>, vector<16xf32>,
    %swap3A_3 = vector.shape_cast %swap3A_2 : vector<16xf32> to vector<16xf32>
    %swap3A_4 = vector.shape_cast %broadcast_in_dim3A_1 : vector<16xf32> to vector<16xf32>
    tpu.vector_store %arg5[%swap3A], %swap3A_4 {strides = array<i32>} : memref<128xf32, #tpu.memory_space<vmem>>, vector<16xf32>,
    %broadcast_in_dim3A_5 = arith.constant 1.000000e+00 : f32
    %broadcast_in_dim3A_6 = vector.broadcast %broadcast_in_dim3A_5 : f32 to vector<16xf32>
    %swap3A_7 = arith.constant 16 : index
    %swap3A_8 = tpu.vector_load %arg5[%swap3A_7] {strides = array<i32>} : memref<128xf32, #tpu.memory_space<vmem>>, vector<16xf32>,
    %swap3A_9 = vector.shape_cast %swap3A_8 : vector<16xf32> to vector<16xf32>
    %swap3A_10 = vector.shape_cast %broadcast_in_dim3A_6 : vector<16xf32> to vector<16xf32>
    tpu.vector_store %arg5[%swap3A_7], %swap3A_10 {strides = array<i32>} : memref<128xf32, #tpu.memory_space<vmem>>, vector<16xf32>,
    %broadcast_in_dim3A_11 = arith.constant 1.000000e+00 : f32
    %broadcast_in_dim3A_12 = vector.broadcast %broadcast_in_dim3A_11 : f32 to vector<16xf32>
    %swap3A_13 = arith.constant 32 : index
    %swap3A_14 = tpu.vector_load %arg5[%swap3A_13] {strides = array<i32>} : memref<128xf32, #tpu.memory_space<vmem>>, vector<16xf32>,
    %swap3A_15 = vector.shape_cast %swap3A_14 : vector<16xf32> to vector<16xf32>
    %swap3A_16 = vector.shape_cast %broadcast_in_dim3A_12 : vector<16xf32> to vector<16xf32>
    tpu.vector_store %arg5[%swap3A_13], %swap3A_16 {strides = array<i32>} : memref<128xf32, #tpu.memory_space<vmem>>, vector<16xf32>,
    %broadcast_in_dim3A_17 = arith.constant 1.000000e+00 : f32
    %broadcast_in_dim3A_18 = vector.broadcast %broadcast_in_dim3A_17 : f32 to vector<16xf32>
    %swap3A_19 = arith.constant 48 : index
    %swap3A_20 = tpu.vector_load %arg5[%swap3A_19] {strides = array<i32>} : memref<128xf32, #tpu.memory_space<vmem>>, vector<16xf32>,
    %swap3A_21 = vector.shape_cast %swap3A_20 : vector<16xf32> to vector<16xf32>
    %swap3A_22 = vector.shape_cast %broadcast_in_dim3A_18 : vector<16xf32> to vector<16xf32>
    tpu.vector_store %arg5[%swap3A_19], %swap3A_22 {strides = array<i32>} : memref<128xf32, #tpu.memory_space<vmem>>, vector<16xf32>,
    %broadcast_in_dim3A_23 = arith.constant 1.000000e+00 : f32
    %broadcast_in_dim3A_24 = vector.broadcast %broadcast_in_dim3A_23 : f32 to vector<16xf32>
    %swap3A_25 = arith.constant 64 : index
    %swap3A_26 = tpu.vector_load %arg5[%swap3A_25] {strides = array<i32>} : memref<128xf32, #tpu.memory_space<vmem>>, vector<16xf32>,
    %swap3A_27 = vector.shape_cast %swap3A_26 : vector<16xf32> to vector<16xf32>
    %swap3A_28 = vector.shape_cast %broadcast_in_dim3A_24 : vector<16xf32> to vector<16xf32>
    tpu.vector_store %arg5[%swap3A_25], %swap3A_28 {strides = array<i32>} : memref<128xf32, #tpu.memory_space<vmem>>, vector<16xf32>,
    %broadcast_in_dim3A_29 = arith.constant 1.000000e+00 : f32
    %broadcast_in_dim3A_30 = vector.broadcast %broadcast_in_dim3A_29 : f32 to vector<16xf32>
    %swap3A_31 = arith.constant 80 : index
    %swap3A_32 = tpu.vector_load %arg5[%swap3A_31] {strides = array<i32>} : memref<128xf32, #tpu.memory_space<vmem>>, vector<16xf32>,
    %swap3A_33 = vector.shape_cast %swap3A_32 : vector<16xf32> to vector<16xf32>
    %swap3A_34 = vector.shape_cast %broadcast_in_dim3A_30 : vector<16xf32> to vector<16xf32>
    tpu.vector_store %arg5[%swap3A_31], %swap3A_34 {strides = array<i32>} : memref<128xf32, #tpu.memory_space<vmem>>, vector<16xf32>,
    %broadcast_in_dim3A_35 = arith.constant 1.000000e+00 : f32
    %broadcast_in_dim3A_36 = vector.broadcast %broadcast_in_dim3A_35 : f32 to vector<16xf32>
    %swap3A_37 = arith.constant 96 : index
    %swap3A_38 = tpu.vector_load %arg5[%swap3A_37] {strides = array<i32>} : memref<128xf32, #tpu.memory_space<vmem>>, vector<16xf32>,
    %swap3A_39 = vector.shape_cast %swap3A_38 : vector<16xf32> to vector<16xf32>
    %swap3A_40 = vector.shape_cast %broadcast_in_dim3A_36 : vector<16xf32> to vector<16xf32>
    tpu.vector_store %arg5[%swap3A_37], %swap3A_40 {strides = array<i32>} : memref<128xf32, #tpu.memory_space<vmem>>, vector<16xf32>,
    %broadcast_in_dim3A_41 = arith.constant 1.000000e+00 : f32
    %broadcast_in_dim3A_42 = vector.broadcast %broadcast_in_dim3A_41 : f32 to vector<16xf32>
    %swap3A_43 = arith.constant 112 : index
    %swap3A_44 = tpu.vector_load %arg5[%swap3A_43] {strides = array<i32>} : memref<128xf32, #tpu.memory_space<vmem>>, vector<16xf32>,
    %swap3A_45 = vector.shape_cast %swap3A_44 : vector<16xf32> to vector<16xf32>
    %swap3A_46 = vector.shape_cast %broadcast_in_dim3A_42 : vector<16xf32> to vector<16xf32>
    tpu.vector_store %arg5[%swap3A_43], %swap3A_46 {strides = array<i32>} : memref<128xf32, #tpu.memory_space<vmem>>, vector<16xf32>,
    %broadcast_in_dim3A_47 = arith.constant 0.000000e+00 : f32
    %broadcast_in_dim3A_48 = vector.broadcast %broadcast_in_dim3A_47 : f32 to vector<16xf32>
    %swap3A_49 = arith.constant 0 : index
    %swap3A_50 = tpu.vector_load %arg6[%swap3A_49] {strides = array<i32>} : memref<640xf32, #tpu.memory_space<vmem>>, vector<16xf32>,
    %swap3A_51 = vector.shape_cast %swap3A_50 : vector<16xf32> to vector<16xf32>
    %swap3A_52 = vector.shape_cast %broadcast_in_dim3A_48 : vector<16xf32> to vector<16xf32>
    tpu.vector_store %arg6[%swap3A_49], %swap3A_52 {strides = array<i32>} : memref<640xf32, #tpu.memory_space<vmem>>, vector<16xf32>,
    %broadcast_in_dim3A_53 = arith.constant 0.000000e+00 : f32
    %broadcast_in_dim3A_54 = vector.broadcast %broadcast_in_dim3A_53 : f32 to vector<16xf32>
    %swap3A_55 = arith.constant 16 : index
    %swap3A_56 = tpu.vector_load %arg6[%swap3A_55] {strides = array<i32>} : memref<640xf32, #tpu.memory_space<vmem>>, vector<16xf32>,
    %swap3A_57 = vector.shape_cast %swap3A_56 : vector<16xf32> to vector<16xf32>
    %swap3A_58 = vector.shape_cast %broadcast_in_dim3A_54 : vector<16xf32> to vector<16xf32>
    tpu.vector_store %arg6[%swap3A_55], %swap3A_58 {strides = array<i32>} : memref<640xf32, #tpu.memory_space<vmem>>, vector<16xf32>,
    %broadcast_in_dim3A_59 = arith.constant 0.000000e+00 : f32
    %broadcast_in_dim3A_60 = vector.broadcast %broadcast_in_dim3A_59 : f32 to vector<16xf32>
    %swap3A_61 = arith.constant 32 : index
    %swap3A_62 = tpu.vector_load %arg6[%swap3A_61] {strides = array<i32>} : memref<640xf32, #tpu.memory_space<vmem>>, vector<16xf32>,
    %swap3A_63 = vector.shape_cast %swap3A_62 : vector<16xf32> to vector<16xf32>
    %swap3A_64 = vector.shape_cast %broadcast_in_dim3A_60 : vector<16xf32> to vector<16xf32>
    tpu.vector_store %arg6[%swap3A_61], %swap3A_64 {strides = array<i32>} : memref<640xf32, #tpu.memory_space<vmem>>, vector<16xf32>,
    %broadcast_in_dim3A_65 = arith.constant 0.000000e+00 : f32
    %broadcast_in_dim3A_66 = vector.broadcast %broadcast_in_dim3A_65 : f32 to vector<16xf32>
    %swap3A_67 = arith.constant 48 : index
    %swap3A_68 = tpu.vector_load %arg6[%swap3A_67] {strides = array<i32>} : memref<640xf32, #tpu.memory_space<vmem>>, vector<16xf32>,
    %swap3A_69 = vector.shape_cast %swap3A_68 : vector<16xf32> to vector<16xf32>
    %swap3A_70 = vector.shape_cast %broadcast_in_dim3A_66 : vector<16xf32> to vector<16xf32>
    tpu.vector_store %arg6[%swap3A_67], %swap3A_70 {strides = array<i32>} : memref<640xf32, #tpu.memory_space<vmem>>, vector<16xf32>,
    %broadcast_in_dim3A_71 = arith.constant 0.000000e+00 : f32
    %broadcast_in_dim3A_72 = vector.broadcast %broadcast_in_dim3A_71 : f32 to vector<16xf32>
    %swap3A_73 = arith.constant 64 : index
    %swap3A_74 = tpu.vector_load %arg6[%swap3A_73] {strides = array<i32>} : memref<640xf32, #tpu.memory_space<vmem>>, vector<16xf32>,
    %swap3A_75 = vector.shape_cast %swap3A_74 : vector<16xf32> to vector<16xf32>
    %swap3A_76 = vector.shape_cast %broadcast_in_dim3A_72 : vector<16xf32> to vector<16xf32>
    tpu.vector_store %arg6[%swap3A_73], %swap3A_76 {strides = array<i32>} : memref<640xf32, #tpu.memory_space<vmem>>, vector<16xf32>,
    %broadcast_in_dim3A_77 = arith.constant 0.000000e+00 : f32
    %broadcast_in_dim3A_78 = vector.broadcast %broadcast_in_dim3A_77 : f32 to vector<16xf32>
    %swap3A_79 = arith.constant 80 : index
    %swap3A_80 = tpu.vector_load %arg6[%swap3A_79] {strides = array<i32>} : memref<640xf32, #tpu.memory_space<vmem>>, vector<16xf32>,
    %swap3A_81 = vector.shape_cast %swap3A_80 : vector<16xf32> to vector<16xf32>
    %swap3A_82 = vector.shape_cast %broadcast_in_dim3A_78 : vector<16xf32> to vector<16xf32>
    tpu.vector_store %arg6[%swap3A_79], %swap3A_82 {strides = array<i32>} : memref<640xf32, #tpu.memory_space<vmem>>, vector<16xf32>,
    %broadcast_in_dim3A_83 = arith.constant 0.000000e+00 : f32
    %broadcast_in_dim3A_84 = vector.broadcast %broadcast_in_dim3A_83 : f32 to vector<16xf32>
    %swap3A_85 = arith.constant 96 : index
    %swap3A_86 = tpu.vector_load %arg6[%swap3A_85] {strides = array<i32>} : memref<640xf32, #tpu.memory_space<vmem>>, vector<16xf32>,
    %swap3A_87 = vector.shape_cast %swap3A_86 : vector<16xf32> to vector<16xf32>
    %swap3A_88 = vector.shape_cast %broadcast_in_dim3A_84 : vector<16xf32> to vector<16xf32>
    tpu.vector_store %arg6[%swap3A_85], %swap3A_88 {strides = array<i32>} : memref<640xf32, #tpu.memory_space<vmem>>, vector<16xf32>,
    %broadcast_in_dim3A_89 = arith.constant 0.000000e+00 : f32
    %broadcast_in_dim3A_90 = vector.broadcast %broadcast_in_dim3A_89 : f32 to vector<16xf32>
    %swap3A_91 = arith.constant 112 : index
    %swap3A_92 = tpu.vector_load %arg6[%swap3A_91] {strides = array<i32>} : memref<640xf32, #tpu.memory_space<vmem>>, vector<16xf32>,
    %swap3A_93 = vector.shape_cast %swap3A_92 : vector<16xf32> to vector<16xf32>
    %swap3A_94 = vector.shape_cast %broadcast_in_dim3A_90 : vector<16xf32> to vector<16xf32>
    tpu.vector_store %arg6[%swap3A_91], %swap3A_94 {strides = array<i32>} : memref<640xf32, #tpu.memory_space<vmem>>, vector<16xf32>,
    %broadcast_in_dim3A_95 = arith.constant 0.000000e+00 : f32
    %broadcast_in_dim3A_96 = vector.broadcast %broadcast_in_dim3A_95 : f32 to vector<16xf32>
    %swap3A_97 = arith.constant 128 : index
    %swap3A_98 = tpu.vector_load %arg6[%swap3A_97] {strides = array<i32>} : memref<640xf32, #tpu.memory_space<vmem>>, vector<16xf32>,
    %swap3A_99 = vector.shape_cast %swap3A_98 : vector<16xf32> to vector<16xf32>
    %swap3A_100 = vector.shape_cast %broadcast_in_dim3A_96 : vector<16xf32> to vector<16xf32>
    tpu.vector_store %arg6[%swap3A_97], %swap3A_100 {strides = array<i32>} : memref<640xf32, #tpu.memory_space<vmem>>, vector<16xf32>,
    %broadcast_in_dim3A_101 = arith.constant 0.000000e+00 : f32
    %broadcast_in_dim3A_102 = vector.broadcast %broadcast_in_dim3A_101 : f32 to vector<16xf32>
    %swap3A_103 = arith.constant 144 : index
    %swap3A_104 = tpu.vector_load %arg6[%swap3A_103] {strides = array<i32>} : memref<640xf32, #tpu.memory_space<vmem>>, vector<16xf32>,
    %swap3A_105 = vector.shape_cast %swap3A_104 : vector<16xf32> to vector<16xf32>
    %swap3A_106 = vector.shape_cast %broadcast_in_dim3A_102 : vector<16xf32> to vector<16xf32>
    tpu.vector_store %arg6[%swap3A_103], %swap3A_106 {strides = array<i32>} : memref<640xf32, #tpu.memory_space<vmem>>, vector<16xf32>,
    %broadcast_in_dim3A_107 = arith.constant 0.000000e+00 : f32
    %broadcast_in_dim3A_108 = vector.broadcast %broadcast_in_dim3A_107 : f32 to vector<16xf32>
    %swap3A_109 = arith.constant 160 : index
    %swap3A_110 = tpu.vector_load %arg6[%swap3A_109] {strides = array<i32>} : memref<640xf32, #tpu.memory_space<vmem>>, vector<16xf32>,
    %swap3A_111 = vector.shape_cast %swap3A_110 : vector<16xf32> to vector<16xf32>
    %swap3A_112 = vector.shape_cast %broadcast_in_dim3A_108 : vector<16xf32> to vector<16xf32>
    tpu.vector_store %arg6[%swap3A_109], %swap3A_112 {strides = array<i32>} : memref<640xf32, #tpu.memory_space<vmem>>, vector<16xf32>,
    %broadcast_in_dim3A_113 = arith.constant 0.000000e+00 : f32
    %broadcast_in_dim3A_114 = vector.broadcast %broadcast_in_dim3A_113 : f32 to vector<16xf32>
    %swap3A_115 = arith.constant 176 : index
    %swap3A_116 = tpu.vector_load %arg6[%swap3A_115] {strides = array<i32>} : memref<640xf32, #tpu.memory_space<vmem>>, vector<16xf32>,
    %swap3A_117 = vector.shape_cast %swap3A_116 : vector<16xf32> to vector<16xf32>
    %swap3A_118 = vector.shape_cast %broadcast_in_dim3A_114 : vector<16xf32> to vector<16xf32>
    tpu.vector_store %arg6[%swap3A_115], %swap3A_118 {strides = array<i32>} : memref<640xf32, #tpu.memory_space<vmem>>, vector<16xf32>,
    %broadcast_in_dim3A_119 = arith.constant 0.000000e+00 : f32
    %broadcast_in_dim3A_120 = vector.broadcast %broadcast_in_dim3A_119 : f32 to vector<16xf32>
    %swap3A_121 = arith.constant 192 : index
    %swap3A_122 = tpu.vector_load %arg6[%swap3A_121] {strides = array<i32>} : memref<640xf32, #tpu.memory_space<vmem>>, vector<16xf32>,
    %swap3A_123 = vector.shape_cast %swap3A_122 : vector<16xf32> to vector<16xf32>
    %swap3A_124 = vector.shape_cast %broadcast_in_dim3A_120 : vector<16xf32> to vector<16xf32>
    tpu.vector_store %arg6[%swap3A_121], %swap3A_124 {strides = array<i32>} : memref<640xf32, #tpu.memory_space<vmem>>, vector<16xf32>,
    %broadcast_in_dim3A_125 = arith.constant 0.000000e+00 : f32
    %broadcast_in_dim3A_126 = vector.broadcast %broadcast_in_dim3A_125 : f32 to vector<16xf32>
    %swap3A_127 = arith.constant 208 : index
    %swap3A_128 = tpu.vector_load %arg6[%swap3A_127] {strides = array<i32>} : memref<640xf32, #tpu.memory_space<vmem>>, vector<16xf32>,
    %swap3A_129 = vector.shape_cast %swap3A_128 : vector<16xf32> to vector<16xf32>
    %swap3A_130 = vector.shape_cast %broadcast_in_dim3A_126 : vector<16xf32> to vector<16xf32>
    tpu.vector_store %arg6[%swap3A_127], %swap3A_130 {strides = array<i32>} : memref<640xf32, #tpu.memory_space<vmem>>, vector<16xf32>,
    %broadcast_in_dim3A_131 = arith.constant 0.000000e+00 : f32
    %broadcast_in_dim3A_132 = vector.broadcast %broadcast_in_dim3A_131 : f32 to vector<16xf32>
    %swap3A_133 = arith.constant 224 : index
    %swap3A_134 = tpu.vector_load %arg6[%swap3A_133] {strides = array<i32>} : memref<640xf32, #tpu.memory_space<vmem>>, vector<16xf32>,
    %swap3A_135 = vector.shape_cast %swap3A_134 : vector<16xf32> to vector<16xf32>
    %swap3A_136 = vector.shape_cast %broadcast_in_dim3A_132 : vector<16xf32> to vector<16xf32>
    tpu.vector_store %arg6[%swap3A_133], %swap3A_136 {strides = array<i32>} : memref<640xf32, #tpu.memory_space<vmem>>, vector<16xf32>,
    %broadcast_in_dim3A_137 = arith.constant 0.000000e+00 : f32
    %broadcast_in_dim3A_138 = vector.broadcast %broadcast_in_dim3A_137 : f32 to vector<16xf32>
    %swap3A_139 = arith.constant 240 : index
    %swap3A_140 = tpu.vector_load %arg6[%swap3A_139] {strides = array<i32>} : memref<640xf32, #tpu.memory_space<vmem>>, vector<16xf32>,
    %swap3A_141 = vector.shape_cast %swap3A_140 : vector<16xf32> to vector<16xf32>
    %swap3A_142 = vector.shape_cast %broadcast_in_dim3A_138 : vector<16xf32> to vector<16xf32>
    tpu.vector_store %arg6[%swap3A_139], %swap3A_142 {strides = array<i32>} : memref<640xf32, #tpu.memory_space<vmem>>, vector<16xf32>,
    %broadcast_in_dim3A_143 = arith.constant 0.000000e+00 : f32
    %broadcast_in_dim3A_144 = vector.broadcast %broadcast_in_dim3A_143 : f32 to vector<16xf32>
    %swap3A_145 = arith.constant 256 : index
    %swap3A_146 = tpu.vector_load %arg6[%swap3A_145] {strides = array<i32>} : memref<640xf32, #tpu.memory_space<vmem>>, vector<16xf32>,
    %swap3A_147 = vector.shape_cast %swap3A_146 : vector<16xf32> to vector<16xf32>
    %swap3A_148 = vector.shape_cast %broadcast_in_dim3A_144 : vector<16xf32> to vector<16xf32>
    tpu.vector_store %arg6[%swap3A_145], %swap3A_148 {strides = array<i32>} : memref<640xf32, #tpu.memory_space<vmem>>, vector<16xf32>,
    %broadcast_in_dim3A_149 = arith.constant 0.000000e+00 : f32
    %broadcast_in_dim3A_150 = vector.broadcast %broadcast_in_dim3A_149 : f32 to vector<16xf32>
    %swap3A_151 = arith.constant 272 : index
    %swap3A_152 = tpu.vector_load %arg6[%swap3A_151] {strides = array<i32>} : memref<640xf32, #tpu.memory_space<vmem>>, vector<16xf32>,
    %swap3A_153 = vector.shape_cast %swap3A_152 : vector<16xf32> to vector<16xf32>
    %swap3A_154 = vector.shape_cast %broadcast_in_dim3A_150 : vector<16xf32> to vector<16xf32>
    tpu.vector_store %arg6[%swap3A_151], %swap3A_154 {strides = array<i32>} : memref<640xf32, #tpu.memory_space<vmem>>, vector<16xf32>,
    %broadcast_in_dim3A_155 = arith.constant 0.000000e+00 : f32
    %broadcast_in_dim3A_156 = vector.broadcast %broadcast_in_dim3A_155 : f32 to vector<16xf32>
    %swap3A_157 = arith.constant 288 : index
    %swap3A_158 = tpu.vector_load %arg6[%swap3A_157] {strides = array<i32>} : memref<640xf32, #tpu.memory_space<vmem>>, vector<16xf32>,
    %swap3A_159 = vector.shape_cast %swap3A_158 : vector<16xf32> to vector<16xf32>
    %swap3A_160 = vector.shape_cast %broadcast_in_dim3A_156 : vector<16xf32> to vector<16xf32>
    tpu.vector_store %arg6[%swap3A_157], %swap3A_160 {strides = array<i32>} : memref<640xf32, #tpu.memory_space<vmem>>, vector<16xf32>,
    %broadcast_in_dim3A_161 = arith.constant 0.000000e+00 : f32
    %broadcast_in_dim3A_162 = vector.broadcast %broadcast_in_dim3A_161 : f32 to vector<16xf32>
    %swap3A_163 = arith.constant 304 : index
    %swap3A_164 = tpu.vector_load %arg6[%swap3A_163] {strides = array<i32>} : memref<640xf32, #tpu.memory_space<vmem>>, vector<16xf32>,
    %swap3A_165 = vector.shape_cast %swap3A_164 : vector<16xf32> to vector<16xf32>
    %swap3A_166 = vector.shape_cast %broadcast_in_dim3A_162 : vector<16xf32> to vector<16xf32>
    tpu.vector_store %arg6[%swap3A_163], %swap3A_166 {strides = array<i32>} : memref<640xf32, #tpu.memory_space<vmem>>, vector<16xf32>,
    %broadcast_in_dim3A_167 = arith.constant 0.000000e+00 : f32
    %broadcast_in_dim3A_168 = vector.broadcast %broadcast_in_dim3A_167 : f32 to vector<16xf32>
    %swap3A_169 = arith.constant 320 : index
    %swap3A_170 = tpu.vector_load %arg6[%swap3A_169] {strides = array<i32>} : memref<640xf32, #tpu.memory_space<vmem>>, vector<16xf32>,
    %swap3A_171 = vector.shape_cast %swap3A_170 : vector<16xf32> to vector<16xf32>
    %swap3A_172 = vector.shape_cast %broadcast_in_dim3A_168 : vector<16xf32> to vector<16xf32>
    tpu.vector_store %arg6[%swap3A_169], %swap3A_172 {strides = array<i32>} : memref<640xf32, #tpu.memory_space<vmem>>, vector<16xf32>,
    %broadcast_in_dim3A_173 = arith.constant 0.000000e+00 : f32
    %broadcast_in_dim3A_174 = vector.broadcast %broadcast_in_dim3A_173 : f32 to vector<16xf32>
    %swap3A_175 = arith.constant 336 : index
    %swap3A_176 = tpu.vector_load %arg6[%swap3A_175] {strides = array<i32>} : memref<640xf32, #tpu.memory_space<vmem>>, vector<16xf32>,
    %swap3A_177 = vector.shape_cast %swap3A_176 : vector<16xf32> to vector<16xf32>
    %swap3A_178 = vector.shape_cast %broadcast_in_dim3A_174 : vector<16xf32> to vector<16xf32>
    tpu.vector_store %arg6[%swap3A_175], %swap3A_178 {strides = array<i32>} : memref<640xf32, #tpu.memory_space<vmem>>, vector<16xf32>,
    %broadcast_in_dim3A_179 = arith.constant 0.000000e+00 : f32
    %broadcast_in_dim3A_180 = vector.broadcast %broadcast_in_dim3A_179 : f32 to vector<16xf32>
    %swap3A_181 = arith.constant 352 : index
    %swap3A_182 = tpu.vector_load %arg6[%swap3A_181] {strides = array<i32>} : memref<640xf32, #tpu.memory_space<vmem>>, vector<16xf32>,
    %swap3A_183 = vector.shape_cast %swap3A_182 : vector<16xf32> to vector<16xf32>
    %swap3A_184 = vector.shape_cast %broadcast_in_dim3A_180 : vector<16xf32> to vector<16xf32>
    tpu.vector_store %arg6[%swap3A_181], %swap3A_184 {strides = array<i32>} : memref<640xf32, #tpu.memory_space<vmem>>, vector<16xf32>,
    %broadcast_in_dim3A_185 = arith.constant 0.000000e+00 : f32
    %broadcast_in_dim3A_186 = vector.broadcast %broadcast_in_dim3A_185 : f32 to vector<16xf32>
    %swap3A_187 = arith.constant 368 : index
    %swap3A_188 = tpu.vector_load %arg6[%swap3A_187] {strides = array<i32>} : memref<640xf32, #tpu.memory_space<vmem>>, vector<16xf32>,
    %swap3A_189 = vector.shape_cast %swap3A_188 : vector<16xf32> to vector<16xf32>
    %swap3A_190 = vector.shape_cast %broadcast_in_dim3A_186 : vector<16xf32> to vector<16xf32>
    tpu.vector_store %arg6[%swap3A_187], %swap3A_190 {strides = array<i32>} : memref<640xf32, #tpu.memory_space<vmem>>, vector<16xf32>,
    %broadcast_in_dim3A_191 = arith.constant 0.000000e+00 : f32
    %broadcast_in_dim3A_192 = vector.broadcast %broadcast_in_dim3A_191 : f32 to vector<16xf32>
    %swap3A_193 = arith.constant 384 : index
    %swap3A_194 = tpu.vector_load %arg6[%swap3A_193] {strides = array<i32>} : memref<640xf32, #tpu.memory_space<vmem>>, vector<16xf32>,
    %swap3A_195 = vector.shape_cast %swap3A_194 : vector<16xf32> to vector<16xf32>
    %swap3A_196 = vector.shape_cast %broadcast_in_dim3A_192 : vector<16xf32> to vector<16xf32>
    tpu.vector_store %arg6[%swap3A_193], %swap3A_196 {strides = array<i32>} : memref<640xf32, #tpu.memory_space<vmem>>, vector<16xf32>,
    %broadcast_in_dim3A_197 = arith.constant 0.000000e+00 : f32
    %broadcast_in_dim3A_198 = vector.broadcast %broadcast_in_dim3A_197 : f32 to vector<16xf32>
    %swap3A_199 = arith.constant 400 : index
    %swap3A_200 = tpu.vector_load %arg6[%swap3A_199] {strides = array<i32>} : memref<640xf32, #tpu.memory_space<vmem>>, vector<16xf32>,
    %swap3A_201 = vector.shape_cast %swap3A_200 : vector<16xf32> to vector<16xf32>
    %swap3A_202 = vector.shape_cast %broadcast_in_dim3A_198 : vector<16xf32> to vector<16xf32>
    tpu.vector_store %arg6[%swap3A_199], %swap3A_202 {strides = array<i32>} : memref<640xf32, #tpu.memory_space<vmem>>, vector<16xf32>,
    %broadcast_in_dim3A_203 = arith.constant 0.000000e+00 : f32
    %broadcast_in_dim3A_204 = vector.broadcast %broadcast_in_dim3A_203 : f32 to vector<16xf32>
    %swap3A_205 = arith.constant 416 : index
    %swap3A_206 = tpu.vector_load %arg6[%swap3A_205] {strides = array<i32>} : memref<640xf32, #tpu.memory_space<vmem>>, vector<16xf32>,
    %swap3A_207 = vector.shape_cast %swap3A_206 : vector<16xf32> to vector<16xf32>
    %swap3A_208 = vector.shape_cast %broadcast_in_dim3A_204 : vector<16xf32> to vector<16xf32>
    tpu.vector_store %arg6[%swap3A_205], %swap3A_208 {strides = array<i32>} : memref<640xf32, #tpu.memory_space<vmem>>, vector<16xf32>,
    %broadcast_in_dim3A_209 = arith.constant 0.000000e+00 : f32
    %broadcast_in_dim3A_210 = vector.broadcast %broadcast_in_dim3A_209 : f32 to vector<16xf32>
    %swap3A_211 = arith.constant 432 : index
    %swap3A_212 = tpu.vector_load %arg6[%swap3A_211] {strides = array<i32>} : memref<640xf32, #tpu.memory_space<vmem>>, vector<16xf32>,
    %swap3A_213 = vector.shape_cast %swap3A_212 : vector<16xf32> to vector<16xf32>
    %swap3A_214 = vector.shape_cast %broadcast_in_dim3A_210 : vector<16xf32> to vector<16xf32>
    tpu.vector_store %arg6[%swap3A_211], %swap3A_214 {strides = array<i32>} : memref<640xf32, #tpu.memory_space<vmem>>, vector<16xf32>,
    %broadcast_in_dim3A_215 = arith.constant 0.000000e+00 : f32
    %broadcast_in_dim3A_216 = vector.broadcast %broadcast_in_dim3A_215 : f32 to vector<16xf32>
    %swap3A_217 = arith.constant 448 : index
    %swap3A_218 = tpu.vector_load %arg6[%swap3A_217] {strides = array<i32>} : memref<640xf32, #tpu.memory_space<vmem>>, vector<16xf32>,
    %swap3A_219 = vector.shape_cast %swap3A_218 : vector<16xf32> to vector<16xf32>
    %swap3A_220 = vector.shape_cast %broadcast_in_dim3A_216 : vector<16xf32> to vector<16xf32>
    tpu.vector_store %arg6[%swap3A_217], %swap3A_220 {strides = array<i32>} : memref<640xf32, #tpu.memory_space<vmem>>, vector<16xf32>,
    %broadcast_in_dim3A_221 = arith.constant 0.000000e+00 : f32
    %broadcast_in_dim3A_222 = vector.broadcast %broadcast_in_dim3A_221 : f32 to vector<16xf32>
    %swap3A_223 = arith.constant 464 : index
    %swap3A_224 = tpu.vector_load %arg6[%swap3A_223] {strides = array<i32>} : memref<640xf32, #tpu.memory_space<vmem>>, vector<16xf32>,
    %swap3A_225 = vector.shape_cast %swap3A_224 : vector<16xf32> to vector<16xf32>
    %swap3A_226 = vector.shape_cast %broadcast_in_dim3A_222 : vector<16xf32> to vector<16xf32>
    tpu.vector_store %arg6[%swap3A_223], %swap3A_226 {strides = array<i32>} : memref<640xf32, #tpu.memory_space<vmem>>, vector<16xf32>,
    %broadcast_in_dim3A_227 = arith.constant 0.000000e+00 : f32
    %broadcast_in_dim3A_228 = vector.broadcast %broadcast_in_dim3A_227 : f32 to vector<16xf32>
    %swap3A_229 = arith.constant 480 : index
    %swap3A_230 = tpu.vector_load %arg6[%swap3A_229] {strides = array<i32>} : memref<640xf32, #tpu.memory_space<vmem>>, vector<16xf32>,
    %swap3A_231 = vector.shape_cast %swap3A_230 : vector<16xf32> to vector<16xf32>
    %swap3A_232 = vector.shape_cast %broadcast_in_dim3A_228 : vector<16xf32> to vector<16xf32>
    tpu.vector_store %arg6[%swap3A_229], %swap3A_232 {strides = array<i32>} : memref<640xf32, #tpu.memory_space<vmem>>, vector<16xf32>,
    %broadcast_in_dim3A_233 = arith.constant 0.000000e+00 : f32
    %broadcast_in_dim3A_234 = vector.broadcast %broadcast_in_dim3A_233 : f32 to vector<16xf32>
    %swap3A_235 = arith.constant 496 : index
    %swap3A_236 = tpu.vector_load %arg6[%swap3A_235] {strides = array<i32>} : memref<640xf32, #tpu.memory_space<vmem>>, vector<16xf32>,
    %swap3A_237 = vector.shape_cast %swap3A_236 : vector<16xf32> to vector<16xf32>
    %swap3A_238 = vector.shape_cast %broadcast_in_dim3A_234 : vector<16xf32> to vector<16xf32>
    tpu.vector_store %arg6[%swap3A_235], %swap3A_238 {strides = array<i32>} : memref<640xf32, #tpu.memory_space<vmem>>, vector<16xf32>,
    %broadcast_in_dim3A_239 = arith.constant 0.000000e+00 : f32
    %broadcast_in_dim3A_240 = vector.broadcast %broadcast_in_dim3A_239 : f32 to vector<16xf32>
    %swap3A_241 = arith.constant 512 : index
    %swap3A_242 = tpu.vector_load %arg6[%swap3A_241] {strides = array<i32>} : memref<640xf32, #tpu.memory_space<vmem>>, vector<16xf32>,
    %swap3A_243 = vector.shape_cast %swap3A_242 : vector<16xf32> to vector<16xf32>
    %swap3A_244 = vector.shape_cast %broadcast_in_dim3A_240 : vector<16xf32> to vector<16xf32>
    tpu.vector_store %arg6[%swap3A_241], %swap3A_244 {strides = array<i32>} : memref<640xf32, #tpu.memory_space<vmem>>, vector<16xf32>,
    %broadcast_in_dim3A_245 = arith.constant 0.000000e+00 : f32
    %broadcast_in_dim3A_246 = vector.broadcast %broadcast_in_dim3A_245 : f32 to vector<16xf32>
    %swap3A_247 = arith.constant 528 : index
    %swap3A_248 = tpu.vector_load %arg6[%swap3A_247] {strides = array<i32>} : memref<640xf32, #tpu.memory_space<vmem>>, vector<16xf32>,
    %swap3A_249 = vector.shape_cast %swap3A_248 : vector<16xf32> to vector<16xf32>
    %swap3A_250 = vector.shape_cast %broadcast_in_dim3A_246 : vector<16xf32> to vector<16xf32>
    tpu.vector_store %arg6[%swap3A_247], %swap3A_250 {strides = array<i32>} : memref<640xf32, #tpu.memory_space<vmem>>, vector<16xf32>,
    %broadcast_in_dim3A_251 = arith.constant 0.000000e+00 : f32
    %broadcast_in_dim3A_252 = vector.broadcast %broadcast_in_dim3A_251 : f32 to vector<16xf32>
    %swap3A_253 = arith.constant 544 : index
    %swap3A_254 = tpu.vector_load %arg6[%swap3A_253] {strides = array<i32>} : memref<640xf32, #tpu.memory_space<vmem>>, vector<16xf32>,
    %swap3A_255 = vector.shape_cast %swap3A_254 : vector<16xf32> to vector<16xf32>
    %swap3A_256 = vector.shape_cast %broadcast_in_dim3A_252 : vector<16xf32> to vector<16xf32>
    tpu.vector_store %arg6[%swap3A_253], %swap3A_256 {strides = array<i32>} : memref<640xf32, #tpu.memory_space<vmem>>, vector<16xf32>,
    %broadcast_in_dim3A_257 = arith.constant 0.000000e+00 : f32
    %broadcast_in_dim3A_258 = vector.broadcast %broadcast_in_dim3A_257 : f32 to vector<16xf32>
    %swap3A_259 = arith.constant 560 : index
    %swap3A_260 = tpu.vector_load %arg6[%swap3A_259] {strides = array<i32>} : memref<640xf32, #tpu.memory_space<vmem>>, vector<16xf32>,
    %swap3A_261 = vector.shape_cast %swap3A_260 : vector<16xf32> to vector<16xf32>
    %swap3A_262 = vector.shape_cast %broadcast_in_dim3A_258 : vector<16xf32> to vector<16xf32>
    tpu.vector_store %arg6[%swap3A_259], %swap3A_262 {strides = array<i32>} : memref<640xf32, #tpu.memory_space<vmem>>, vector<16xf32>,
    %broadcast_in_dim3A_263 = arith.constant 0.000000e+00 : f32
    %broadcast_in_dim3A_264 = vector.broadcast %broadcast_in_dim3A_263 : f32 to vector<16xf32>
    %swap3A_265 = arith.constant 576 : index
    %swap3A_266 = tpu.vector_load %arg6[%swap3A_265] {strides = array<i32>} : memref<640xf32, #tpu.memory_space<vmem>>, vector<16xf32>,
    %swap3A_267 = vector.shape_cast %swap3A_266 : vector<16xf32> to vector<16xf32>
    %swap3A_268 = vector.shape_cast %broadcast_in_dim3A_264 : vector<16xf32> to vector<16xf32>
    tpu.vector_store %arg6[%swap3A_265], %swap3A_268 {strides = array<i32>} : memref<640xf32, #tpu.memory_space<vmem>>, vector<16xf32>,
    %broadcast_in_dim3A_269 = arith.constant 0.000000e+00 : f32
    %broadcast_in_dim3A_270 = vector.broadcast %broadcast_in_dim3A_269 : f32 to vector<16xf32>
    %swap3A_271 = arith.constant 592 : index
    %swap3A_272 = tpu.vector_load %arg6[%swap3A_271] {strides = array<i32>} : memref<640xf32, #tpu.memory_space<vmem>>, vector<16xf32>,
    %swap3A_273 = vector.shape_cast %swap3A_272 : vector<16xf32> to vector<16xf32>
    %swap3A_274 = vector.shape_cast %broadcast_in_dim3A_270 : vector<16xf32> to vector<16xf32>
    tpu.vector_store %arg6[%swap3A_271], %swap3A_274 {strides = array<i32>} : memref<640xf32, #tpu.memory_space<vmem>>, vector<16xf32>,
    %broadcast_in_dim3A_275 = arith.constant 0.000000e+00 : f32
    %broadcast_in_dim3A_276 = vector.broadcast %broadcast_in_dim3A_275 : f32 to vector<16xf32>
    %swap3A_277 = arith.constant 608 : index
    %swap3A_278 = tpu.vector_load %arg6[%swap3A_277] {strides = array<i32>} : memref<640xf32, #tpu.memory_space<vmem>>, vector<16xf32>,
    %swap3A_279 = vector.shape_cast %swap3A_278 : vector<16xf32> to vector<16xf32>
    %swap3A_280 = vector.shape_cast %broadcast_in_dim3A_276 : vector<16xf32> to vector<16xf32>
    tpu.vector_store %arg6[%swap3A_277], %swap3A_280 {strides = array<i32>} : memref<640xf32, #tpu.memory_space<vmem>>, vector<16xf32>,
    %broadcast_in_dim3A_281 = arith.constant 0.000000e+00 : f32
    %broadcast_in_dim3A_282 = vector.broadcast %broadcast_in_dim3A_281 : f32 to vector<16xf32>
    %swap3A_283 = arith.constant 624 : index
    %swap3A_284 = tpu.vector_load %arg6[%swap3A_283] {strides = array<i32>} : memref<640xf32, #tpu.memory_space<vmem>>, vector<16xf32>,
    %swap3A_285 = vector.shape_cast %swap3A_284 : vector<16xf32> to vector<16xf32>
    %swap3A_286 = vector.shape_cast %broadcast_in_dim3A_282 : vector<16xf32> to vector<16xf32>
    tpu.vector_store %arg6[%swap3A_283], %swap3A_286 {strides = array<i32>} : memref<640xf32, #tpu.memory_space<vmem>>, vector<16xf32>,
    %mul3A_287 = arith.constant 640 : i32
    %mul3A_288 = arith.muli %arg1, %mul3A_287 : i32
    "tpu.region"() ({
      %run_scoped3A = tpu.sem_alloc : memref<!tpu.dma_semaphore, #tpu.memory_space<semaphore_mem>>
      %dma_start3A = tpu.memref_slice %arg7[%mul3A_288] : memref<10240xf32, #tpu.memory_space<vmem_shared>> -> memref<640xf32, #tpu.memory_space<vmem_shared>>
      %dma_start3A_299 = tpu.memref_slice %arg7[%mul3A_288] : memref<10240xf32, #tpu.memory_space<vmem_shared>> -> memref<640xf32, #tpu.memory_space<vmem_shared>>
      tpu.enqueue_dma source(%arg6 : memref<640xf32, #tpu.memory_space<vmem>>) target(%dma_start3A_299 : memref<640xf32, #tpu.memory_space<vmem_shared>>) target_semaphore(%run_scoped3A : memref<!tpu.dma_semaphore, #tpu.memory_space<semaphore_mem>>)
      %dma_wait3A = tpu.memref_slice %arg7[%mul3A_288] : memref<10240xf32, #tpu.memory_space<vmem_shared>> -> memref<640xf32, #tpu.memory_space<vmem_shared>>
      %dma_wait3A_300 = tpu.memref_slice %arg7[%mul3A_288] : memref<10240xf32, #tpu.memory_space<vmem_shared>> -> memref<640xf32, #tpu.memory_space<vmem_shared>>
      tpu.wait_dma2 semaphore(%run_scoped3A : memref<!tpu.dma_semaphore, #tpu.memory_space<semaphore_mem>>) src(%arg6 : memref<640xf32, #tpu.memory_space<vmem>>) dst(%dma_wait3A_300 : memref<640xf32, #tpu.memory_space<vmem_shared>>)
      tpu.yield
    }) : () -> ()
    %barrier3A = arith.constant 0 : index
    tpu.barrier barrier_id(%barrier3A)
    %scan3A = arith.constant 0 : i32
    %scan3A_289 = arith.constant 0 : i32
    %scan3A_290 = arith.constant 80 : i32
    %scan3A_291 = arith.addi %scan3A_289, %scan3A_290 : i32
    %scan3A_292 = arith.constant 1 : i32
    scf.for %scan3A_299 = %scan3A_289 to %scan3A_291 step %scan3A_292  : i32 {
      "tpu.region"() ({
        %run_scoped3A = tpu.sem_alloc : memref<!tpu.dma_semaphore, #tpu.memory_space<semaphore_mem>>
        %dma_start3A = arith.constant 0 : i32
        %dma_start3A_300 = tpu.memref_slice %arg4[%scan3A_299, %dma_start3A] : memref<80x128xi32, #tpu.memory_space<vmem>> -> memref<1x128xi32, #tpu.memory_space<vmem>>
        %dma_start3A_301 = tpu.memref_squeeze %dma_start3A_300 : memref<1x128xi32, #tpu.memory_space<vmem>> -> memref<128xi32, #tpu.memory_space<vmem>>
        %dma_start3A_302 = arith.constant 0 : i32
        %dma_start3A_303 = tpu.memref_slice %arg7[%dma_start3A_302] : memref<10240xf32, #tpu.memory_space<vmem_shared>> -> memref<10240xf32, #tpu.memory_space<vmem_shared>>
        tpu.enqueue_indirect_dma source(%arg5 : memref<128xf32, #tpu.memory_space<vmem>>) target(%dma_start3A_303 : memref<10240xf32, #tpu.memory_space<vmem_shared>>) offsets(%dma_start3A_301 : memref<128xi32, #tpu.memory_space<vmem>>) semaphore(%run_scoped3A : memref<!tpu.dma_semaphore, #tpu.memory_space<semaphore_mem>>) {add = true}
        %dma_wait3A = arith.constant 0 : i32
        %dma_wait3A_304 = tpu.memref_slice %arg4[%scan3A_299, %dma_wait3A] : memref<80x128xi32, #tpu.memory_space<vmem>> -> memref<1x128xi32, #tpu.memory_space<vmem>>
        %dma_wait3A_305 = tpu.memref_squeeze %dma_wait3A_304 : memref<1x128xi32, #tpu.memory_space<vmem>> -> memref<128xi32, #tpu.memory_space<vmem>>
        %dma_wait3A_306 = arith.constant 0 : i32
        %dma_wait3A_307 = tpu.memref_slice %arg7[%dma_wait3A_306] : memref<10240xf32, #tpu.memory_space<vmem_shared>> -> memref<10240xf32, #tpu.memory_space<vmem_shared>>
        tpu.wait_indirect_dma semaphore(%run_scoped3A : memref<!tpu.dma_semaphore, #tpu.memory_space<semaphore_mem>>) src(%arg5 : memref<128xf32, #tpu.memory_space<vmem>>) dst(%dma_wait3A_307 : memref<10240xf32, #tpu.memory_space<vmem_shared>>)
        tpu.yield
      }) : () -> ()
    }
    %scan3A_293 = arith.constant 80 : i32
    %barrier3A_294 = arith.constant 0 : index
    tpu.barrier barrier_id(%barrier3A_294)
    %mul3A_295 = arith.constant 640 : i32
    %mul3A_296 = arith.muli %arg1, %mul3A_295 : i32
    %mul3A_297 = arith.constant 640 : i32
    %mul3A_298 = arith.muli %arg1, %mul3A_297 : i32
    "tpu.region"() ({
      %run_scoped3A = tpu.sem_alloc : memref<!tpu.dma_semaphore, #tpu.memory_space<semaphore_mem>>
      %dma_start3A = tpu.memref_slice %arg3[%arg0, %mul3A_298] : memref<2x10240xf32, #tpu.memory_space<hbm>> -> memref<1x640xf32, #tpu.memory_space<hbm>>
      %dma_start3A_299 = tpu.memref_squeeze %dma_start3A : memref<1x640xf32, #tpu.memory_space<hbm>> -> memref<640xf32, #tpu.memory_space<hbm>>
      %dma_start3A_300 = tpu.memref_slice %arg7[%mul3A_296] : memref<10240xf32, #tpu.memory_space<vmem_shared>> -> memref<640xf32, #tpu.memory_space<vmem_shared>>
      tpu.enqueue_dma source(%dma_start3A_300 : memref<640xf32, #tpu.memory_space<vmem_shared>>) target(%dma_start3A_299 : memref<640xf32, #tpu.memory_space<hbm>>) target_semaphore(%run_scoped3A : memref<!tpu.dma_semaphore, #tpu.memory_space<semaphore_mem>>)
      %dma_wait3A = tpu.memref_slice %arg3[%arg0, %mul3A_298] : memref<2x10240xf32, #tpu.memory_space<hbm>> -> memref<1x640xf32, #tpu.memory_space<hbm>>
      %dma_wait3A_301 = tpu.memref_squeeze %dma_wait3A : memref<1x640xf32, #tpu.memory_space<hbm>> -> memref<640xf32, #tpu.memory_space<hbm>>
      %dma_wait3A_302 = tpu.memref_slice %arg7[%mul3A_296] : memref<10240xf32, #tpu.memory_space<vmem_shared>> -> memref<640xf32, #tpu.memory_space<vmem_shared>>
      tpu.wait_dma2 semaphore(%run_scoped3A : memref<!tpu.dma_semaphore, #tpu.memory_space<semaphore_mem>>) src(%dma_wait3A_302 : memref<640xf32, #tpu.memory_space<vmem_shared>>) dst(%dma_wait3A_301 : memref<640xf32, #tpu.memory_space<hbm>>)
      tpu.yield
    }) : () -> ()
    return
  }
}

#map = affine_map<(d0, d1) -> (0, 0)>
#map1 = affine_map<(d0, d1) -> (0, 0, 0)>
module attributes {stable_mosaic.version = 14 : i64} {
  func.func @_msg_body(%arg0: i32, %arg1: i32, %arg2: memref<2560x128xi32, #tpu.memory_space<hbm>>, %arg3: memref<2560x128xi32, #tpu.memory_space<hbm>>, %arg4: memref<10000x128xf32, #tpu.memory_space<hbm>>, %arg5: memref<2x10240x128xf32, #tpu.memory_space<hbm>>, %arg6: memref<4x128xi32, #tpu.memory_space<vmem>>, %arg7: memref<4x128xi32, #tpu.memory_space<vmem>>, %arg8: memref<2x128x128xf32, #tpu.memory_space<vmem>>, %arg9: memref<10240x128xf32, #tpu.memory_space<vmem_shared>>, %arg10: memref<4x!tpu.dma_semaphore, #tpu.memory_space<semaphore_mem>>, %arg11: memref<2x!tpu.dma_semaphore, #tpu.memory_space<semaphore_mem>>, %arg12: memref<2x!tpu.dma_semaphore, #tpu.memory_space<semaphore_mem>>) attributes {dimension_semantics = [#tpu.dimension_semantics<core_parallel>, #tpu.dimension_semantics<subcore_parallel>], iteration_bounds = array<i64: 2, 16>, scalar_prefetch = 0 : i64, scratch_operands = 7 : i64, tpu.core_type = #tpu.core_type<sc_vector_subcore>, window_params = [{transform_indices = #map}, {transform_indices = #map}, {transform_indices = #map}, {transform_indices = #map1}]} {
    %eq3A = arith.constant 0 : i32
    %eq3A_0 = arith.cmpi eq, %arg0, %eq3A : i32
    %mul3A = arith.constant 80 : i32
    %mul3A_1 = arith.muli %arg1, %mul3A : i32
    %mul3A_2 = arith.constant 80 : i32
    %mul3A_3 = arith.muli %arg1, %mul3A_2 : i32
    %add3A = arith.constant 1280 : i32
    %add3A_4 = arith.addi %add3A, %mul3A_3 : i32
    %select_n3A = arith.select %eq3A_0, %mul3A_1, %add3A_4 : i32
    %eq3A_5 = arith.constant 0 : i32
    %eq3A_6 = arith.cmpi eq, %arg0, %eq3A_5 : i32
    %jit3A = arith.constant 80 : i32
    %jit3A_7 = arith.constant 80 : i32
    %select_n3A_8 = arith.select %eq3A_6, %jit3A, %jit3A_7 : i32
    %scan3A = arith.constant 0 : i32
    %scan3A_9 = arith.constant 0 : i32
    %scan3A_10 = arith.constant 128 : i32
    %scan3A_11 = arith.addi %scan3A_9, %scan3A_10 : i32
    %scan3A_12 = arith.constant 1 : i32
    scf.for %scan3A_77 = %scan3A_9 to %scan3A_11 step %scan3A_12  : i32 {
      %broadcast_in_dim3A = arith.constant 0.000000e+00 : f32
      %broadcast_in_dim3A_78 = vector.broadcast %broadcast_in_dim3A : f32 to vector<16xf32>
      %swap3A = arith.constant 0 : i32
      %swap3A_79 = arith.index_cast %swap3A : i32 to index
      %swap3A_80 = arith.index_cast %scan3A_77 : i32 to index
      %swap3A_81 = arith.constant 0 : index
      %swap3A_82 = tpu.vector_load %arg8[%swap3A_79, %swap3A_80, %swap3A_81] {strides = array<i32>} : memref<2x128x128xf32, #tpu.memory_space<vmem>>, vector<1x1x16xf32>,
      %swap3A_83 = vector.shape_cast %swap3A_82 : vector<1x1x16xf32> to vector<16xf32>
      %swap3A_84 = vector.shape_cast %broadcast_in_dim3A_78 : vector<16xf32> to vector<1x1x16xf32>
      tpu.vector_store %arg8[%swap3A_79, %swap3A_80, %swap3A_81], %swap3A_84 {strides = array<i32>} : memref<2x128x128xf32, #tpu.memory_space<vmem>>, vector<1x1x16xf32>,
      %broadcast_in_dim3A_85 = arith.constant 0.000000e+00 : f32
      %broadcast_in_dim3A_86 = vector.broadcast %broadcast_in_dim3A_85 : f32 to vector<16xf32>
      %swap3A_87 = arith.constant 0 : i32
      %swap3A_88 = arith.index_cast %swap3A_87 : i32 to index
      %swap3A_89 = arith.index_cast %scan3A_77 : i32 to index
      %swap3A_90 = arith.constant 16 : index
      %swap3A_91 = tpu.vector_load %arg8[%swap3A_88, %swap3A_89, %swap3A_90] {strides = array<i32>} : memref<2x128x128xf32, #tpu.memory_space<vmem>>, vector<1x1x16xf32>,
      %swap3A_92 = vector.shape_cast %swap3A_91 : vector<1x1x16xf32> to vector<16xf32>
      %swap3A_93 = vector.shape_cast %broadcast_in_dim3A_86 : vector<16xf32> to vector<1x1x16xf32>
      tpu.vector_store %arg8[%swap3A_88, %swap3A_89, %swap3A_90], %swap3A_93 {strides = array<i32>} : memref<2x128x128xf32, #tpu.memory_space<vmem>>, vector<1x1x16xf32>,
      %broadcast_in_dim3A_94 = arith.constant 0.000000e+00 : f32
      %broadcast_in_dim3A_95 = vector.broadcast %broadcast_in_dim3A_94 : f32 to vector<16xf32>
      %swap3A_96 = arith.constant 0 : i32
      %swap3A_97 = arith.index_cast %swap3A_96 : i32 to index
      %swap3A_98 = arith.index_cast %scan3A_77 : i32 to index
      %swap3A_99 = arith.constant 32 : index
      %swap3A_100 = tpu.vector_load %arg8[%swap3A_97, %swap3A_98, %swap3A_99] {strides = array<i32>} : memref<2x128x128xf32, #tpu.memory_space<vmem>>, vector<1x1x16xf32>,
      %swap3A_101 = vector.shape_cast %swap3A_100 : vector<1x1x16xf32> to vector<16xf32>
      %swap3A_102 = vector.shape_cast %broadcast_in_dim3A_95 : vector<16xf32> to vector<1x1x16xf32>
      tpu.vector_store %arg8[%swap3A_97, %swap3A_98, %swap3A_99], %swap3A_102 {strides = array<i32>} : memref<2x128x128xf32, #tpu.memory_space<vmem>>, vector<1x1x16xf32>,
      %broadcast_in_dim3A_103 = arith.constant 0.000000e+00 : f32
      %broadcast_in_dim3A_104 = vector.broadcast %broadcast_in_dim3A_103 : f32 to vector<16xf32>
      %swap3A_105 = arith.constant 0 : i32
      %swap3A_106 = arith.index_cast %swap3A_105 : i32 to index
      %swap3A_107 = arith.index_cast %scan3A_77 : i32 to index
      %swap3A_108 = arith.constant 48 : index
      %swap3A_109 = tpu.vector_load %arg8[%swap3A_106, %swap3A_107, %swap3A_108] {strides = array<i32>} : memref<2x128x128xf32, #tpu.memory_space<vmem>>, vector<1x1x16xf32>,
      %swap3A_110 = vector.shape_cast %swap3A_109 : vector<1x1x16xf32> to vector<16xf32>
      %swap3A_111 = vector.shape_cast %broadcast_in_dim3A_104 : vector<16xf32> to vector<1x1x16xf32>
      tpu.vector_store %arg8[%swap3A_106, %swap3A_107, %swap3A_108], %swap3A_111 {strides = array<i32>} : memref<2x128x128xf32, #tpu.memory_space<vmem>>, vector<1x1x16xf32>,
      %broadcast_in_dim3A_112 = arith.constant 0.000000e+00 : f32
      %broadcast_in_dim3A_113 = vector.broadcast %broadcast_in_dim3A_112 : f32 to vector<16xf32>
      %swap3A_114 = arith.constant 0 : i32
      %swap3A_115 = arith.index_cast %swap3A_114 : i32 to index
      %swap3A_116 = arith.index_cast %scan3A_77 : i32 to index
      %swap3A_117 = arith.constant 64 : index
      %swap3A_118 = tpu.vector_load %arg8[%swap3A_115, %swap3A_116, %swap3A_117] {strides = array<i32>} : memref<2x128x128xf32, #tpu.memory_space<vmem>>, vector<1x1x16xf32>,
      %swap3A_119 = vector.shape_cast %swap3A_118 : vector<1x1x16xf32> to vector<16xf32>
      %swap3A_120 = vector.shape_cast %broadcast_in_dim3A_113 : vector<16xf32> to vector<1x1x16xf32>
      tpu.vector_store %arg8[%swap3A_115, %swap3A_116, %swap3A_117], %swap3A_120 {strides = array<i32>} : memref<2x128x128xf32, #tpu.memory_space<vmem>>, vector<1x1x16xf32>,
      %broadcast_in_dim3A_121 = arith.constant 0.000000e+00 : f32
      %broadcast_in_dim3A_122 = vector.broadcast %broadcast_in_dim3A_121 : f32 to vector<16xf32>
      %swap3A_123 = arith.constant 0 : i32
      %swap3A_124 = arith.index_cast %swap3A_123 : i32 to index
      %swap3A_125 = arith.index_cast %scan3A_77 : i32 to index
      %swap3A_126 = arith.constant 80 : index
      %swap3A_127 = tpu.vector_load %arg8[%swap3A_124, %swap3A_125, %swap3A_126] {strides = array<i32>} : memref<2x128x128xf32, #tpu.memory_space<vmem>>, vector<1x1x16xf32>,
      %swap3A_128 = vector.shape_cast %swap3A_127 : vector<1x1x16xf32> to vector<16xf32>
      %swap3A_129 = vector.shape_cast %broadcast_in_dim3A_122 : vector<16xf32> to vector<1x1x16xf32>
      tpu.vector_store %arg8[%swap3A_124, %swap3A_125, %swap3A_126], %swap3A_129 {strides = array<i32>} : memref<2x128x128xf32, #tpu.memory_space<vmem>>, vector<1x1x16xf32>,
      %broadcast_in_dim3A_130 = arith.constant 0.000000e+00 : f32
      %broadcast_in_dim3A_131 = vector.broadcast %broadcast_in_dim3A_130 : f32 to vector<16xf32>
      %swap3A_132 = arith.constant 0 : i32
      %swap3A_133 = arith.index_cast %swap3A_132 : i32 to index
      %swap3A_134 = arith.index_cast %scan3A_77 : i32 to index
      %swap3A_135 = arith.constant 96 : index
      %swap3A_136 = tpu.vector_load %arg8[%swap3A_133, %swap3A_134, %swap3A_135] {strides = array<i32>} : memref<2x128x128xf32, #tpu.memory_space<vmem>>, vector<1x1x16xf32>,
      %swap3A_137 = vector.shape_cast %swap3A_136 : vector<1x1x16xf32> to vector<16xf32>
      %swap3A_138 = vector.shape_cast %broadcast_in_dim3A_131 : vector<16xf32> to vector<1x1x16xf32>
      tpu.vector_store %arg8[%swap3A_133, %swap3A_134, %swap3A_135], %swap3A_138 {strides = array<i32>} : memref<2x128x128xf32, #tpu.memory_space<vmem>>, vector<1x1x16xf32>,
      %broadcast_in_dim3A_139 = arith.constant 0.000000e+00 : f32
      %broadcast_in_dim3A_140 = vector.broadcast %broadcast_in_dim3A_139 : f32 to vector<16xf32>
      %swap3A_141 = arith.constant 0 : i32
      %swap3A_142 = arith.index_cast %swap3A_141 : i32 to index
      %swap3A_143 = arith.index_cast %scan3A_77 : i32 to index
      %swap3A_144 = arith.constant 112 : index
      %swap3A_145 = tpu.vector_load %arg8[%swap3A_142, %swap3A_143, %swap3A_144] {strides = array<i32>} : memref<2x128x128xf32, #tpu.memory_space<vmem>>, vector<1x1x16xf32>,
      %swap3A_146 = vector.shape_cast %swap3A_145 : vector<1x1x16xf32> to vector<16xf32>
      %swap3A_147 = vector.shape_cast %broadcast_in_dim3A_140 : vector<16xf32> to vector<1x1x16xf32>
      tpu.vector_store %arg8[%swap3A_142, %swap3A_143, %swap3A_144], %swap3A_147 {strides = array<i32>} : memref<2x128x128xf32, #tpu.memory_space<vmem>>, vector<1x1x16xf32>,
    }
    %scan3A_13 = arith.constant 128 : i32
    %mul3A_14 = arith.constant 640 : i32
    %mul3A_15 = arith.muli %arg1, %mul3A_14 : i32
    %add3A_16 = arith.constant 0 : i32
    %add3A_17 = arith.addi %mul3A_15, %add3A_16 : i32
    %run_scoped3A = arith.constant 0 : i32
    "tpu.region"() ({
      %run_scoped3A_77 = tpu.sem_alloc : memref<!tpu.dma_semaphore, #tpu.memory_space<semaphore_mem>>
      %dma_start3A = arith.constant 0 : i32
      %dma_start3A_78 = arith.constant 0 : i32
      %dma_start3A_79 = tpu.memref_slice %arg8[%run_scoped3A, %dma_start3A, %dma_start3A_78] : memref<2x128x128xf32, #tpu.memory_space<vmem>> -> memref<1x128x128xf32, #tpu.memory_space<vmem>>
      %dma_start3A_80 = tpu.memref_squeeze %dma_start3A_79 : memref<1x128x128xf32, #tpu.memory_space<vmem>> -> memref<128x128xf32, #tpu.memory_space<vmem>>
      %dma_start3A_81 = arith.constant 0 : i32
      %dma_start3A_82 = tpu.memref_slice %arg9[%add3A_17, %dma_start3A_81] : memref<10240x128xf32, #tpu.memory_space<vmem_shared>> -> memref<128x128xf32, #tpu.memory_space<vmem_shared>>
      %dma_start3A_83 = arith.constant 0 : i32
      %dma_start3A_84 = tpu.memref_slice %arg9[%add3A_17, %dma_start3A_83] : memref<10240x128xf32, #tpu.memory_space<vmem_shared>> -> memref<128x128xf32, #tpu.memory_space<vmem_shared>>
      %dma_start3A_85 = arith.constant 0 : i32
      %dma_start3A_86 = arith.constant 0 : i32
      %dma_start3A_87 = tpu.memref_slice %arg8[%run_scoped3A, %dma_start3A_85, %dma_start3A_86] : memref<2x128x128xf32, #tpu.memory_space<vmem>> -> memref<1x128x128xf32, #tpu.memory_space<vmem>>
      %dma_start3A_88 = tpu.memref_squeeze %dma_start3A_87 : memref<1x128x128xf32, #tpu.memory_space<vmem>> -> memref<128x128xf32, #tpu.memory_space<vmem>>
      tpu.enqueue_dma source(%dma_start3A_88 : memref<128x128xf32, #tpu.memory_space<vmem>>) target(%dma_start3A_84 : memref<128x128xf32, #tpu.memory_space<vmem_shared>>) target_semaphore(%run_scoped3A_77 : memref<!tpu.dma_semaphore, #tpu.memory_space<semaphore_mem>>)
      %dma_wait3A = arith.constant 0 : i32
      %dma_wait3A_89 = arith.constant 0 : i32
      %dma_wait3A_90 = tpu.memref_slice %arg8[%run_scoped3A, %dma_wait3A, %dma_wait3A_89] : memref<2x128x128xf32, #tpu.memory_space<vmem>> -> memref<1x128x128xf32, #tpu.memory_space<vmem>>
      %dma_wait3A_91 = tpu.memref_squeeze %dma_wait3A_90 : memref<1x128x128xf32, #tpu.memory_space<vmem>> -> memref<128x128xf32, #tpu.memory_space<vmem>>
      %dma_wait3A_92 = arith.constant 0 : i32
      %dma_wait3A_93 = tpu.memref_slice %arg9[%add3A_17, %dma_wait3A_92] : memref<10240x128xf32, #tpu.memory_space<vmem_shared>> -> memref<128x128xf32, #tpu.memory_space<vmem_shared>>
      %dma_wait3A_94 = arith.constant 0 : i32
      %dma_wait3A_95 = tpu.memref_slice %arg9[%add3A_17, %dma_wait3A_94] : memref<10240x128xf32, #tpu.memory_space<vmem_shared>> -> memref<128x128xf32, #tpu.memory_space<vmem_shared>>
      %dma_wait3A_96 = arith.constant 0 : i32
      %dma_wait3A_97 = arith.constant 0 : i32
      %dma_wait3A_98 = tpu.memref_slice %arg8[%run_scoped3A, %dma_wait3A_96, %dma_wait3A_97] : memref<2x128x128xf32, #tpu.memory_space<vmem>> -> memref<1x128x128xf32, #tpu.memory_space<vmem>>
      %dma_wait3A_99 = tpu.memref_squeeze %dma_wait3A_98 : memref<1x128x128xf32, #tpu.memory_space<vmem>> -> memref<128x128xf32, #tpu.memory_space<vmem>>
      tpu.wait_dma2 semaphore(%run_scoped3A_77 : memref<!tpu.dma_semaphore, #tpu.memory_space<semaphore_mem>>) src(%dma_wait3A_99 : memref<128x128xf32, #tpu.memory_space<vmem>>) dst(%dma_wait3A_95 : memref<128x128xf32, #tpu.memory_space<vmem_shared>>)
      tpu.yield
    }) : () -> ()
    %mul3A_18 = arith.constant 640 : i32
    %mul3A_19 = arith.muli %arg1, %mul3A_18 : i32
    %add3A_20 = arith.constant 128 : i32
    %add3A_21 = arith.addi %mul3A_19, %add3A_20 : i32
    %run_scoped3A_22 = arith.constant 0 : i32
    "tpu.region"() ({
      %run_scoped3A_77 = tpu.sem_alloc : memref<!tpu.dma_semaphore, #tpu.memory_space<semaphore_mem>>
      %dma_start3A = arith.constant 0 : i32
      %dma_start3A_78 = arith.constant 0 : i32
      %dma_start3A_79 = tpu.memref_slice %arg8[%run_scoped3A_22, %dma_start3A, %dma_start3A_78] : memref<2x128x128xf32, #tpu.memory_space<vmem>> -> memref<1x128x128xf32, #tpu.memory_space<vmem>>
      %dma_start3A_80 = tpu.memref_squeeze %dma_start3A_79 : memref<1x128x128xf32, #tpu.memory_space<vmem>> -> memref<128x128xf32, #tpu.memory_space<vmem>>
      %dma_start3A_81 = arith.constant 0 : i32
      %dma_start3A_82 = tpu.memref_slice %arg9[%add3A_21, %dma_start3A_81] : memref<10240x128xf32, #tpu.memory_space<vmem_shared>> -> memref<128x128xf32, #tpu.memory_space<vmem_shared>>
      %dma_start3A_83 = arith.constant 0 : i32
      %dma_start3A_84 = tpu.memref_slice %arg9[%add3A_21, %dma_start3A_83] : memref<10240x128xf32, #tpu.memory_space<vmem_shared>> -> memref<128x128xf32, #tpu.memory_space<vmem_shared>>
      %dma_start3A_85 = arith.constant 0 : i32
      %dma_start3A_86 = arith.constant 0 : i32
      %dma_start3A_87 = tpu.memref_slice %arg8[%run_scoped3A_22, %dma_start3A_85, %dma_start3A_86] : memref<2x128x128xf32, #tpu.memory_space<vmem>> -> memref<1x128x128xf32, #tpu.memory_space<vmem>>
      %dma_start3A_88 = tpu.memref_squeeze %dma_start3A_87 : memref<1x128x128xf32, #tpu.memory_space<vmem>> -> memref<128x128xf32, #tpu.memory_space<vmem>>
      tpu.enqueue_dma source(%dma_start3A_88 : memref<128x128xf32, #tpu.memory_space<vmem>>) target(%dma_start3A_84 : memref<128x128xf32, #tpu.memory_space<vmem_shared>>) target_semaphore(%run_scoped3A_77 : memref<!tpu.dma_semaphore, #tpu.memory_space<semaphore_mem>>)
      %dma_wait3A = arith.constant 0 : i32
      %dma_wait3A_89 = arith.constant 0 : i32
      %dma_wait3A_90 = tpu.memref_slice %arg8[%run_scoped3A_22, %dma_wait3A, %dma_wait3A_89] : memref<2x128x128xf32, #tpu.memory_space<vmem>> -> memref<1x128x128xf32, #tpu.memory_space<vmem>>
      %dma_wait3A_91 = tpu.memref_squeeze %dma_wait3A_90 : memref<1x128x128xf32, #tpu.memory_space<vmem>> -> memref<128x128xf32, #tpu.memory_space<vmem>>
      %dma_wait3A_92 = arith.constant 0 : i32
      %dma_wait3A_93 = tpu.memref_slice %arg9[%add3A_21, %dma_wait3A_92] : memref<10240x128xf32, #tpu.memory_space<vmem_shared>> -> memref<128x128xf32, #tpu.memory_space<vmem_shared>>
      %dma_wait3A_94 = arith.constant 0 : i32
      %dma_wait3A_95 = tpu.memref_slice %arg9[%add3A_21, %dma_wait3A_94] : memref<10240x128xf32, #tpu.memory_space<vmem_shared>> -> memref<128x128xf32, #tpu.memory_space<vmem_shared>>
      %dma_wait3A_96 = arith.constant 0 : i32
      %dma_wait3A_97 = arith.constant 0 : i32
      %dma_wait3A_98 = tpu.memref_slice %arg8[%run_scoped3A_22, %dma_wait3A_96, %dma_wait3A_97] : memref<2x128x128xf32, #tpu.memory_space<vmem>> -> memref<1x128x128xf32, #tpu.memory_space<vmem>>
      %dma_wait3A_99 = tpu.memref_squeeze %dma_wait3A_98 : memref<1x128x128xf32, #tpu.memory_space<vmem>> -> memref<128x128xf32, #tpu.memory_space<vmem>>
      tpu.wait_dma2 semaphore(%run_scoped3A_77 : memref<!tpu.dma_semaphore, #tpu.memory_space<semaphore_mem>>) src(%dma_wait3A_99 : memref<128x128xf32, #tpu.memory_space<vmem>>) dst(%dma_wait3A_95 : memref<128x128xf32, #tpu.memory_space<vmem_shared>>)
      tpu.yield
    }) : () -> ()
    %mul3A_23 = arith.constant 640 : i32
    %mul3A_24 = arith.muli %arg1, %mul3A_23 : i32
    %add3A_25 = arith.constant 256 : i32
    %add3A_26 = arith.addi %mul3A_24, %add3A_25 : i32
    %run_scoped3A_27 = arith.constant 0 : i32
    "tpu.region"() ({
      %run_scoped3A_77 = tpu.sem_alloc : memref<!tpu.dma_semaphore, #tpu.memory_space<semaphore_mem>>
      %dma_start3A = arith.constant 0 : i32
      %dma_start3A_78 = arith.constant 0 : i32
      %dma_start3A_79 = tpu.memref_slice %arg8[%run_scoped3A_27, %dma_start3A, %dma_start3A_78] : memref<2x128x128xf32, #tpu.memory_space<vmem>> -> memref<1x128x128xf32, #tpu.memory_space<vmem>>
      %dma_start3A_80 = tpu.memref_squeeze %dma_start3A_79 : memref<1x128x128xf32, #tpu.memory_space<vmem>> -> memref<128x128xf32, #tpu.memory_space<vmem>>
      %dma_start3A_81 = arith.constant 0 : i32
      %dma_start3A_82 = tpu.memref_slice %arg9[%add3A_26, %dma_start3A_81] : memref<10240x128xf32, #tpu.memory_space<vmem_shared>> -> memref<128x128xf32, #tpu.memory_space<vmem_shared>>
      %dma_start3A_83 = arith.constant 0 : i32
      %dma_start3A_84 = tpu.memref_slice %arg9[%add3A_26, %dma_start3A_83] : memref<10240x128xf32, #tpu.memory_space<vmem_shared>> -> memref<128x128xf32, #tpu.memory_space<vmem_shared>>
      %dma_start3A_85 = arith.constant 0 : i32
      %dma_start3A_86 = arith.constant 0 : i32
      %dma_start3A_87 = tpu.memref_slice %arg8[%run_scoped3A_27, %dma_start3A_85, %dma_start3A_86] : memref<2x128x128xf32, #tpu.memory_space<vmem>> -> memref<1x128x128xf32, #tpu.memory_space<vmem>>
      %dma_start3A_88 = tpu.memref_squeeze %dma_start3A_87 : memref<1x128x128xf32, #tpu.memory_space<vmem>> -> memref<128x128xf32, #tpu.memory_space<vmem>>
      tpu.enqueue_dma source(%dma_start3A_88 : memref<128x128xf32, #tpu.memory_space<vmem>>) target(%dma_start3A_84 : memref<128x128xf32, #tpu.memory_space<vmem_shared>>) target_semaphore(%run_scoped3A_77 : memref<!tpu.dma_semaphore, #tpu.memory_space<semaphore_mem>>)
      %dma_wait3A = arith.constant 0 : i32
      %dma_wait3A_89 = arith.constant 0 : i32
      %dma_wait3A_90 = tpu.memref_slice %arg8[%run_scoped3A_27, %dma_wait3A, %dma_wait3A_89] : memref<2x128x128xf32, #tpu.memory_space<vmem>> -> memref<1x128x128xf32, #tpu.memory_space<vmem>>
      %dma_wait3A_91 = tpu.memref_squeeze %dma_wait3A_90 : memref<1x128x128xf32, #tpu.memory_space<vmem>> -> memref<128x128xf32, #tpu.memory_space<vmem>>
      %dma_wait3A_92 = arith.constant 0 : i32
      %dma_wait3A_93 = tpu.memref_slice %arg9[%add3A_26, %dma_wait3A_92] : memref<10240x128xf32, #tpu.memory_space<vmem_shared>> -> memref<128x128xf32, #tpu.memory_space<vmem_shared>>
      %dma_wait3A_94 = arith.constant 0 : i32
      %dma_wait3A_95 = tpu.memref_slice %arg9[%add3A_26, %dma_wait3A_94] : memref<10240x128xf32, #tpu.memory_space<vmem_shared>> -> memref<128x128xf32, #tpu.memory_space<vmem_shared>>
      %dma_wait3A_96 = arith.constant 0 : i32
      %dma_wait3A_97 = arith.constant 0 : i32
      %dma_wait3A_98 = tpu.memref_slice %arg8[%run_scoped3A_27, %dma_wait3A_96, %dma_wait3A_97] : memref<2x128x128xf32, #tpu.memory_space<vmem>> -> memref<1x128x128xf32, #tpu.memory_space<vmem>>
      %dma_wait3A_99 = tpu.memref_squeeze %dma_wait3A_98 : memref<1x128x128xf32, #tpu.memory_space<vmem>> -> memref<128x128xf32, #tpu.memory_space<vmem>>
      tpu.wait_dma2 semaphore(%run_scoped3A_77 : memref<!tpu.dma_semaphore, #tpu.memory_space<semaphore_mem>>) src(%dma_wait3A_99 : memref<128x128xf32, #tpu.memory_space<vmem>>) dst(%dma_wait3A_95 : memref<128x128xf32, #tpu.memory_space<vmem_shared>>)
      tpu.yield
    }) : () -> ()
    %mul3A_28 = arith.constant 640 : i32
    %mul3A_29 = arith.muli %arg1, %mul3A_28 : i32
    %add3A_30 = arith.constant 384 : i32
    %add3A_31 = arith.addi %mul3A_29, %add3A_30 : i32
    %run_scoped3A_32 = arith.constant 0 : i32
    "tpu.region"() ({
      %run_scoped3A_77 = tpu.sem_alloc : memref<!tpu.dma_semaphore, #tpu.memory_space<semaphore_mem>>
      %dma_start3A = arith.constant 0 : i32
      %dma_start3A_78 = arith.constant 0 : i32
      %dma_start3A_79 = tpu.memref_slice %arg8[%run_scoped3A_32, %dma_start3A, %dma_start3A_78] : memref<2x128x128xf32, #tpu.memory_space<vmem>> -> memref<1x128x128xf32, #tpu.memory_space<vmem>>
      %dma_start3A_80 = tpu.memref_squeeze %dma_start3A_79 : memref<1x128x128xf32, #tpu.memory_space<vmem>> -> memref<128x128xf32, #tpu.memory_space<vmem>>
      %dma_start3A_81 = arith.constant 0 : i32
      %dma_start3A_82 = tpu.memref_slice %arg9[%add3A_31, %dma_start3A_81] : memref<10240x128xf32, #tpu.memory_space<vmem_shared>> -> memref<128x128xf32, #tpu.memory_space<vmem_shared>>
      %dma_start3A_83 = arith.constant 0 : i32
      %dma_start3A_84 = tpu.memref_slice %arg9[%add3A_31, %dma_start3A_83] : memref<10240x128xf32, #tpu.memory_space<vmem_shared>> -> memref<128x128xf32, #tpu.memory_space<vmem_shared>>
      %dma_start3A_85 = arith.constant 0 : i32
      %dma_start3A_86 = arith.constant 0 : i32
      %dma_start3A_87 = tpu.memref_slice %arg8[%run_scoped3A_32, %dma_start3A_85, %dma_start3A_86] : memref<2x128x128xf32, #tpu.memory_space<vmem>> -> memref<1x128x128xf32, #tpu.memory_space<vmem>>
      %dma_start3A_88 = tpu.memref_squeeze %dma_start3A_87 : memref<1x128x128xf32, #tpu.memory_space<vmem>> -> memref<128x128xf32, #tpu.memory_space<vmem>>
      tpu.enqueue_dma source(%dma_start3A_88 : memref<128x128xf32, #tpu.memory_space<vmem>>) target(%dma_start3A_84 : memref<128x128xf32, #tpu.memory_space<vmem_shared>>) target_semaphore(%run_scoped3A_77 : memref<!tpu.dma_semaphore, #tpu.memory_space<semaphore_mem>>)
      %dma_wait3A = arith.constant 0 : i32
      %dma_wait3A_89 = arith.constant 0 : i32
      %dma_wait3A_90 = tpu.memref_slice %arg8[%run_scoped3A_32, %dma_wait3A, %dma_wait3A_89] : memref<2x128x128xf32, #tpu.memory_space<vmem>> -> memref<1x128x128xf32, #tpu.memory_space<vmem>>
      %dma_wait3A_91 = tpu.memref_squeeze %dma_wait3A_90 : memref<1x128x128xf32, #tpu.memory_space<vmem>> -> memref<128x128xf32, #tpu.memory_space<vmem>>
      %dma_wait3A_92 = arith.constant 0 : i32
      %dma_wait3A_93 = tpu.memref_slice %arg9[%add3A_31, %dma_wait3A_92] : memref<10240x128xf32, #tpu.memory_space<vmem_shared>> -> memref<128x128xf32, #tpu.memory_space<vmem_shared>>
      %dma_wait3A_94 = arith.constant 0 : i32
      %dma_wait3A_95 = tpu.memref_slice %arg9[%add3A_31, %dma_wait3A_94] : memref<10240x128xf32, #tpu.memory_space<vmem_shared>> -> memref<128x128xf32, #tpu.memory_space<vmem_shared>>
      %dma_wait3A_96 = arith.constant 0 : i32
      %dma_wait3A_97 = arith.constant 0 : i32
      %dma_wait3A_98 = tpu.memref_slice %arg8[%run_scoped3A_32, %dma_wait3A_96, %dma_wait3A_97] : memref<2x128x128xf32, #tpu.memory_space<vmem>> -> memref<1x128x128xf32, #tpu.memory_space<vmem>>
      %dma_wait3A_99 = tpu.memref_squeeze %dma_wait3A_98 : memref<1x128x128xf32, #tpu.memory_space<vmem>> -> memref<128x128xf32, #tpu.memory_space<vmem>>
      tpu.wait_dma2 semaphore(%run_scoped3A_77 : memref<!tpu.dma_semaphore, #tpu.memory_space<semaphore_mem>>) src(%dma_wait3A_99 : memref<128x128xf32, #tpu.memory_space<vmem>>) dst(%dma_wait3A_95 : memref<128x128xf32, #tpu.memory_space<vmem_shared>>)
      tpu.yield
    }) : () -> ()
    %mul3A_33 = arith.constant 640 : i32
    %mul3A_34 = arith.muli %arg1, %mul3A_33 : i32
    %add3A_35 = arith.constant 512 : i32
    %add3A_36 = arith.addi %mul3A_34, %add3A_35 : i32
    %run_scoped3A_37 = arith.constant 0 : i32
    "tpu.region"() ({
      %run_scoped3A_77 = tpu.sem_alloc : memref<!tpu.dma_semaphore, #tpu.memory_space<semaphore_mem>>
      %dma_start3A = arith.constant 0 : i32
      %dma_start3A_78 = arith.constant 0 : i32
      %dma_start3A_79 = tpu.memref_slice %arg8[%run_scoped3A_37, %dma_start3A, %dma_start3A_78] : memref<2x128x128xf32, #tpu.memory_space<vmem>> -> memref<1x128x128xf32, #tpu.memory_space<vmem>>
      %dma_start3A_80 = tpu.memref_squeeze %dma_start3A_79 : memref<1x128x128xf32, #tpu.memory_space<vmem>> -> memref<128x128xf32, #tpu.memory_space<vmem>>
      %dma_start3A_81 = arith.constant 0 : i32
      %dma_start3A_82 = tpu.memref_slice %arg9[%add3A_36, %dma_start3A_81] : memref<10240x128xf32, #tpu.memory_space<vmem_shared>> -> memref<128x128xf32, #tpu.memory_space<vmem_shared>>
      %dma_start3A_83 = arith.constant 0 : i32
      %dma_start3A_84 = tpu.memref_slice %arg9[%add3A_36, %dma_start3A_83] : memref<10240x128xf32, #tpu.memory_space<vmem_shared>> -> memref<128x128xf32, #tpu.memory_space<vmem_shared>>
      %dma_start3A_85 = arith.constant 0 : i32
      %dma_start3A_86 = arith.constant 0 : i32
      %dma_start3A_87 = tpu.memref_slice %arg8[%run_scoped3A_37, %dma_start3A_85, %dma_start3A_86] : memref<2x128x128xf32, #tpu.memory_space<vmem>> -> memref<1x128x128xf32, #tpu.memory_space<vmem>>
      %dma_start3A_88 = tpu.memref_squeeze %dma_start3A_87 : memref<1x128x128xf32, #tpu.memory_space<vmem>> -> memref<128x128xf32, #tpu.memory_space<vmem>>
      tpu.enqueue_dma source(%dma_start3A_88 : memref<128x128xf32, #tpu.memory_space<vmem>>) target(%dma_start3A_84 : memref<128x128xf32, #tpu.memory_space<vmem_shared>>) target_semaphore(%run_scoped3A_77 : memref<!tpu.dma_semaphore, #tpu.memory_space<semaphore_mem>>)
      %dma_wait3A = arith.constant 0 : i32
      %dma_wait3A_89 = arith.constant 0 : i32
      %dma_wait3A_90 = tpu.memref_slice %arg8[%run_scoped3A_37, %dma_wait3A, %dma_wait3A_89] : memref<2x128x128xf32, #tpu.memory_space<vmem>> -> memref<1x128x128xf32, #tpu.memory_space<vmem>>
      %dma_wait3A_91 = tpu.memref_squeeze %dma_wait3A_90 : memref<1x128x128xf32, #tpu.memory_space<vmem>> -> memref<128x128xf32, #tpu.memory_space<vmem>>
      %dma_wait3A_92 = arith.constant 0 : i32
      %dma_wait3A_93 = tpu.memref_slice %arg9[%add3A_36, %dma_wait3A_92] : memref<10240x128xf32, #tpu.memory_space<vmem_shared>> -> memref<128x128xf32, #tpu.memory_space<vmem_shared>>
      %dma_wait3A_94 = arith.constant 0 : i32
      %dma_wait3A_95 = tpu.memref_slice %arg9[%add3A_36, %dma_wait3A_94] : memref<10240x128xf32, #tpu.memory_space<vmem_shared>> -> memref<128x128xf32, #tpu.memory_space<vmem_shared>>
      %dma_wait3A_96 = arith.constant 0 : i32
      %dma_wait3A_97 = arith.constant 0 : i32
      %dma_wait3A_98 = tpu.memref_slice %arg8[%run_scoped3A_37, %dma_wait3A_96, %dma_wait3A_97] : memref<2x128x128xf32, #tpu.memory_space<vmem>> -> memref<1x128x128xf32, #tpu.memory_space<vmem>>
      %dma_wait3A_99 = tpu.memref_squeeze %dma_wait3A_98 : memref<1x128x128xf32, #tpu.memory_space<vmem>> -> memref<128x128xf32, #tpu.memory_space<vmem>>
      tpu.wait_dma2 semaphore(%run_scoped3A_77 : memref<!tpu.dma_semaphore, #tpu.memory_space<semaphore_mem>>) src(%dma_wait3A_99 : memref<128x128xf32, #tpu.memory_space<vmem>>) dst(%dma_wait3A_95 : memref<128x128xf32, #tpu.memory_space<vmem_shared>>)
      tpu.yield
    }) : () -> ()
    %barrier3A = arith.constant 0 : index
    tpu.barrier barrier_id(%barrier3A)
    %gt3A = arith.constant 0 : i32
    %gt3A_38 = arith.cmpi sgt, %select_n3A_8, %gt3A : i32
    %convert_element_type3A = arith.extui %gt3A_38 : i1 to i32
    %cond3A = arith.constant 0 : i32
    %cond3A_39 = arith.cmpi ne, %convert_element_type3A, %cond3A : i32
    scf.if %cond3A_39 {
      %add3A_77 = arith.constant 0 : i32
      %add3A_78 = arith.addi %select_n3A, %add3A_77 : i32
      %dma_start3A = arith.constant 0 : i32
      %dma_start3A_79 = arith.constant 0 : i32
      %dma_start3A_80 = arith.constant 0 : i32
      %dma_start3A_81 = tpu.memref_slice %arg6[%dma_start3A, %dma_start3A_80] : memref<4x128xi32, #tpu.memory_space<vmem>> -> memref<1x128xi32, #tpu.memory_space<vmem>>
      %dma_start3A_82 = tpu.memref_squeeze %dma_start3A_81 : memref<1x128xi32, #tpu.memory_space<vmem>> -> memref<128xi32, #tpu.memory_space<vmem>>
      %dma_start3A_83 = arith.constant 0 : i32
      %dma_start3A_84 = tpu.memref_slice %arg2[%add3A_78, %dma_start3A_83] : memref<2560x128xi32, #tpu.memory_space<hbm>> -> memref<1x128xi32, #tpu.memory_space<hbm>>
      %dma_start3A_85 = tpu.memref_squeeze %dma_start3A_84 : memref<1x128xi32, #tpu.memory_space<hbm>> -> memref<128xi32, #tpu.memory_space<hbm>>
      %dma_start3A_86 = tpu.memref_slice %arg10[%dma_start3A_79] : memref<4x!tpu.dma_semaphore, #tpu.memory_space<semaphore_mem>> -> memref<1x!tpu.dma_semaphore, #tpu.memory_space<semaphore_mem>>
      %dma_start3A_87 = tpu.memref_squeeze %dma_start3A_86 : memref<1x!tpu.dma_semaphore, #tpu.memory_space<semaphore_mem>> -> memref<!tpu.dma_semaphore, #tpu.memory_space<semaphore_mem>>
      %dma_start3A_88 = arith.constant 0 : i32
      %dma_start3A_89 = tpu.memref_slice %arg6[%dma_start3A, %dma_start3A_88] : memref<4x128xi32, #tpu.memory_space<vmem>> -> memref<1x128xi32, #tpu.memory_space<vmem>>
      %dma_start3A_90 = tpu.memref_squeeze %dma_start3A_89 : memref<1x128xi32, #tpu.memory_space<vmem>> -> memref<128xi32, #tpu.memory_space<vmem>>
      %dma_start3A_91 = arith.constant 0 : i32
      %dma_start3A_92 = tpu.memref_slice %arg2[%add3A_78, %dma_start3A_91] : memref<2560x128xi32, #tpu.memory_space<hbm>> -> memref<1x128xi32, #tpu.memory_space<hbm>>
      %dma_start3A_93 = tpu.memref_squeeze %dma_start3A_92 : memref<1x128xi32, #tpu.memory_space<hbm>> -> memref<128xi32, #tpu.memory_space<hbm>>
      tpu.enqueue_dma source(%dma_start3A_93 : memref<128xi32, #tpu.memory_space<hbm>>) target(%dma_start3A_90 : memref<128xi32, #tpu.memory_space<vmem>>) target_semaphore(%dma_start3A_87 : memref<!tpu.dma_semaphore, #tpu.memory_space<semaphore_mem>>)
      %add3A_94 = arith.constant 0 : i32
      %add3A_95 = arith.addi %select_n3A, %add3A_94 : i32
      %dma_start3A_96 = arith.constant 0 : i32
      %dma_start3A_97 = arith.constant 0 : i32
      %dma_start3A_98 = arith.constant 0 : i32
      %dma_start3A_99 = tpu.memref_slice %arg7[%dma_start3A_96, %dma_start3A_98] : memref<4x128xi32, #tpu.memory_space<vmem>> -> memref<1x128xi32, #tpu.memory_space<vmem>>
      %dma_start3A_100 = tpu.memref_squeeze %dma_start3A_99 : memref<1x128xi32, #tpu.memory_space<vmem>> -> memref<128xi32, #tpu.memory_space<vmem>>
      %dma_start3A_101 = arith.constant 0 : i32
      %dma_start3A_102 = tpu.memref_slice %arg3[%add3A_95, %dma_start3A_101] : memref<2560x128xi32, #tpu.memory_space<hbm>> -> memref<1x128xi32, #tpu.memory_space<hbm>>
      %dma_start3A_103 = tpu.memref_squeeze %dma_start3A_102 : memref<1x128xi32, #tpu.memory_space<hbm>> -> memref<128xi32, #tpu.memory_space<hbm>>
      %dma_start3A_104 = tpu.memref_slice %arg10[%dma_start3A_97] : memref<4x!tpu.dma_semaphore, #tpu.memory_space<semaphore_mem>> -> memref<1x!tpu.dma_semaphore, #tpu.memory_space<semaphore_mem>>
      %dma_start3A_105 = tpu.memref_squeeze %dma_start3A_104 : memref<1x!tpu.dma_semaphore, #tpu.memory_space<semaphore_mem>> -> memref<!tpu.dma_semaphore, #tpu.memory_space<semaphore_mem>>
      %dma_start3A_106 = arith.constant 0 : i32
      %dma_start3A_107 = tpu.memref_slice %arg7[%dma_start3A_96, %dma_start3A_106] : memref<4x128xi32, #tpu.memory_space<vmem>> -> memref<1x128xi32, #tpu.memory_space<vmem>>
      %dma_start3A_108 = tpu.memref_squeeze %dma_start3A_107 : memref<1x128xi32, #tpu.memory_space<vmem>> -> memref<128xi32, #tpu.memory_space<vmem>>
      %dma_start3A_109 = arith.constant 0 : i32
      %dma_start3A_110 = tpu.memref_slice %arg3[%add3A_95, %dma_start3A_109] : memref<2560x128xi32, #tpu.memory_space<hbm>> -> memref<1x128xi32, #tpu.memory_space<hbm>>
      %dma_start3A_111 = tpu.memref_squeeze %dma_start3A_110 : memref<1x128xi32, #tpu.memory_space<hbm>> -> memref<128xi32, #tpu.memory_space<hbm>>
      tpu.enqueue_dma source(%dma_start3A_111 : memref<128xi32, #tpu.memory_space<hbm>>) target(%dma_start3A_108 : memref<128xi32, #tpu.memory_space<vmem>>) target_semaphore(%dma_start3A_105 : memref<!tpu.dma_semaphore, #tpu.memory_space<semaphore_mem>>)
      %add3A_112 = arith.constant 1 : i32
      %add3A_113 = arith.addi %select_n3A, %add3A_112 : i32
      %dma_start3A_114 = arith.constant 1 : i32
      %dma_start3A_115 = arith.constant 1 : i32
      %dma_start3A_116 = arith.constant 0 : i32
      %dma_start3A_117 = tpu.memref_slice %arg6[%dma_start3A_114, %dma_start3A_116] : memref<4x128xi32, #tpu.memory_space<vmem>> -> memref<1x128xi32, #tpu.memory_space<vmem>>
      %dma_start3A_118 = tpu.memref_squeeze %dma_start3A_117 : memref<1x128xi32, #tpu.memory_space<vmem>> -> memref<128xi32, #tpu.memory_space<vmem>>
      %dma_start3A_119 = arith.constant 0 : i32
      %dma_start3A_120 = tpu.memref_slice %arg2[%add3A_113, %dma_start3A_119] : memref<2560x128xi32, #tpu.memory_space<hbm>> -> memref<1x128xi32, #tpu.memory_space<hbm>>
      %dma_start3A_121 = tpu.memref_squeeze %dma_start3A_120 : memref<1x128xi32, #tpu.memory_space<hbm>> -> memref<128xi32, #tpu.memory_space<hbm>>
      %dma_start3A_122 = tpu.memref_slice %arg10[%dma_start3A_115] : memref<4x!tpu.dma_semaphore, #tpu.memory_space<semaphore_mem>> -> memref<1x!tpu.dma_semaphore, #tpu.memory_space<semaphore_mem>>
      %dma_start3A_123 = tpu.memref_squeeze %dma_start3A_122 : memref<1x!tpu.dma_semaphore, #tpu.memory_space<semaphore_mem>> -> memref<!tpu.dma_semaphore, #tpu.memory_space<semaphore_mem>>
      %dma_start3A_124 = arith.constant 0 : i32
      %dma_start3A_125 = tpu.memref_slice %arg6[%dma_start3A_114, %dma_start3A_124] : memref<4x128xi32, #tpu.memory_space<vmem>> -> memref<1x128xi32, #tpu.memory_space<vmem>>
      %dma_start3A_126 = tpu.memref_squeeze %dma_start3A_125 : memref<1x128xi32, #tpu.memory_space<vmem>> -> memref<128xi32, #tpu.memory_space<vmem>>
      %dma_start3A_127 = arith.constant 0 : i32
      %dma_start3A_128 = tpu.memref_slice %arg2[%add3A_113, %dma_start3A_127] : memref<2560x128xi32, #tpu.memory_space<hbm>> -> memref<1x128xi32, #tpu.memory_space<hbm>>
      %dma_start3A_129 = tpu.memref_squeeze %dma_start3A_128 : memref<1x128xi32, #tpu.memory_space<hbm>> -> memref<128xi32, #tpu.memory_space<hbm>>
      tpu.enqueue_dma source(%dma_start3A_129 : memref<128xi32, #tpu.memory_space<hbm>>) target(%dma_start3A_126 : memref<128xi32, #tpu.memory_space<vmem>>) target_semaphore(%dma_start3A_123 : memref<!tpu.dma_semaphore, #tpu.memory_space<semaphore_mem>>)
      %add3A_130 = arith.constant 1 : i32
      %add3A_131 = arith.addi %select_n3A, %add3A_130 : i32
      %dma_start3A_132 = arith.constant 1 : i32
      %dma_start3A_133 = arith.constant 1 : i32
      %dma_start3A_134 = arith.constant 0 : i32
      %dma_start3A_135 = tpu.memref_slice %arg7[%dma_start3A_132, %dma_start3A_134] : memref<4x128xi32, #tpu.memory_space<vmem>> -> memref<1x128xi32, #tpu.memory_space<vmem>>
      %dma_start3A_136 = tpu.memref_squeeze %dma_start3A_135 : memref<1x128xi32, #tpu.memory_space<vmem>> -> memref<128xi32, #tpu.memory_space<vmem>>
      %dma_start3A_137 = arith.constant 0 : i32
      %dma_start3A_138 = tpu.memref_slice %arg3[%add3A_131, %dma_start3A_137] : memref<2560x128xi32, #tpu.memory_space<hbm>> -> memref<1x128xi32, #tpu.memory_space<hbm>>
      %dma_start3A_139 = tpu.memref_squeeze %dma_start3A_138 : memref<1x128xi32, #tpu.memory_space<hbm>> -> memref<128xi32, #tpu.memory_space<hbm>>
      %dma_start3A_140 = tpu.memref_slice %arg10[%dma_start3A_133] : memref<4x!tpu.dma_semaphore, #tpu.memory_space<semaphore_mem>> -> memref<1x!tpu.dma_semaphore, #tpu.memory_space<semaphore_mem>>
      %dma_start3A_141 = tpu.memref_squeeze %dma_start3A_140 : memref<1x!tpu.dma_semaphore, #tpu.memory_space<semaphore_mem>> -> memref<!tpu.dma_semaphore, #tpu.memory_space<semaphore_mem>>
      %dma_start3A_142 = arith.constant 0 : i32
      %dma_start3A_143 = tpu.memref_slice %arg7[%dma_start3A_132, %dma_start3A_142] : memref<4x128xi32, #tpu.memory_space<vmem>> -> memref<1x128xi32, #tpu.memory_space<vmem>>
      %dma_start3A_144 = tpu.memref_squeeze %dma_start3A_143 : memref<1x128xi32, #tpu.memory_space<vmem>> -> memref<128xi32, #tpu.memory_space<vmem>>
      %dma_start3A_145 = arith.constant 0 : i32
      %dma_start3A_146 = tpu.memref_slice %arg3[%add3A_131, %dma_start3A_145] : memref<2560x128xi32, #tpu.memory_space<hbm>> -> memref<1x128xi32, #tpu.memory_space<hbm>>
      %dma_start3A_147 = tpu.memref_squeeze %dma_start3A_146 : memref<1x128xi32, #tpu.memory_space<hbm>> -> memref<128xi32, #tpu.memory_space<hbm>>
      tpu.enqueue_dma source(%dma_start3A_147 : memref<128xi32, #tpu.memory_space<hbm>>) target(%dma_start3A_144 : memref<128xi32, #tpu.memory_space<vmem>>) target_semaphore(%dma_start3A_141 : memref<!tpu.dma_semaphore, #tpu.memory_space<semaphore_mem>>)
      %dma_wait3A = arith.constant 0 : i32
      %dma_wait3A_148 = arith.constant 0 : i32
      %dma_wait3A_149 = arith.constant 0 : i32
      %dma_wait3A_150 = tpu.memref_slice %arg6[%dma_wait3A, %dma_wait3A_149] : memref<4x128xi32, #tpu.memory_space<vmem>> -> memref<1x128xi32, #tpu.memory_space<vmem>>
      %dma_wait3A_151 = tpu.memref_squeeze %dma_wait3A_150 : memref<1x128xi32, #tpu.memory_space<vmem>> -> memref<128xi32, #tpu.memory_space<vmem>>
      %dma_wait3A_152 = arith.constant 0 : i32
      %dma_wait3A_153 = tpu.memref_slice %arg2[%select_n3A, %dma_wait3A_152] : memref<2560x128xi32, #tpu.memory_space<hbm>> -> memref<1x128xi32, #tpu.memory_space<hbm>>
      %dma_wait3A_154 = tpu.memref_squeeze %dma_wait3A_153 : memref<1x128xi32, #tpu.memory_space<hbm>> -> memref<128xi32, #tpu.memory_space<hbm>>
      %dma_wait3A_155 = tpu.memref_slice %arg10[%dma_wait3A_148] : memref<4x!tpu.dma_semaphore, #tpu.memory_space<semaphore_mem>> -> memref<1x!tpu.dma_semaphore, #tpu.memory_space<semaphore_mem>>
      %dma_wait3A_156 = tpu.memref_squeeze %dma_wait3A_155 : memref<1x!tpu.dma_semaphore, #tpu.memory_space<semaphore_mem>> -> memref<!tpu.dma_semaphore, #tpu.memory_space<semaphore_mem>>
      %dma_wait3A_157 = arith.constant 0 : i32
      %dma_wait3A_158 = tpu.memref_slice %arg6[%dma_wait3A, %dma_wait3A_157] : memref<4x128xi32, #tpu.memory_space<vmem>> -> memref<1x128xi32, #tpu.memory_space<vmem>>
      %dma_wait3A_159 = tpu.memref_squeeze %dma_wait3A_158 : memref<1x128xi32, #tpu.memory_space<vmem>> -> memref<128xi32, #tpu.memory_space<vmem>>
      %dma_wait3A_160 = arith.constant 0 : i32
      %dma_wait3A_161 = tpu.memref_slice %arg2[%select_n3A, %dma_wait3A_160] : memref<2560x128xi32, #tpu.memory_space<hbm>> -> memref<1x128xi32, #tpu.memory_space<hbm>>
      %dma_wait3A_162 = tpu.memref_squeeze %dma_wait3A_161 : memref<1x128xi32, #tpu.memory_space<hbm>> -> memref<128xi32, #tpu.memory_space<hbm>>
      tpu.wait_dma2 semaphore(%dma_wait3A_156 : memref<!tpu.dma_semaphore, #tpu.memory_space<semaphore_mem>>) src(%dma_wait3A_162 : memref<128xi32, #tpu.memory_space<hbm>>) dst(%dma_wait3A_159 : memref<128xi32, #tpu.memory_space<vmem>>)
      %dma_wait3A_163 = arith.constant 0 : i32
      %dma_wait3A_164 = arith.constant 0 : i32
      %dma_wait3A_165 = arith.constant 0 : i32
      %dma_wait3A_166 = tpu.memref_slice %arg7[%dma_wait3A_163, %dma_wait3A_165] : memref<4x128xi32, #tpu.memory_space<vmem>> -> memref<1x128xi32, #tpu.memory_space<vmem>>
      %dma_wait3A_167 = tpu.memref_squeeze %dma_wait3A_166 : memref<1x128xi32, #tpu.memory_space<vmem>> -> memref<128xi32, #tpu.memory_space<vmem>>
      %dma_wait3A_168 = arith.constant 0 : i32
      %dma_wait3A_169 = tpu.memref_slice %arg3[%select_n3A, %dma_wait3A_168] : memref<2560x128xi32, #tpu.memory_space<hbm>> -> memref<1x128xi32, #tpu.memory_space<hbm>>
      %dma_wait3A_170 = tpu.memref_squeeze %dma_wait3A_169 : memref<1x128xi32, #tpu.memory_space<hbm>> -> memref<128xi32, #tpu.memory_space<hbm>>
      %dma_wait3A_171 = tpu.memref_slice %arg10[%dma_wait3A_164] : memref<4x!tpu.dma_semaphore, #tpu.memory_space<semaphore_mem>> -> memref<1x!tpu.dma_semaphore, #tpu.memory_space<semaphore_mem>>
      %dma_wait3A_172 = tpu.memref_squeeze %dma_wait3A_171 : memref<1x!tpu.dma_semaphore, #tpu.memory_space<semaphore_mem>> -> memref<!tpu.dma_semaphore, #tpu.memory_space<semaphore_mem>>
      %dma_wait3A_173 = arith.constant 0 : i32
      %dma_wait3A_174 = tpu.memref_slice %arg7[%dma_wait3A_163, %dma_wait3A_173] : memref<4x128xi32, #tpu.memory_space<vmem>> -> memref<1x128xi32, #tpu.memory_space<vmem>>
      %dma_wait3A_175 = tpu.memref_squeeze %dma_wait3A_174 : memref<1x128xi32, #tpu.memory_space<vmem>> -> memref<128xi32, #tpu.memory_space<vmem>>
      %dma_wait3A_176 = arith.constant 0 : i32
      %dma_wait3A_177 = tpu.memref_slice %arg3[%select_n3A, %dma_wait3A_176] : memref<2560x128xi32, #tpu.memory_space<hbm>> -> memref<1x128xi32, #tpu.memory_space<hbm>>
      %dma_wait3A_178 = tpu.memref_squeeze %dma_wait3A_177 : memref<1x128xi32, #tpu.memory_space<hbm>> -> memref<128xi32, #tpu.memory_space<hbm>>
      tpu.wait_dma2 semaphore(%dma_wait3A_172 : memref<!tpu.dma_semaphore, #tpu.memory_space<semaphore_mem>>) src(%dma_wait3A_178 : memref<128xi32, #tpu.memory_space<hbm>>) dst(%dma_wait3A_175 : memref<128xi32, #tpu.memory_space<vmem>>)
      %dma_start3A_179 = arith.constant 0 : i32
      %dma_start3A_180 = arith.constant 0 : i32
      %dma_start3A_181 = arith.constant 0 : i32
      %dma_start3A_182 = arith.constant 0 : i32
      %dma_start3A_183 = arith.constant 0 : i32
      %dma_start3A_184 = tpu.memref_slice %arg8[%dma_start3A_180, %dma_start3A_182, %dma_start3A_183] : memref<2x128x128xf32, #tpu.memory_space<vmem>> -> memref<1x128x128xf32, #tpu.memory_space<vmem>>
      %dma_start3A_185 = tpu.memref_squeeze %dma_start3A_184 : memref<1x128x128xf32, #tpu.memory_space<vmem>> -> memref<128x128xf32, #tpu.memory_space<vmem>>
      %dma_start3A_186 = arith.constant 0 : i32
      %dma_start3A_187 = tpu.memref_slice %arg6[%dma_start3A_179, %dma_start3A_186] : memref<4x128xi32, #tpu.memory_space<vmem>> -> memref<1x128xi32, #tpu.memory_space<vmem>>
      %dma_start3A_188 = tpu.memref_squeeze %dma_start3A_187 : memref<1x128xi32, #tpu.memory_space<vmem>> -> memref<128xi32, #tpu.memory_space<vmem>>
      %dma_start3A_189 = arith.constant 0 : i32
      %dma_start3A_190 = arith.constant 0 : i32
      %dma_start3A_191 = tpu.memref_slice %arg4[%dma_start3A_189, %dma_start3A_190] : memref<10000x128xf32, #tpu.memory_space<hbm>> -> memref<10000x128xf32, #tpu.memory_space<hbm>>
      %dma_start3A_192 = tpu.memref_slice %arg11[%dma_start3A_181] : memref<2x!tpu.dma_semaphore, #tpu.memory_space<semaphore_mem>> -> memref<1x!tpu.dma_semaphore, #tpu.memory_space<semaphore_mem>>
      %dma_start3A_193 = tpu.memref_squeeze %dma_start3A_192 : memref<1x!tpu.dma_semaphore, #tpu.memory_space<semaphore_mem>> -> memref<!tpu.dma_semaphore, #tpu.memory_space<semaphore_mem>>
      tpu.enqueue_indirect_dma source(%dma_start3A_191 : memref<10000x128xf32, #tpu.memory_space<hbm>>) target(%dma_start3A_185 : memref<128x128xf32, #tpu.memory_space<vmem>>) offsets(%dma_start3A_188 : memref<128xi32, #tpu.memory_space<vmem>>) semaphore(%dma_start3A_193 : memref<!tpu.dma_semaphore, #tpu.memory_space<semaphore_mem>>)
    } else {
    }
    %jit3A_40 = arith.constant 4 : i32
    %div3A = arith.divsi %select_n3A_8, %jit3A_40 : i32
    %sign3A = arith.constant 0 : i32
    %sign3A_41 = arith.cmpi sgt, %select_n3A_8, %sign3A : i32
    %sign3A_42 = arith.extui %sign3A_41 : i1 to i32
    %sign3A_43 = arith.constant 0 : i32
    %sign3A_44 = arith.cmpi slt, %select_n3A_8, %sign3A_43 : i32
    %sign3A_45 = arith.extui %sign3A_44 : i1 to i32
    %sign3A_46 = arith.subi %sign3A_42, %sign3A_45 : i32
    %sign3A_47 = arith.constant 0 : i32
    %sign3A_48 = arith.cmpi sgt, %jit3A_40, %sign3A_47 : i32
    %sign3A_49 = arith.extui %sign3A_48 : i1 to i32
    %sign3A_50 = arith.constant 0 : i32
    %sign3A_51 = arith.cmpi slt, %jit3A_40, %sign3A_50 : i32
    %sign3A_52 = arith.extui %sign3A_51 : i1 to i32
    %sign3A_53 = arith.subi %sign3A_49, %sign3A_52 : i32
    %ne3A = arith.cmpi ne, %sign3A_46, %sign3A_53 : i32
    %rem3A = arith.remsi %select_n3A_8, %jit3A_40 : i32
    %ne3A_54 = arith.constant 0 : i32
    %ne3A_55 = arith.cmpi ne, %rem3A, %ne3A_54 : i32
    %and3A = arith.andi %ne3A, %ne3A_55 : i1
    %sub3A = arith.constant 1 : i32
    %sub3A_56 = arith.subi %div3A, %sub3A : i32
    %select_n3A_57 = arith.select %and3A, %sub3A_56, %div3A : i32
    %while3A = arith.constant 0 : i32
    %while3A_58 = arith.constant 0 : i32
    %while3A_59 = arith.subi %select_n3A_57, %while3A_58 : i32
    %while3A_60 = arith.addi %while3A_58, %while3A_59 : i32
    %while3A_61 = arith.constant 1 : i32
    %while3A_62 = arith.divsi %while3A_59, %while3A_61 : i32
    %while3A_63 = arith.muli %while3A_62, %while3A_61 : i32
    %while3A_64 = arith.addi %while3A_58, %while3A_63 : i32
    %while3A_65 = arith.constant 1 : i32
    scf.for %while3A_77 = %while3A_58 to %while3A_64 step %while3A_65  : i32 {
      %mul3A_78 = arith.constant 4 : i32
      %mul3A_79 = arith.muli %while3A_77, %mul3A_78 : i32
      %add3A_80 = arith.constant 0 : i32
      %add3A_81 = arith.addi %mul3A_79, %add3A_80 : i32
      %ge3A = arith.constant 1 : i32
      %ge3A_82 = arith.cmpi sge, %add3A_81, %ge3A : i32
      %convert_element_type3A_83 = arith.extui %ge3A_82 : i1 to i32
      %cond3A_84 = arith.constant 0 : i32
      %cond3A_85 = arith.cmpi ne, %convert_element_type3A_83, %cond3A_84 : i32
      scf.if %cond3A_85 {
        %dma_wait3A_278 = arith.constant 1 : i32
        %dma_wait3A_279 = arith.constant 0 : i32
        %dma_wait3A_280 = arith.constant 1 : i32
        %dma_wait3A_281 = arith.constant 0 : i32
        %dma_wait3A_282 = arith.constant 0 : i32
        %dma_wait3A_283 = tpu.memref_slice %arg8[%dma_wait3A_278, %dma_wait3A_281, %dma_wait3A_282] : memref<2x128x128xf32, #tpu.memory_space<vmem>> -> memref<1x128x128xf32, #tpu.memory_space<vmem>>
        %dma_wait3A_284 = tpu.memref_squeeze %dma_wait3A_283 : memref<1x128x128xf32, #tpu.memory_space<vmem>> -> memref<128x128xf32, #tpu.memory_space<vmem>>
        %dma_wait3A_285 = arith.constant 0 : i32
        %dma_wait3A_286 = tpu.memref_slice %arg7[%dma_wait3A_279, %dma_wait3A_285] : memref<4x128xi32, #tpu.memory_space<vmem>> -> memref<1x128xi32, #tpu.memory_space<vmem>>
        %dma_wait3A_287 = tpu.memref_squeeze %dma_wait3A_286 : memref<1x128xi32, #tpu.memory_space<vmem>> -> memref<128xi32, #tpu.memory_space<vmem>>
        %dma_wait3A_288 = arith.constant 0 : i32
        %dma_wait3A_289 = arith.constant 0 : i32
        %dma_wait3A_290 = tpu.memref_slice %arg9[%dma_wait3A_288, %dma_wait3A_289] : memref<10240x128xf32, #tpu.memory_space<vmem_shared>> -> memref<10240x128xf32, #tpu.memory_space<vmem_shared>>
        %dma_wait3A_291 = tpu.memref_slice %arg12[%dma_wait3A_280] : memref<2x!tpu.dma_semaphore, #tpu.memory_space<semaphore_mem>> -> memref<1x!tpu.dma_semaphore, #tpu.memory_space<semaphore_mem>>
        %dma_wait3A_292 = tpu.memref_squeeze %dma_wait3A_291 : memref<1x!tpu.dma_semaphore, #tpu.memory_space<semaphore_mem>> -> memref<!tpu.dma_semaphore, #tpu.memory_space<semaphore_mem>>
        tpu.wait_indirect_dma semaphore(%dma_wait3A_292 : memref<!tpu.dma_semaphore, #tpu.memory_space<semaphore_mem>>) src(%dma_wait3A_284 : memref<128x128xf32, #tpu.memory_space<vmem>>) dst(%dma_wait3A_290 : memref<10240x128xf32, #tpu.memory_space<vmem_shared>>)
      } else {
      }
      %add3A_86 = arith.constant 2 : i32
      %add3A_87 = arith.addi %add3A_81, %add3A_86 : i32
      %lt3A = arith.cmpi slt, %add3A_87, %select_n3A_8 : i32
      %convert_element_type3A_88 = arith.extui %lt3A : i1 to i32
      %cond3A_89 = arith.constant 0 : i32
      %cond3A_90 = arith.cmpi ne, %convert_element_type3A_88, %cond3A_89 : i32
      scf.if %cond3A_90 {
        %add3A_278 = arith.constant 2 : i32
        %add3A_279 = arith.addi %add3A_81, %add3A_278 : i32
        %add3A_280 = arith.addi %select_n3A, %add3A_279 : i32
        %dma_start3A_281 = arith.constant 2 : i32
        %dma_start3A_282 = arith.constant 2 : i32
        %dma_start3A_283 = arith.constant 0 : i32
        %dma_start3A_284 = tpu.memref_slice %arg6[%dma_start3A_281, %dma_start3A_283] : memref<4x128xi32, #tpu.memory_space<vmem>> -> memref<1x128xi32, #tpu.memory_space<vmem>>
        %dma_start3A_285 = tpu.memref_squeeze %dma_start3A_284 : memref<1x128xi32, #tpu.memory_space<vmem>> -> memref<128xi32, #tpu.memory_space<vmem>>
        %dma_start3A_286 = arith.constant 0 : i32
        %dma_start3A_287 = tpu.memref_slice %arg2[%add3A_280, %dma_start3A_286] : memref<2560x128xi32, #tpu.memory_space<hbm>> -> memref<1x128xi32, #tpu.memory_space<hbm>>
        %dma_start3A_288 = tpu.memref_squeeze %dma_start3A_287 : memref<1x128xi32, #tpu.memory_space<hbm>> -> memref<128xi32, #tpu.memory_space<hbm>>
        %dma_start3A_289 = tpu.memref_slice %arg10[%dma_start3A_282] : memref<4x!tpu.dma_semaphore, #tpu.memory_space<semaphore_mem>> -> memref<1x!tpu.dma_semaphore, #tpu.memory_space<semaphore_mem>>
        %dma_start3A_290 = tpu.memref_squeeze %dma_start3A_289 : memref<1x!tpu.dma_semaphore, #tpu.memory_space<semaphore_mem>> -> memref<!tpu.dma_semaphore, #tpu.memory_space<semaphore_mem>>
        %dma_start3A_291 = arith.constant 0 : i32
        %dma_start3A_292 = tpu.memref_slice %arg6[%dma_start3A_281, %dma_start3A_291] : memref<4x128xi32, #tpu.memory_space<vmem>> -> memref<1x128xi32, #tpu.memory_space<vmem>>
        %dma_start3A_293 = tpu.memref_squeeze %dma_start3A_292 : memref<1x128xi32, #tpu.memory_space<vmem>> -> memref<128xi32, #tpu.memory_space<vmem>>
        %dma_start3A_294 = arith.constant 0 : i32
        %dma_start3A_295 = tpu.memref_slice %arg2[%add3A_280, %dma_start3A_294] : memref<2560x128xi32, #tpu.memory_space<hbm>> -> memref<1x128xi32, #tpu.memory_space<hbm>>
        %dma_start3A_296 = tpu.memref_squeeze %dma_start3A_295 : memref<1x128xi32, #tpu.memory_space<hbm>> -> memref<128xi32, #tpu.memory_space<hbm>>
        tpu.enqueue_dma source(%dma_start3A_296 : memref<128xi32, #tpu.memory_space<hbm>>) target(%dma_start3A_293 : memref<128xi32, #tpu.memory_space<vmem>>) target_semaphore(%dma_start3A_290 : memref<!tpu.dma_semaphore, #tpu.memory_space<semaphore_mem>>)
        %add3A_297 = arith.addi %select_n3A, %add3A_279 : i32
        %dma_start3A_298 = arith.constant 2 : i32
        %dma_start3A_299 = arith.constant 2 : i32
        %dma_start3A_300 = arith.constant 0 : i32
        %dma_start3A_301 = tpu.memref_slice %arg7[%dma_start3A_298, %dma_start3A_300] : memref<4x128xi32, #tpu.memory_space<vmem>> -> memref<1x128xi32, #tpu.memory_space<vmem>>
        %dma_start3A_302 = tpu.memref_squeeze %dma_start3A_301 : memref<1x128xi32, #tpu.memory_space<vmem>> -> memref<128xi32, #tpu.memory_space<vmem>>
        %dma_start3A_303 = arith.constant 0 : i32
        %dma_start3A_304 = tpu.memref_slice %arg3[%add3A_297, %dma_start3A_303] : memref<2560x128xi32, #tpu.memory_space<hbm>> -> memref<1x128xi32, #tpu.memory_space<hbm>>
        %dma_start3A_305 = tpu.memref_squeeze %dma_start3A_304 : memref<1x128xi32, #tpu.memory_space<hbm>> -> memref<128xi32, #tpu.memory_space<hbm>>
        %dma_start3A_306 = tpu.memref_slice %arg10[%dma_start3A_299] : memref<4x!tpu.dma_semaphore, #tpu.memory_space<semaphore_mem>> -> memref<1x!tpu.dma_semaphore, #tpu.memory_space<semaphore_mem>>
        %dma_start3A_307 = tpu.memref_squeeze %dma_start3A_306 : memref<1x!tpu.dma_semaphore, #tpu.memory_space<semaphore_mem>> -> memref<!tpu.dma_semaphore, #tpu.memory_space<semaphore_mem>>
        %dma_start3A_308 = arith.constant 0 : i32
        %dma_start3A_309 = tpu.memref_slice %arg7[%dma_start3A_298, %dma_start3A_308] : memref<4x128xi32, #tpu.memory_space<vmem>> -> memref<1x128xi32, #tpu.memory_space<vmem>>
        %dma_start3A_310 = tpu.memref_squeeze %dma_start3A_309 : memref<1x128xi32, #tpu.memory_space<vmem>> -> memref<128xi32, #tpu.memory_space<vmem>>
        %dma_start3A_311 = arith.constant 0 : i32
        %dma_start3A_312 = tpu.memref_slice %arg3[%add3A_297, %dma_start3A_311] : memref<2560x128xi32, #tpu.memory_space<hbm>> -> memref<1x128xi32, #tpu.memory_space<hbm>>
        %dma_start3A_313 = tpu.memref_squeeze %dma_start3A_312 : memref<1x128xi32, #tpu.memory_space<hbm>> -> memref<128xi32, #tpu.memory_space<hbm>>
        tpu.enqueue_dma source(%dma_start3A_313 : memref<128xi32, #tpu.memory_space<hbm>>) target(%dma_start3A_310 : memref<128xi32, #tpu.memory_space<vmem>>) target_semaphore(%dma_start3A_307 : memref<!tpu.dma_semaphore, #tpu.memory_space<semaphore_mem>>)
      } else {
      }
      %add3A_91 = arith.constant 1 : i32
      %add3A_92 = arith.addi %add3A_81, %add3A_91 : i32
      %lt3A_93 = arith.cmpi slt, %add3A_92, %select_n3A_8 : i32
      %convert_element_type3A_94 = arith.extui %lt3A_93 : i1 to i32
      %cond3A_95 = arith.constant 0 : i32
      %cond3A_96 = arith.cmpi ne, %convert_element_type3A_94, %cond3A_95 : i32
      scf.if %cond3A_96 {
        %dma_wait3A_278 = arith.constant 1 : i32
        %dma_wait3A_279 = arith.constant 1 : i32
        %dma_wait3A_280 = arith.constant 0 : i32
        %dma_wait3A_281 = tpu.memref_slice %arg6[%dma_wait3A_278, %dma_wait3A_280] : memref<4x128xi32, #tpu.memory_space<vmem>> -> memref<1x128xi32, #tpu.memory_space<vmem>>
        %dma_wait3A_282 = tpu.memref_squeeze %dma_wait3A_281 : memref<1x128xi32, #tpu.memory_space<vmem>> -> memref<128xi32, #tpu.memory_space<vmem>>
        %dma_wait3A_283 = arith.constant 0 : i32
        %dma_wait3A_284 = tpu.memref_slice %arg2[%select_n3A, %dma_wait3A_283] : memref<2560x128xi32, #tpu.memory_space<hbm>> -> memref<1x128xi32, #tpu.memory_space<hbm>>
        %dma_wait3A_285 = tpu.memref_squeeze %dma_wait3A_284 : memref<1x128xi32, #tpu.memory_space<hbm>> -> memref<128xi32, #tpu.memory_space<hbm>>
        %dma_wait3A_286 = tpu.memref_slice %arg10[%dma_wait3A_279] : memref<4x!tpu.dma_semaphore, #tpu.memory_space<semaphore_mem>> -> memref<1x!tpu.dma_semaphore, #tpu.memory_space<semaphore_mem>>
        %dma_wait3A_287 = tpu.memref_squeeze %dma_wait3A_286 : memref<1x!tpu.dma_semaphore, #tpu.memory_space<semaphore_mem>> -> memref<!tpu.dma_semaphore, #tpu.memory_space<semaphore_mem>>
        %dma_wait3A_288 = arith.constant 0 : i32
        %dma_wait3A_289 = tpu.memref_slice %arg6[%dma_wait3A_278, %dma_wait3A_288] : memref<4x128xi32, #tpu.memory_space<vmem>> -> memref<1x128xi32, #tpu.memory_space<vmem>>
        %dma_wait3A_290 = tpu.memref_squeeze %dma_wait3A_289 : memref<1x128xi32, #tpu.memory_space<vmem>> -> memref<128xi32, #tpu.memory_space<vmem>>
        %dma_wait3A_291 = arith.constant 0 : i32
        %dma_wait3A_292 = tpu.memref_slice %arg2[%select_n3A, %dma_wait3A_291] : memref<2560x128xi32, #tpu.memory_space<hbm>> -> memref<1x128xi32, #tpu.memory_space<hbm>>
        %dma_wait3A_293 = tpu.memref_squeeze %dma_wait3A_292 : memref<1x128xi32, #tpu.memory_space<hbm>> -> memref<128xi32, #tpu.memory_space<hbm>>
        tpu.wait_dma2 semaphore(%dma_wait3A_287 : memref<!tpu.dma_semaphore, #tpu.memory_space<semaphore_mem>>) src(%dma_wait3A_293 : memref<128xi32, #tpu.memory_space<hbm>>) dst(%dma_wait3A_290 : memref<128xi32, #tpu.memory_space<vmem>>)
        %dma_wait3A_294 = arith.constant 1 : i32
        %dma_wait3A_295 = arith.constant 1 : i32
        %dma_wait3A_296 = arith.constant 0 : i32
        %dma_wait3A_297 = tpu.memref_slice %arg7[%dma_wait3A_294, %dma_wait3A_296] : memref<4x128xi32, #tpu.memory_space<vmem>> -> memref<1x128xi32, #tpu.memory_space<vmem>>
        %dma_wait3A_298 = tpu.memref_squeeze %dma_wait3A_297 : memref<1x128xi32, #tpu.memory_space<vmem>> -> memref<128xi32, #tpu.memory_space<vmem>>
        %dma_wait3A_299 = arith.constant 0 : i32
        %dma_wait3A_300 = tpu.memref_slice %arg3[%select_n3A, %dma_wait3A_299] : memref<2560x128xi32, #tpu.memory_space<hbm>> -> memref<1x128xi32, #tpu.memory_space<hbm>>
        %dma_wait3A_301 = tpu.memref_squeeze %dma_wait3A_300 : memref<1x128xi32, #tpu.memory_space<hbm>> -> memref<128xi32, #tpu.memory_space<hbm>>
        %dma_wait3A_302 = tpu.memref_slice %arg10[%dma_wait3A_295] : memref<4x!tpu.dma_semaphore, #tpu.memory_space<semaphore_mem>> -> memref<1x!tpu.dma_semaphore, #tpu.memory_space<semaphore_mem>>
        %dma_wait3A_303 = tpu.memref_squeeze %dma_wait3A_302 : memref<1x!tpu.dma_semaphore, #tpu.memory_space<semaphore_mem>> -> memref<!tpu.dma_semaphore, #tpu.memory_space<semaphore_mem>>
        %dma_wait3A_304 = arith.constant 0 : i32
        %dma_wait3A_305 = tpu.memref_slice %arg7[%dma_wait3A_294, %dma_wait3A_304] : memref<4x128xi32, #tpu.memory_space<vmem>> -> memref<1x128xi32, #tpu.memory_space<vmem>>
        %dma_wait3A_306 = tpu.memref_squeeze %dma_wait3A_305 : memref<1x128xi32, #tpu.memory_space<vmem>> -> memref<128xi32, #tpu.memory_space<vmem>>
        %dma_wait3A_307 = arith.constant 0 : i32
        %dma_wait3A_308 = tpu.memref_slice %arg3[%select_n3A, %dma_wait3A_307] : memref<2560x128xi32, #tpu.memory_space<hbm>> -> memref<1x128xi32, #tpu.memory_space<hbm>>
        %dma_wait3A_309 = tpu.memref_squeeze %dma_wait3A_308 : memref<1x128xi32, #tpu.memory_space<hbm>> -> memref<128xi32, #tpu.memory_space<hbm>>
        tpu.wait_dma2 semaphore(%dma_wait3A_303 : memref<!tpu.dma_semaphore, #tpu.memory_space<semaphore_mem>>) src(%dma_wait3A_309 : memref<128xi32, #tpu.memory_space<hbm>>) dst(%dma_wait3A_306 : memref<128xi32, #tpu.memory_space<vmem>>)
        %dma_start3A_310 = arith.constant 1 : i32
        %dma_start3A_311 = arith.constant 1 : i32
        %dma_start3A_312 = arith.constant 1 : i32
        %dma_start3A_313 = arith.constant 0 : i32
        %dma_start3A_314 = arith.constant 0 : i32
        %dma_start3A_315 = tpu.memref_slice %arg8[%dma_start3A_311, %dma_start3A_313, %dma_start3A_314] : memref<2x128x128xf32, #tpu.memory_space<vmem>> -> memref<1x128x128xf32, #tpu.memory_space<vmem>>
        %dma_start3A_316 = tpu.memref_squeeze %dma_start3A_315 : memref<1x128x128xf32, #tpu.memory_space<vmem>> -> memref<128x128xf32, #tpu.memory_space<vmem>>
        %dma_start3A_317 = arith.constant 0 : i32
        %dma_start3A_318 = tpu.memref_slice %arg6[%dma_start3A_310, %dma_start3A_317] : memref<4x128xi32, #tpu.memory_space<vmem>> -> memref<1x128xi32, #tpu.memory_space<vmem>>
        %dma_start3A_319 = tpu.memref_squeeze %dma_start3A_318 : memref<1x128xi32, #tpu.memory_space<vmem>> -> memref<128xi32, #tpu.memory_space<vmem>>
        %dma_start3A_320 = arith.constant 0 : i32
        %dma_start3A_321 = arith.constant 0 : i32
        %dma_start3A_322 = tpu.memref_slice %arg4[%dma_start3A_320, %dma_start3A_321] : memref<10000x128xf32, #tpu.memory_space<hbm>> -> memref<10000x128xf32, #tpu.memory_space<hbm>>
        %dma_start3A_323 = tpu.memref_slice %arg11[%dma_start3A_312] : memref<2x!tpu.dma_semaphore, #tpu.memory_space<semaphore_mem>> -> memref<1x!tpu.dma_semaphore, #tpu.memory_space<semaphore_mem>>
        %dma_start3A_324 = tpu.memref_squeeze %dma_start3A_323 : memref<1x!tpu.dma_semaphore, #tpu.memory_space<semaphore_mem>> -> memref<!tpu.dma_semaphore, #tpu.memory_space<semaphore_mem>>
        tpu.enqueue_indirect_dma source(%dma_start3A_322 : memref<10000x128xf32, #tpu.memory_space<hbm>>) target(%dma_start3A_316 : memref<128x128xf32, #tpu.memory_space<vmem>>) offsets(%dma_start3A_319 : memref<128xi32, #tpu.memory_space<vmem>>) semaphore(%dma_start3A_324 : memref<!tpu.dma_semaphore, #tpu.memory_space<semaphore_mem>>)
      } else {
      }
      %dma_wait3A = arith.constant 0 : i32
      %dma_wait3A_97 = arith.constant 0 : i32
      %dma_wait3A_98 = arith.constant 0 : i32
      %dma_wait3A_99 = arith.constant 0 : i32
      %dma_wait3A_100 = arith.constant 0 : i32
      %dma_wait3A_101 = tpu.memref_slice %arg8[%dma_wait3A_97, %dma_wait3A_99, %dma_wait3A_100] : memref<2x128x128xf32, #tpu.memory_space<vmem>> -> memref<1x128x128xf32, #tpu.memory_space<vmem>>
      %dma_wait3A_102 = tpu.memref_squeeze %dma_wait3A_101 : memref<1x128x128xf32, #tpu.memory_space<vmem>> -> memref<128x128xf32, #tpu.memory_space<vmem>>
      %dma_wait3A_103 = arith.constant 0 : i32
      %dma_wait3A_104 = tpu.memref_slice %arg6[%dma_wait3A, %dma_wait3A_103] : memref<4x128xi32, #tpu.memory_space<vmem>> -> memref<1x128xi32, #tpu.memory_space<vmem>>
      %dma_wait3A_105 = tpu.memref_squeeze %dma_wait3A_104 : memref<1x128xi32, #tpu.memory_space<vmem>> -> memref<128xi32, #tpu.memory_space<vmem>>
      %dma_wait3A_106 = arith.constant 0 : i32
      %dma_wait3A_107 = arith.constant 0 : i32
      %dma_wait3A_108 = tpu.memref_slice %arg4[%dma_wait3A_106, %dma_wait3A_107] : memref<10000x128xf32, #tpu.memory_space<hbm>> -> memref<10000x128xf32, #tpu.memory_space<hbm>>
      %dma_wait3A_109 = tpu.memref_slice %arg11[%dma_wait3A_98] : memref<2x!tpu.dma_semaphore, #tpu.memory_space<semaphore_mem>> -> memref<1x!tpu.dma_semaphore, #tpu.memory_space<semaphore_mem>>
      %dma_wait3A_110 = tpu.memref_squeeze %dma_wait3A_109 : memref<1x!tpu.dma_semaphore, #tpu.memory_space<semaphore_mem>> -> memref<!tpu.dma_semaphore, #tpu.memory_space<semaphore_mem>>
      tpu.wait_indirect_dma semaphore(%dma_wait3A_110 : memref<!tpu.dma_semaphore, #tpu.memory_space<semaphore_mem>>) src(%dma_wait3A_108 : memref<10000x128xf32, #tpu.memory_space<hbm>>) dst(%dma_wait3A_102 : memref<128x128xf32, #tpu.memory_space<vmem>>)
      %dma_start3A = arith.constant 0 : i32
      %dma_start3A_111 = arith.constant 0 : i32
      %dma_start3A_112 = arith.constant 0 : i32
      %dma_start3A_113 = arith.constant 0 : i32
      %dma_start3A_114 = arith.constant 0 : i32
      %dma_start3A_115 = tpu.memref_slice %arg8[%dma_start3A, %dma_start3A_113, %dma_start3A_114] : memref<2x128x128xf32, #tpu.memory_space<vmem>> -> memref<1x128x128xf32, #tpu.memory_space<vmem>>
      %dma_start3A_116 = tpu.memref_squeeze %dma_start3A_115 : memref<1x128x128xf32, #tpu.memory_space<vmem>> -> memref<128x128xf32, #tpu.memory_space<vmem>>
      %dma_start3A_117 = arith.constant 0 : i32
      %dma_start3A_118 = tpu.memref_slice %arg7[%dma_start3A_111, %dma_start3A_117] : memref<4x128xi32, #tpu.memory_space<vmem>> -> memref<1x128xi32, #tpu.memory_space<vmem>>
      %dma_start3A_119 = tpu.memref_squeeze %dma_start3A_118 : memref<1x128xi32, #tpu.memory_space<vmem>> -> memref<128xi32, #tpu.memory_space<vmem>>
      %dma_start3A_120 = arith.constant 0 : i32
      %dma_start3A_121 = arith.constant 0 : i32
      %dma_start3A_122 = tpu.memref_slice %arg9[%dma_start3A_120, %dma_start3A_121] : memref<10240x128xf32, #tpu.memory_space<vmem_shared>> -> memref<10240x128xf32, #tpu.memory_space<vmem_shared>>
      %dma_start3A_123 = tpu.memref_slice %arg12[%dma_start3A_112] : memref<2x!tpu.dma_semaphore, #tpu.memory_space<semaphore_mem>> -> memref<1x!tpu.dma_semaphore, #tpu.memory_space<semaphore_mem>>
      %dma_start3A_124 = tpu.memref_squeeze %dma_start3A_123 : memref<1x!tpu.dma_semaphore, #tpu.memory_space<semaphore_mem>> -> memref<!tpu.dma_semaphore, #tpu.memory_space<semaphore_mem>>
      tpu.enqueue_indirect_dma source(%dma_start3A_116 : memref<128x128xf32, #tpu.memory_space<vmem>>) target(%dma_start3A_122 : memref<10240x128xf32, #tpu.memory_space<vmem_shared>>) offsets(%dma_start3A_119 : memref<128xi32, #tpu.memory_space<vmem>>) semaphore(%dma_start3A_124 : memref<!tpu.dma_semaphore, #tpu.memory_space<semaphore_mem>>) {add = true}
      %mul3A_125 = arith.constant 4 : i32
      %mul3A_126 = arith.muli %while3A_77, %mul3A_125 : i32
      %add3A_127 = arith.constant 1 : i32
      %add3A_128 = arith.addi %mul3A_126, %add3A_127 : i32
      %ge3A_129 = arith.constant 1 : i32
      %ge3A_130 = arith.cmpi sge, %add3A_128, %ge3A_129 : i32
      %convert_element_type3A_131 = arith.extui %ge3A_130 : i1 to i32
      %cond3A_132 = arith.constant 0 : i32
      %cond3A_133 = arith.cmpi ne, %convert_element_type3A_131, %cond3A_132 : i32
      scf.if %cond3A_133 {
        %dma_wait3A_278 = arith.constant 0 : i32
        %dma_wait3A_279 = arith.constant 0 : i32
        %dma_wait3A_280 = arith.constant 0 : i32
        %dma_wait3A_281 = arith.constant 0 : i32
        %dma_wait3A_282 = arith.constant 0 : i32
        %dma_wait3A_283 = tpu.memref_slice %arg8[%dma_wait3A_278, %dma_wait3A_281, %dma_wait3A_282] : memref<2x128x128xf32, #tpu.memory_space<vmem>> -> memref<1x128x128xf32, #tpu.memory_space<vmem>>
        %dma_wait3A_284 = tpu.memref_squeeze %dma_wait3A_283 : memref<1x128x128xf32, #tpu.memory_space<vmem>> -> memref<128x128xf32, #tpu.memory_space<vmem>>
        %dma_wait3A_285 = arith.constant 0 : i32
        %dma_wait3A_286 = tpu.memref_slice %arg7[%dma_wait3A_279, %dma_wait3A_285] : memref<4x128xi32, #tpu.memory_space<vmem>> -> memref<1x128xi32, #tpu.memory_space<vmem>>
        %dma_wait3A_287 = tpu.memref_squeeze %dma_wait3A_286 : memref<1x128xi32, #tpu.memory_space<vmem>> -> memref<128xi32, #tpu.memory_space<vmem>>
        %dma_wait3A_288 = arith.constant 0 : i32
        %dma_wait3A_289 = arith.constant 0 : i32
        %dma_wait3A_290 = tpu.memref_slice %arg9[%dma_wait3A_288, %dma_wait3A_289] : memref<10240x128xf32, #tpu.memory_space<vmem_shared>> -> memref<10240x128xf32, #tpu.memory_space<vmem_shared>>
        %dma_wait3A_291 = tpu.memref_slice %arg12[%dma_wait3A_280] : memref<2x!tpu.dma_semaphore, #tpu.memory_space<semaphore_mem>> -> memref<1x!tpu.dma_semaphore, #tpu.memory_space<semaphore_mem>>
        %dma_wait3A_292 = tpu.memref_squeeze %dma_wait3A_291 : memref<1x!tpu.dma_semaphore, #tpu.memory_space<semaphore_mem>> -> memref<!tpu.dma_semaphore, #tpu.memory_space<semaphore_mem>>
        tpu.wait_indirect_dma semaphore(%dma_wait3A_292 : memref<!tpu.dma_semaphore, #tpu.memory_space<semaphore_mem>>) src(%dma_wait3A_284 : memref<128x128xf32, #tpu.memory_space<vmem>>) dst(%dma_wait3A_290 : memref<10240x128xf32, #tpu.memory_space<vmem_shared>>)
      } else {
      }
      %add3A_134 = arith.constant 2 : i32
      %add3A_135 = arith.addi %add3A_128, %add3A_134 : i32
      %lt3A_136 = arith.cmpi slt, %add3A_135, %select_n3A_8 : i32
      %convert_element_type3A_137 = arith.extui %lt3A_136 : i1 to i32
      %cond3A_138 = arith.constant 0 : i32
      %cond3A_139 = arith.cmpi ne, %convert_element_type3A_137, %cond3A_138 : i32
      scf.if %cond3A_139 {
        %add3A_278 = arith.constant 2 : i32
        %add3A_279 = arith.addi %add3A_128, %add3A_278 : i32
        %add3A_280 = arith.addi %select_n3A, %add3A_279 : i32
        %dma_start3A_281 = arith.constant 3 : i32
        %dma_start3A_282 = arith.constant 3 : i32
        %dma_start3A_283 = arith.constant 0 : i32
        %dma_start3A_284 = tpu.memref_slice %arg6[%dma_start3A_281, %dma_start3A_283] : memref<4x128xi32, #tpu.memory_space<vmem>> -> memref<1x128xi32, #tpu.memory_space<vmem>>
        %dma_start3A_285 = tpu.memref_squeeze %dma_start3A_284 : memref<1x128xi32, #tpu.memory_space<vmem>> -> memref<128xi32, #tpu.memory_space<vmem>>
        %dma_start3A_286 = arith.constant 0 : i32
        %dma_start3A_287 = tpu.memref_slice %arg2[%add3A_280, %dma_start3A_286] : memref<2560x128xi32, #tpu.memory_space<hbm>> -> memref<1x128xi32, #tpu.memory_space<hbm>>
        %dma_start3A_288 = tpu.memref_squeeze %dma_start3A_287 : memref<1x128xi32, #tpu.memory_space<hbm>> -> memref<128xi32, #tpu.memory_space<hbm>>
        %dma_start3A_289 = tpu.memref_slice %arg10[%dma_start3A_282] : memref<4x!tpu.dma_semaphore, #tpu.memory_space<semaphore_mem>> -> memref<1x!tpu.dma_semaphore, #tpu.memory_space<semaphore_mem>>
        %dma_start3A_290 = tpu.memref_squeeze %dma_start3A_289 : memref<1x!tpu.dma_semaphore, #tpu.memory_space<semaphore_mem>> -> memref<!tpu.dma_semaphore, #tpu.memory_space<semaphore_mem>>
        %dma_start3A_291 = arith.constant 0 : i32
        %dma_start3A_292 = tpu.memref_slice %arg6[%dma_start3A_281, %dma_start3A_291] : memref<4x128xi32, #tpu.memory_space<vmem>> -> memref<1x128xi32, #tpu.memory_space<vmem>>
        %dma_start3A_293 = tpu.memref_squeeze %dma_start3A_292 : memref<1x128xi32, #tpu.memory_space<vmem>> -> memref<128xi32, #tpu.memory_space<vmem>>
        %dma_start3A_294 = arith.constant 0 : i32
        %dma_start3A_295 = tpu.memref_slice %arg2[%add3A_280, %dma_start3A_294] : memref<2560x128xi32, #tpu.memory_space<hbm>> -> memref<1x128xi32, #tpu.memory_space<hbm>>
        %dma_start3A_296 = tpu.memref_squeeze %dma_start3A_295 : memref<1x128xi32, #tpu.memory_space<hbm>> -> memref<128xi32, #tpu.memory_space<hbm>>
        tpu.enqueue_dma source(%dma_start3A_296 : memref<128xi32, #tpu.memory_space<hbm>>) target(%dma_start3A_293 : memref<128xi32, #tpu.memory_space<vmem>>) target_semaphore(%dma_start3A_290 : memref<!tpu.dma_semaphore, #tpu.memory_space<semaphore_mem>>)
        %add3A_297 = arith.addi %select_n3A, %add3A_279 : i32
        %dma_start3A_298 = arith.constant 3 : i32
        %dma_start3A_299 = arith.constant 3 : i32
        %dma_start3A_300 = arith.constant 0 : i32
        %dma_start3A_301 = tpu.memref_slice %arg7[%dma_start3A_298, %dma_start3A_300] : memref<4x128xi32, #tpu.memory_space<vmem>> -> memref<1x128xi32, #tpu.memory_space<vmem>>
        %dma_start3A_302 = tpu.memref_squeeze %dma_start3A_301 : memref<1x128xi32, #tpu.memory_space<vmem>> -> memref<128xi32, #tpu.memory_space<vmem>>
        %dma_start3A_303 = arith.constant 0 : i32
        %dma_start3A_304 = tpu.memref_slice %arg3[%add3A_297, %dma_start3A_303] : memref<2560x128xi32, #tpu.memory_space<hbm>> -> memref<1x128xi32, #tpu.memory_space<hbm>>
        %dma_start3A_305 = tpu.memref_squeeze %dma_start3A_304 : memref<1x128xi32, #tpu.memory_space<hbm>> -> memref<128xi32, #tpu.memory_space<hbm>>
        %dma_start3A_306 = tpu.memref_slice %arg10[%dma_start3A_299] : memref<4x!tpu.dma_semaphore, #tpu.memory_space<semaphore_mem>> -> memref<1x!tpu.dma_semaphore, #tpu.memory_space<semaphore_mem>>
        %dma_start3A_307 = tpu.memref_squeeze %dma_start3A_306 : memref<1x!tpu.dma_semaphore, #tpu.memory_space<semaphore_mem>> -> memref<!tpu.dma_semaphore, #tpu.memory_space<semaphore_mem>>
        %dma_start3A_308 = arith.constant 0 : i32
        %dma_start3A_309 = tpu.memref_slice %arg7[%dma_start3A_298, %dma_start3A_308] : memref<4x128xi32, #tpu.memory_space<vmem>> -> memref<1x128xi32, #tpu.memory_space<vmem>>
        %dma_start3A_310 = tpu.memref_squeeze %dma_start3A_309 : memref<1x128xi32, #tpu.memory_space<vmem>> -> memref<128xi32, #tpu.memory_space<vmem>>
        %dma_start3A_311 = arith.constant 0 : i32
        %dma_start3A_312 = tpu.memref_slice %arg3[%add3A_297, %dma_start3A_311] : memref<2560x128xi32, #tpu.memory_space<hbm>> -> memref<1x128xi32, #tpu.memory_space<hbm>>
        %dma_start3A_313 = tpu.memref_squeeze %dma_start3A_312 : memref<1x128xi32, #tpu.memory_space<hbm>> -> memref<128xi32, #tpu.memory_space<hbm>>
        tpu.enqueue_dma source(%dma_start3A_313 : memref<128xi32, #tpu.memory_space<hbm>>) target(%dma_start3A_310 : memref<128xi32, #tpu.memory_space<vmem>>) target_semaphore(%dma_start3A_307 : memref<!tpu.dma_semaphore, #tpu.memory_space<semaphore_mem>>)
      } else {
      }
      %add3A_140 = arith.constant 1 : i32
      %add3A_141 = arith.addi %add3A_128, %add3A_140 : i32
      %lt3A_142 = arith.cmpi slt, %add3A_141, %select_n3A_8 : i32
      %convert_element_type3A_143 = arith.extui %lt3A_142 : i1 to i32
      %cond3A_144 = arith.constant 0 : i32
      %cond3A_145 = arith.cmpi ne, %convert_element_type3A_143, %cond3A_144 : i32
      scf.if %cond3A_145 {
        %dma_wait3A_278 = arith.constant 2 : i32
        %dma_wait3A_279 = arith.constant 2 : i32
        %dma_wait3A_280 = arith.constant 0 : i32
        %dma_wait3A_281 = tpu.memref_slice %arg6[%dma_wait3A_278, %dma_wait3A_280] : memref<4x128xi32, #tpu.memory_space<vmem>> -> memref<1x128xi32, #tpu.memory_space<vmem>>
        %dma_wait3A_282 = tpu.memref_squeeze %dma_wait3A_281 : memref<1x128xi32, #tpu.memory_space<vmem>> -> memref<128xi32, #tpu.memory_space<vmem>>
        %dma_wait3A_283 = arith.constant 0 : i32
        %dma_wait3A_284 = tpu.memref_slice %arg2[%select_n3A, %dma_wait3A_283] : memref<2560x128xi32, #tpu.memory_space<hbm>> -> memref<1x128xi32, #tpu.memory_space<hbm>>
        %dma_wait3A_285 = tpu.memref_squeeze %dma_wait3A_284 : memref<1x128xi32, #tpu.memory_space<hbm>> -> memref<128xi32, #tpu.memory_space<hbm>>
        %dma_wait3A_286 = tpu.memref_slice %arg10[%dma_wait3A_279] : memref<4x!tpu.dma_semaphore, #tpu.memory_space<semaphore_mem>> -> memref<1x!tpu.dma_semaphore, #tpu.memory_space<semaphore_mem>>
        %dma_wait3A_287 = tpu.memref_squeeze %dma_wait3A_286 : memref<1x!tpu.dma_semaphore, #tpu.memory_space<semaphore_mem>> -> memref<!tpu.dma_semaphore, #tpu.memory_space<semaphore_mem>>
        %dma_wait3A_288 = arith.constant 0 : i32
        %dma_wait3A_289 = tpu.memref_slice %arg6[%dma_wait3A_278, %dma_wait3A_288] : memref<4x128xi32, #tpu.memory_space<vmem>> -> memref<1x128xi32, #tpu.memory_space<vmem>>
        %dma_wait3A_290 = tpu.memref_squeeze %dma_wait3A_289 : memref<1x128xi32, #tpu.memory_space<vmem>> -> memref<128xi32, #tpu.memory_space<vmem>>
        %dma_wait3A_291 = arith.constant 0 : i32
        %dma_wait3A_292 = tpu.memref_slice %arg2[%select_n3A, %dma_wait3A_291] : memref<2560x128xi32, #tpu.memory_space<hbm>> -> memref<1x128xi32, #tpu.memory_space<hbm>>
        %dma_wait3A_293 = tpu.memref_squeeze %dma_wait3A_292 : memref<1x128xi32, #tpu.memory_space<hbm>> -> memref<128xi32, #tpu.memory_space<hbm>>
        tpu.wait_dma2 semaphore(%dma_wait3A_287 : memref<!tpu.dma_semaphore, #tpu.memory_space<semaphore_mem>>) src(%dma_wait3A_293 : memref<128xi32, #tpu.memory_space<hbm>>) dst(%dma_wait3A_290 : memref<128xi32, #tpu.memory_space<vmem>>)
        %dma_wait3A_294 = arith.constant 2 : i32
        %dma_wait3A_295 = arith.constant 2 : i32
        %dma_wait3A_296 = arith.constant 0 : i32
        %dma_wait3A_297 = tpu.memref_slice %arg7[%dma_wait3A_294, %dma_wait3A_296] : memref<4x128xi32, #tpu.memory_space<vmem>> -> memref<1x128xi32, #tpu.memory_space<vmem>>
        %dma_wait3A_298 = tpu.memref_squeeze %dma_wait3A_297 : memref<1x128xi32, #tpu.memory_space<vmem>> -> memref<128xi32, #tpu.memory_space<vmem>>
        %dma_wait3A_299 = arith.constant 0 : i32
        %dma_wait3A_300 = tpu.memref_slice %arg3[%select_n3A, %dma_wait3A_299] : memref<2560x128xi32, #tpu.memory_space<hbm>> -> memref<1x128xi32, #tpu.memory_space<hbm>>
        %dma_wait3A_301 = tpu.memref_squeeze %dma_wait3A_300 : memref<1x128xi32, #tpu.memory_space<hbm>> -> memref<128xi32, #tpu.memory_space<hbm>>
        %dma_wait3A_302 = tpu.memref_slice %arg10[%dma_wait3A_295] : memref<4x!tpu.dma_semaphore, #tpu.memory_space<semaphore_mem>> -> memref<1x!tpu.dma_semaphore, #tpu.memory_space<semaphore_mem>>
        %dma_wait3A_303 = tpu.memref_squeeze %dma_wait3A_302 : memref<1x!tpu.dma_semaphore, #tpu.memory_space<semaphore_mem>> -> memref<!tpu.dma_semaphore, #tpu.memory_space<semaphore_mem>>
        %dma_wait3A_304 = arith.constant 0 : i32
        %dma_wait3A_305 = tpu.memref_slice %arg7[%dma_wait3A_294, %dma_wait3A_304] : memref<4x128xi32, #tpu.memory_space<vmem>> -> memref<1x128xi32, #tpu.memory_space<vmem>>
        %dma_wait3A_306 = tpu.memref_squeeze %dma_wait3A_305 : memref<1x128xi32, #tpu.memory_space<vmem>> -> memref<128xi32, #tpu.memory_space<vmem>>
        %dma_wait3A_307 = arith.constant 0 : i32
        %dma_wait3A_308 = tpu.memref_slice %arg3[%select_n3A, %dma_wait3A_307] : memref<2560x128xi32, #tpu.memory_space<hbm>> -> memref<1x128xi32, #tpu.memory_space<hbm>>
        %dma_wait3A_309 = tpu.memref_squeeze %dma_wait3A_308 : memref<1x128xi32, #tpu.memory_space<hbm>> -> memref<128xi32, #tpu.memory_space<hbm>>
        tpu.wait_dma2 semaphore(%dma_wait3A_303 : memref<!tpu.dma_semaphore, #tpu.memory_space<semaphore_mem>>) src(%dma_wait3A_309 : memref<128xi32, #tpu.memory_space<hbm>>) dst(%dma_wait3A_306 : memref<128xi32, #tpu.memory_space<vmem>>)
        %dma_start3A_310 = arith.constant 2 : i32
        %dma_start3A_311 = arith.constant 0 : i32
        %dma_start3A_312 = arith.constant 0 : i32
        %dma_start3A_313 = arith.constant 0 : i32
        %dma_start3A_314 = arith.constant 0 : i32
        %dma_start3A_315 = tpu.memref_slice %arg8[%dma_start3A_311, %dma_start3A_313, %dma_start3A_314] : memref<2x128x128xf32, #tpu.memory_space<vmem>> -> memref<1x128x128xf32, #tpu.memory_space<vmem>>
        %dma_start3A_316 = tpu.memref_squeeze %dma_start3A_315 : memref<1x128x128xf32, #tpu.memory_space<vmem>> -> memref<128x128xf32, #tpu.memory_space<vmem>>
        %dma_start3A_317 = arith.constant 0 : i32
        %dma_start3A_318 = tpu.memref_slice %arg6[%dma_start3A_310, %dma_start3A_317] : memref<4x128xi32, #tpu.memory_space<vmem>> -> memref<1x128xi32, #tpu.memory_space<vmem>>
        %dma_start3A_319 = tpu.memref_squeeze %dma_start3A_318 : memref<1x128xi32, #tpu.memory_space<vmem>> -> memref<128xi32, #tpu.memory_space<vmem>>
        %dma_start3A_320 = arith.constant 0 : i32
        %dma_start3A_321 = arith.constant 0 : i32
        %dma_start3A_322 = tpu.memref_slice %arg4[%dma_start3A_320, %dma_start3A_321] : memref<10000x128xf32, #tpu.memory_space<hbm>> -> memref<10000x128xf32, #tpu.memory_space<hbm>>
        %dma_start3A_323 = tpu.memref_slice %arg11[%dma_start3A_312] : memref<2x!tpu.dma_semaphore, #tpu.memory_space<semaphore_mem>> -> memref<1x!tpu.dma_semaphore, #tpu.memory_space<semaphore_mem>>
        %dma_start3A_324 = tpu.memref_squeeze %dma_start3A_323 : memref<1x!tpu.dma_semaphore, #tpu.memory_space<semaphore_mem>> -> memref<!tpu.dma_semaphore, #tpu.memory_space<semaphore_mem>>
        tpu.enqueue_indirect_dma source(%dma_start3A_322 : memref<10000x128xf32, #tpu.memory_space<hbm>>) target(%dma_start3A_316 : memref<128x128xf32, #tpu.memory_space<vmem>>) offsets(%dma_start3A_319 : memref<128xi32, #tpu.memory_space<vmem>>) semaphore(%dma_start3A_324 : memref<!tpu.dma_semaphore, #tpu.memory_space<semaphore_mem>>)
      } else {
      }
      %dma_wait3A_146 = arith.constant 0 : i32
      %dma_wait3A_147 = arith.constant 1 : i32
      %dma_wait3A_148 = arith.constant 1 : i32
      %dma_wait3A_149 = arith.constant 0 : i32
      %dma_wait3A_150 = arith.constant 0 : i32
      %dma_wait3A_151 = tpu.memref_slice %arg8[%dma_wait3A_147, %dma_wait3A_149, %dma_wait3A_150] : memref<2x128x128xf32, #tpu.memory_space<vmem>> -> memref<1x128x128xf32, #tpu.memory_space<vmem>>
      %dma_wait3A_152 = tpu.memref_squeeze %dma_wait3A_151 : memref<1x128x128xf32, #tpu.memory_space<vmem>> -> memref<128x128xf32, #tpu.memory_space<vmem>>
      %dma_wait3A_153 = arith.constant 0 : i32
      %dma_wait3A_154 = tpu.memref_slice %arg6[%dma_wait3A_146, %dma_wait3A_153] : memref<4x128xi32, #tpu.memory_space<vmem>> -> memref<1x128xi32, #tpu.memory_space<vmem>>
      %dma_wait3A_155 = tpu.memref_squeeze %dma_wait3A_154 : memref<1x128xi32, #tpu.memory_space<vmem>> -> memref<128xi32, #tpu.memory_space<vmem>>
      %dma_wait3A_156 = arith.constant 0 : i32
      %dma_wait3A_157 = arith.constant 0 : i32
      %dma_wait3A_158 = tpu.memref_slice %arg4[%dma_wait3A_156, %dma_wait3A_157] : memref<10000x128xf32, #tpu.memory_space<hbm>> -> memref<10000x128xf32, #tpu.memory_space<hbm>>
      %dma_wait3A_159 = tpu.memref_slice %arg11[%dma_wait3A_148] : memref<2x!tpu.dma_semaphore, #tpu.memory_space<semaphore_mem>> -> memref<1x!tpu.dma_semaphore, #tpu.memory_space<semaphore_mem>>
      %dma_wait3A_160 = tpu.memref_squeeze %dma_wait3A_159 : memref<1x!tpu.dma_semaphore, #tpu.memory_space<semaphore_mem>> -> memref<!tpu.dma_semaphore, #tpu.memory_space<semaphore_mem>>
      tpu.wait_indirect_dma semaphore(%dma_wait3A_160 : memref<!tpu.dma_semaphore, #tpu.memory_space<semaphore_mem>>) src(%dma_wait3A_158 : memref<10000x128xf32, #tpu.memory_space<hbm>>) dst(%dma_wait3A_152 : memref<128x128xf32, #tpu.memory_space<vmem>>)
      %dma_start3A_161 = arith.constant 1 : i32
      %dma_start3A_162 = arith.constant 1 : i32
      %dma_start3A_163 = arith.constant 1 : i32
      %dma_start3A_164 = arith.constant 0 : i32
      %dma_start3A_165 = arith.constant 0 : i32
      %dma_start3A_166 = tpu.memref_slice %arg8[%dma_start3A_161, %dma_start3A_164, %dma_start3A_165] : memref<2x128x128xf32, #tpu.memory_space<vmem>> -> memref<1x128x128xf32, #tpu.memory_space<vmem>>
      %dma_start3A_167 = tpu.memref_squeeze %dma_start3A_166 : memref<1x128x128xf32, #tpu.memory_space<vmem>> -> memref<128x128xf32, #tpu.memory_space<vmem>>
      %dma_start3A_168 = arith.constant 0 : i32
      %dma_start3A_169 = tpu.memref_slice %arg7[%dma_start3A_162, %dma_start3A_168] : memref<4x128xi32, #tpu.memory_space<vmem>> -> memref<1x128xi32, #tpu.memory_space<vmem>>
      %dma_start3A_170 = tpu.memref_squeeze %dma_start3A_169 : memref<1x128xi32, #tpu.memory_space<vmem>> -> memref<128xi32, #tpu.memory_space<vmem>>
      %dma_start3A_171 = arith.constant 0 : i32
      %dma_start3A_172 = arith.constant 0 : i32
      %dma_start3A_173 = tpu.memref_slice %arg9[%dma_start3A_171, %dma_start3A_172] : memref<10240x128xf32, #tpu.memory_space<vmem_shared>> -> memref<10240x128xf32, #tpu.memory_space<vmem_shared>>
      %dma_start3A_174 = tpu.memref_slice %arg12[%dma_start3A_163] : memref<2x!tpu.dma_semaphore, #tpu.memory_space<semaphore_mem>> -> memref<1x!tpu.dma_semaphore, #tpu.memory_space<semaphore_mem>>
      %dma_start3A_175 = tpu.memref_squeeze %dma_start3A_174 : memref<1x!tpu.dma_semaphore, #tpu.memory_space<semaphore_mem>> -> memref<!tpu.dma_semaphore, #tpu.memory_space<semaphore_mem>>
      tpu.enqueue_indirect_dma source(%dma_start3A_167 : memref<128x128xf32, #tpu.memory_space<vmem>>) target(%dma_start3A_173 : memref<10240x128xf32, #tpu.memory_space<vmem_shared>>) offsets(%dma_start3A_170 : memref<128xi32, #tpu.memory_space<vmem>>) semaphore(%dma_start3A_175 : memref<!tpu.dma_semaphore, #tpu.memory_space<semaphore_mem>>) {add = true}
      %mul3A_176 = arith.constant 4 : i32
      %mul3A_177 = arith.muli %while3A_77, %mul3A_176 : i32
      %add3A_178 = arith.constant 2 : i32
      %add3A_179 = arith.addi %mul3A_177, %add3A_178 : i32
      %ge3A_180 = arith.constant 1 : i32
      %ge3A_181 = arith.cmpi sge, %add3A_179, %ge3A_180 : i32
      %convert_element_type3A_182 = arith.extui %ge3A_181 : i1 to i32
      %cond3A_183 = arith.constant 0 : i32
      %cond3A_184 = arith.cmpi ne, %convert_element_type3A_182, %cond3A_183 : i32
      scf.if %cond3A_184 {
        %dma_wait3A_278 = arith.constant 1 : i32
        %dma_wait3A_279 = arith.constant 0 : i32
        %dma_wait3A_280 = arith.constant 1 : i32
        %dma_wait3A_281 = arith.constant 0 : i32
        %dma_wait3A_282 = arith.constant 0 : i32
        %dma_wait3A_283 = tpu.memref_slice %arg8[%dma_wait3A_278, %dma_wait3A_281, %dma_wait3A_282] : memref<2x128x128xf32, #tpu.memory_space<vmem>> -> memref<1x128x128xf32, #tpu.memory_space<vmem>>
        %dma_wait3A_284 = tpu.memref_squeeze %dma_wait3A_283 : memref<1x128x128xf32, #tpu.memory_space<vmem>> -> memref<128x128xf32, #tpu.memory_space<vmem>>
        %dma_wait3A_285 = arith.constant 0 : i32
        %dma_wait3A_286 = tpu.memref_slice %arg7[%dma_wait3A_279, %dma_wait3A_285] : memref<4x128xi32, #tpu.memory_space<vmem>> -> memref<1x128xi32, #tpu.memory_space<vmem>>
        %dma_wait3A_287 = tpu.memref_squeeze %dma_wait3A_286 : memref<1x128xi32, #tpu.memory_space<vmem>> -> memref<128xi32, #tpu.memory_space<vmem>>
        %dma_wait3A_288 = arith.constant 0 : i32
        %dma_wait3A_289 = arith.constant 0 : i32
        %dma_wait3A_290 = tpu.memref_slice %arg9[%dma_wait3A_288, %dma_wait3A_289] : memref<10240x128xf32, #tpu.memory_space<vmem_shared>> -> memref<10240x128xf32, #tpu.memory_space<vmem_shared>>
        %dma_wait3A_291 = tpu.memref_slice %arg12[%dma_wait3A_280] : memref<2x!tpu.dma_semaphore, #tpu.memory_space<semaphore_mem>> -> memref<1x!tpu.dma_semaphore, #tpu.memory_space<semaphore_mem>>
        %dma_wait3A_292 = tpu.memref_squeeze %dma_wait3A_291 : memref<1x!tpu.dma_semaphore, #tpu.memory_space<semaphore_mem>> -> memref<!tpu.dma_semaphore, #tpu.memory_space<semaphore_mem>>
        tpu.wait_indirect_dma semaphore(%dma_wait3A_292 : memref<!tpu.dma_semaphore, #tpu.memory_space<semaphore_mem>>) src(%dma_wait3A_284 : memref<128x128xf32, #tpu.memory_space<vmem>>) dst(%dma_wait3A_290 : memref<10240x128xf32, #tpu.memory_space<vmem_shared>>)
      } else {
      }
      %add3A_185 = arith.constant 2 : i32
      %add3A_186 = arith.addi %add3A_179, %add3A_185 : i32
      %lt3A_187 = arith.cmpi slt, %add3A_186, %select_n3A_8 : i32
      %convert_element_type3A_188 = arith.extui %lt3A_187 : i1 to i32
      %cond3A_189 = arith.constant 0 : i32
      %cond3A_190 = arith.cmpi ne, %convert_element_type3A_188, %cond3A_189 : i32
      scf.if %cond3A_190 {
        %add3A_278 = arith.constant 2 : i32
        %add3A_279 = arith.addi %add3A_179, %add3A_278 : i32
        %add3A_280 = arith.addi %select_n3A, %add3A_279 : i32
        %dma_start3A_281 = arith.constant 0 : i32
        %dma_start3A_282 = arith.constant 0 : i32
        %dma_start3A_283 = arith.constant 0 : i32
        %dma_start3A_284 = tpu.memref_slice %arg6[%dma_start3A_281, %dma_start3A_283] : memref<4x128xi32, #tpu.memory_space<vmem>> -> memref<1x128xi32, #tpu.memory_space<vmem>>
        %dma_start3A_285 = tpu.memref_squeeze %dma_start3A_284 : memref<1x128xi32, #tpu.memory_space<vmem>> -> memref<128xi32, #tpu.memory_space<vmem>>
        %dma_start3A_286 = arith.constant 0 : i32
        %dma_start3A_287 = tpu.memref_slice %arg2[%add3A_280, %dma_start3A_286] : memref<2560x128xi32, #tpu.memory_space<hbm>> -> memref<1x128xi32, #tpu.memory_space<hbm>>
        %dma_start3A_288 = tpu.memref_squeeze %dma_start3A_287 : memref<1x128xi32, #tpu.memory_space<hbm>> -> memref<128xi32, #tpu.memory_space<hbm>>
        %dma_start3A_289 = tpu.memref_slice %arg10[%dma_start3A_282] : memref<4x!tpu.dma_semaphore, #tpu.memory_space<semaphore_mem>> -> memref<1x!tpu.dma_semaphore, #tpu.memory_space<semaphore_mem>>
        %dma_start3A_290 = tpu.memref_squeeze %dma_start3A_289 : memref<1x!tpu.dma_semaphore, #tpu.memory_space<semaphore_mem>> -> memref<!tpu.dma_semaphore, #tpu.memory_space<semaphore_mem>>
        %dma_start3A_291 = arith.constant 0 : i32
        %dma_start3A_292 = tpu.memref_slice %arg6[%dma_start3A_281, %dma_start3A_291] : memref<4x128xi32, #tpu.memory_space<vmem>> -> memref<1x128xi32, #tpu.memory_space<vmem>>
        %dma_start3A_293 = tpu.memref_squeeze %dma_start3A_292 : memref<1x128xi32, #tpu.memory_space<vmem>> -> memref<128xi32, #tpu.memory_space<vmem>>
        %dma_start3A_294 = arith.constant 0 : i32
        %dma_start3A_295 = tpu.memref_slice %arg2[%add3A_280, %dma_start3A_294] : memref<2560x128xi32, #tpu.memory_space<hbm>> -> memref<1x128xi32, #tpu.memory_space<hbm>>
        %dma_start3A_296 = tpu.memref_squeeze %dma_start3A_295 : memref<1x128xi32, #tpu.memory_space<hbm>> -> memref<128xi32, #tpu.memory_space<hbm>>
        tpu.enqueue_dma source(%dma_start3A_296 : memref<128xi32, #tpu.memory_space<hbm>>) target(%dma_start3A_293 : memref<128xi32, #tpu.memory_space<vmem>>) target_semaphore(%dma_start3A_290 : memref<!tpu.dma_semaphore, #tpu.memory_space<semaphore_mem>>)
        %add3A_297 = arith.addi %select_n3A, %add3A_279 : i32
        %dma_start3A_298 = arith.constant 0 : i32
        %dma_start3A_299 = arith.constant 0 : i32
        %dma_start3A_300 = arith.constant 0 : i32
        %dma_start3A_301 = tpu.memref_slice %arg7[%dma_start3A_298, %dma_start3A_300] : memref<4x128xi32, #tpu.memory_space<vmem>> -> memref<1x128xi32, #tpu.memory_space<vmem>>
        %dma_start3A_302 = tpu.memref_squeeze %dma_start3A_301 : memref<1x128xi32, #tpu.memory_space<vmem>> -> memref<128xi32, #tpu.memory_space<vmem>>
        %dma_start3A_303 = arith.constant 0 : i32
        %dma_start3A_304 = tpu.memref_slice %arg3[%add3A_297, %dma_start3A_303] : memref<2560x128xi32, #tpu.memory_space<hbm>> -> memref<1x128xi32, #tpu.memory_space<hbm>>
        %dma_start3A_305 = tpu.memref_squeeze %dma_start3A_304 : memref<1x128xi32, #tpu.memory_space<hbm>> -> memref<128xi32, #tpu.memory_space<hbm>>
        %dma_start3A_306 = tpu.memref_slice %arg10[%dma_start3A_299] : memref<4x!tpu.dma_semaphore, #tpu.memory_space<semaphore_mem>> -> memref<1x!tpu.dma_semaphore, #tpu.memory_space<semaphore_mem>>
        %dma_start3A_307 = tpu.memref_squeeze %dma_start3A_306 : memref<1x!tpu.dma_semaphore, #tpu.memory_space<semaphore_mem>> -> memref<!tpu.dma_semaphore, #tpu.memory_space<semaphore_mem>>
        %dma_start3A_308 = arith.constant 0 : i32
        %dma_start3A_309 = tpu.memref_slice %arg7[%dma_start3A_298, %dma_start3A_308] : memref<4x128xi32, #tpu.memory_space<vmem>> -> memref<1x128xi32, #tpu.memory_space<vmem>>
        %dma_start3A_310 = tpu.memref_squeeze %dma_start3A_309 : memref<1x128xi32, #tpu.memory_space<vmem>> -> memref<128xi32, #tpu.memory_space<vmem>>
        %dma_start3A_311 = arith.constant 0 : i32
        %dma_start3A_312 = tpu.memref_slice %arg3[%add3A_297, %dma_start3A_311] : memref<2560x128xi32, #tpu.memory_space<hbm>> -> memref<1x128xi32, #tpu.memory_space<hbm>>
        %dma_start3A_313 = tpu.memref_squeeze %dma_start3A_312 : memref<1x128xi32, #tpu.memory_space<hbm>> -> memref<128xi32, #tpu.memory_space<hbm>>
        tpu.enqueue_dma source(%dma_start3A_313 : memref<128xi32, #tpu.memory_space<hbm>>) target(%dma_start3A_310 : memref<128xi32, #tpu.memory_space<vmem>>) target_semaphore(%dma_start3A_307 : memref<!tpu.dma_semaphore, #tpu.memory_space<semaphore_mem>>)
      } else {
      }
      %add3A_191 = arith.constant 1 : i32
      %add3A_192 = arith.addi %add3A_179, %add3A_191 : i32
      %lt3A_193 = arith.cmpi slt, %add3A_192, %select_n3A_8 : i32
      %convert_element_type3A_194 = arith.extui %lt3A_193 : i1 to i32
      %cond3A_195 = arith.constant 0 : i32
      %cond3A_196 = arith.cmpi ne, %convert_element_type3A_194, %cond3A_195 : i32
      scf.if %cond3A_196 {
        %dma_wait3A_278 = arith.constant 3 : i32
        %dma_wait3A_279 = arith.constant 3 : i32
        %dma_wait3A_280 = arith.constant 0 : i32
        %dma_wait3A_281 = tpu.memref_slice %arg6[%dma_wait3A_278, %dma_wait3A_280] : memref<4x128xi32, #tpu.memory_space<vmem>> -> memref<1x128xi32, #tpu.memory_space<vmem>>
        %dma_wait3A_282 = tpu.memref_squeeze %dma_wait3A_281 : memref<1x128xi32, #tpu.memory_space<vmem>> -> memref<128xi32, #tpu.memory_space<vmem>>
        %dma_wait3A_283 = arith.constant 0 : i32
        %dma_wait3A_284 = tpu.memref_slice %arg2[%select_n3A, %dma_wait3A_283] : memref<2560x128xi32, #tpu.memory_space<hbm>> -> memref<1x128xi32, #tpu.memory_space<hbm>>
        %dma_wait3A_285 = tpu.memref_squeeze %dma_wait3A_284 : memref<1x128xi32, #tpu.memory_space<hbm>> -> memref<128xi32, #tpu.memory_space<hbm>>
        %dma_wait3A_286 = tpu.memref_slice %arg10[%dma_wait3A_279] : memref<4x!tpu.dma_semaphore, #tpu.memory_space<semaphore_mem>> -> memref<1x!tpu.dma_semaphore, #tpu.memory_space<semaphore_mem>>
        %dma_wait3A_287 = tpu.memref_squeeze %dma_wait3A_286 : memref<1x!tpu.dma_semaphore, #tpu.memory_space<semaphore_mem>> -> memref<!tpu.dma_semaphore, #tpu.memory_space<semaphore_mem>>
        %dma_wait3A_288 = arith.constant 0 : i32
        %dma_wait3A_289 = tpu.memref_slice %arg6[%dma_wait3A_278, %dma_wait3A_288] : memref<4x128xi32, #tpu.memory_space<vmem>> -> memref<1x128xi32, #tpu.memory_space<vmem>>
        %dma_wait3A_290 = tpu.memref_squeeze %dma_wait3A_289 : memref<1x128xi32, #tpu.memory_space<vmem>> -> memref<128xi32, #tpu.memory_space<vmem>>
        %dma_wait3A_291 = arith.constant 0 : i32
        %dma_wait3A_292 = tpu.memref_slice %arg2[%select_n3A, %dma_wait3A_291] : memref<2560x128xi32, #tpu.memory_space<hbm>> -> memref<1x128xi32, #tpu.memory_space<hbm>>
        %dma_wait3A_293 = tpu.memref_squeeze %dma_wait3A_292 : memref<1x128xi32, #tpu.memory_space<hbm>> -> memref<128xi32, #tpu.memory_space<hbm>>
        tpu.wait_dma2 semaphore(%dma_wait3A_287 : memref<!tpu.dma_semaphore, #tpu.memory_space<semaphore_mem>>) src(%dma_wait3A_293 : memref<128xi32, #tpu.memory_space<hbm>>) dst(%dma_wait3A_290 : memref<128xi32, #tpu.memory_space<vmem>>)
        %dma_wait3A_294 = arith.constant 3 : i32
        %dma_wait3A_295 = arith.constant 3 : i32
        %dma_wait3A_296 = arith.constant 0 : i32
        %dma_wait3A_297 = tpu.memref_slice %arg7[%dma_wait3A_294, %dma_wait3A_296] : memref<4x128xi32, #tpu.memory_space<vmem>> -> memref<1x128xi32, #tpu.memory_space<vmem>>
        %dma_wait3A_298 = tpu.memref_squeeze %dma_wait3A_297 : memref<1x128xi32, #tpu.memory_space<vmem>> -> memref<128xi32, #tpu.memory_space<vmem>>
        %dma_wait3A_299 = arith.constant 0 : i32
        %dma_wait3A_300 = tpu.memref_slice %arg3[%select_n3A, %dma_wait3A_299] : memref<2560x128xi32, #tpu.memory_space<hbm>> -> memref<1x128xi32, #tpu.memory_space<hbm>>
        %dma_wait3A_301 = tpu.memref_squeeze %dma_wait3A_300 : memref<1x128xi32, #tpu.memory_space<hbm>> -> memref<128xi32, #tpu.memory_space<hbm>>
        %dma_wait3A_302 = tpu.memref_slice %arg10[%dma_wait3A_295] : memref<4x!tpu.dma_semaphore, #tpu.memory_space<semaphore_mem>> -> memref<1x!tpu.dma_semaphore, #tpu.memory_space<semaphore_mem>>
        %dma_wait3A_303 = tpu.memref_squeeze %dma_wait3A_302 : memref<1x!tpu.dma_semaphore, #tpu.memory_space<semaphore_mem>> -> memref<!tpu.dma_semaphore, #tpu.memory_space<semaphore_mem>>
        %dma_wait3A_304 = arith.constant 0 : i32
        %dma_wait3A_305 = tpu.memref_slice %arg7[%dma_wait3A_294, %dma_wait3A_304] : memref<4x128xi32, #tpu.memory_space<vmem>> -> memref<1x128xi32, #tpu.memory_space<vmem>>
        %dma_wait3A_306 = tpu.memref_squeeze %dma_wait3A_305 : memref<1x128xi32, #tpu.memory_space<vmem>> -> memref<128xi32, #tpu.memory_space<vmem>>
        %dma_wait3A_307 = arith.constant 0 : i32
        %dma_wait3A_308 = tpu.memref_slice %arg3[%select_n3A, %dma_wait3A_307] : memref<2560x128xi32, #tpu.memory_space<hbm>> -> memref<1x128xi32, #tpu.memory_space<hbm>>
        %dma_wait3A_309 = tpu.memref_squeeze %dma_wait3A_308 : memref<1x128xi32, #tpu.memory_space<hbm>> -> memref<128xi32, #tpu.memory_space<hbm>>
        tpu.wait_dma2 semaphore(%dma_wait3A_303 : memref<!tpu.dma_semaphore, #tpu.memory_space<semaphore_mem>>) src(%dma_wait3A_309 : memref<128xi32, #tpu.memory_space<hbm>>) dst(%dma_wait3A_306 : memref<128xi32, #tpu.memory_space<vmem>>)
        %dma_start3A_310 = arith.constant 3 : i32
        %dma_start3A_311 = arith.constant 1 : i32
        %dma_start3A_312 = arith.constant 1 : i32
        %dma_start3A_313 = arith.constant 0 : i32
        %dma_start3A_314 = arith.constant 0 : i32
        %dma_start3A_315 = tpu.memref_slice %arg8[%dma_start3A_311, %dma_start3A_313, %dma_start3A_314] : memref<2x128x128xf32, #tpu.memory_space<vmem>> -> memref<1x128x128xf32, #tpu.memory_space<vmem>>
        %dma_start3A_316 = tpu.memref_squeeze %dma_start3A_315 : memref<1x128x128xf32, #tpu.memory_space<vmem>> -> memref<128x128xf32, #tpu.memory_space<vmem>>
        %dma_start3A_317 = arith.constant 0 : i32
        %dma_start3A_318 = tpu.memref_slice %arg6[%dma_start3A_310, %dma_start3A_317] : memref<4x128xi32, #tpu.memory_space<vmem>> -> memref<1x128xi32, #tpu.memory_space<vmem>>
        %dma_start3A_319 = tpu.memref_squeeze %dma_start3A_318 : memref<1x128xi32, #tpu.memory_space<vmem>> -> memref<128xi32, #tpu.memory_space<vmem>>
        %dma_start3A_320 = arith.constant 0 : i32
        %dma_start3A_321 = arith.constant 0 : i32
        %dma_start3A_322 = tpu.memref_slice %arg4[%dma_start3A_320, %dma_start3A_321] : memref<10000x128xf32, #tpu.memory_space<hbm>> -> memref<10000x128xf32, #tpu.memory_space<hbm>>
        %dma_start3A_323 = tpu.memref_slice %arg11[%dma_start3A_312] : memref<2x!tpu.dma_semaphore, #tpu.memory_space<semaphore_mem>> -> memref<1x!tpu.dma_semaphore, #tpu.memory_space<semaphore_mem>>
        %dma_start3A_324 = tpu.memref_squeeze %dma_start3A_323 : memref<1x!tpu.dma_semaphore, #tpu.memory_space<semaphore_mem>> -> memref<!tpu.dma_semaphore, #tpu.memory_space<semaphore_mem>>
        tpu.enqueue_indirect_dma source(%dma_start3A_322 : memref<10000x128xf32, #tpu.memory_space<hbm>>) target(%dma_start3A_316 : memref<128x128xf32, #tpu.memory_space<vmem>>) offsets(%dma_start3A_319 : memref<128xi32, #tpu.memory_space<vmem>>) semaphore(%dma_start3A_324 : memref<!tpu.dma_semaphore, #tpu.memory_space<semaphore_mem>>)
      } else {
      }
      %dma_wait3A_197 = arith.constant 0 : i32
      %dma_wait3A_198 = arith.constant 0 : i32
      %dma_wait3A_199 = arith.constant 0 : i32
      %dma_wait3A_200 = arith.constant 0 : i32
      %dma_wait3A_201 = arith.constant 0 : i32
      %dma_wait3A_202 = tpu.memref_slice %arg8[%dma_wait3A_198, %dma_wait3A_200, %dma_wait3A_201] : memref<2x128x128xf32, #tpu.memory_space<vmem>> -> memref<1x128x128xf32, #tpu.memory_space<vmem>>
      %dma_wait3A_203 = tpu.memref_squeeze %dma_wait3A_202 : memref<1x128x128xf32, #tpu.memory_space<vmem>> -> memref<128x128xf32, #tpu.memory_space<vmem>>
      %dma_wait3A_204 = arith.constant 0 : i32
      %dma_wait3A_205 = tpu.memref_slice %arg6[%dma_wait3A_197, %dma_wait3A_204] : memref<4x128xi32, #tpu.memory_space<vmem>> -> memref<1x128xi32, #tpu.memory_space<vmem>>
      %dma_wait3A_206 = tpu.memref_squeeze %dma_wait3A_205 : memref<1x128xi32, #tpu.memory_space<vmem>> -> memref<128xi32, #tpu.memory_space<vmem>>
      %dma_wait3A_207 = arith.constant 0 : i32
      %dma_wait3A_208 = arith.constant 0 : i32
      %dma_wait3A_209 = tpu.memref_slice %arg4[%dma_wait3A_207, %dma_wait3A_208] : memref<10000x128xf32, #tpu.memory_space<hbm>> -> memref<10000x128xf32, #tpu.memory_space<hbm>>
      %dma_wait3A_210 = tpu.memref_slice %arg11[%dma_wait3A_199] : memref<2x!tpu.dma_semaphore, #tpu.memory_space<semaphore_mem>> -> memref<1x!tpu.dma_semaphore, #tpu.memory_space<semaphore_mem>>
      %dma_wait3A_211 = tpu.memref_squeeze %dma_wait3A_210 : memref<1x!tpu.dma_semaphore, #tpu.memory_space<semaphore_mem>> -> memref<!tpu.dma_semaphore, #tpu.memory_space<semaphore_mem>>
      tpu.wait_indirect_dma semaphore(%dma_wait3A_211 : memref<!tpu.dma_semaphore, #tpu.memory_space<semaphore_mem>>) src(%dma_wait3A_209 : memref<10000x128xf32, #tpu.memory_space<hbm>>) dst(%dma_wait3A_203 : memref<128x128xf32, #tpu.memory_space<vmem>>)
      %dma_start3A_212 = arith.constant 0 : i32
      %dma_start3A_213 = arith.constant 2 : i32
      %dma_start3A_214 = arith.constant 0 : i32
      %dma_start3A_215 = arith.constant 0 : i32
      %dma_start3A_216 = arith.constant 0 : i32
      %dma_start3A_217 = tpu.memref_slice %arg8[%dma_start3A_212, %dma_start3A_215, %dma_start3A_216] : memref<2x128x128xf32, #tpu.memory_space<vmem>> -> memref<1x128x128xf32, #tpu.memory_space<vmem>>
      %dma_start3A_218 = tpu.memref_squeeze %dma_start3A_217 : memref<1x128x128xf32, #tpu.memory_space<vmem>> -> memref<128x128xf32, #tpu.memory_space<vmem>>
      %dma_start3A_219 = arith.constant 0 : i32
      %dma_start3A_220 = tpu.memref_slice %arg7[%dma_start3A_213, %dma_start3A_219] : memref<4x128xi32, #tpu.memory_space<vmem>> -> memref<1x128xi32, #tpu.memory_space<vmem>>
      %dma_start3A_221 = tpu.memref_squeeze %dma_start3A_220 : memref<1x128xi32, #tpu.memory_space<vmem>> -> memref<128xi32, #tpu.memory_space<vmem>>
      %dma_start3A_222 = arith.constant 0 : i32
      %dma_start3A_223 = arith.constant 0 : i32
      %dma_start3A_224 = tpu.memref_slice %arg9[%dma_start3A_222, %dma_start3A_223] : memref<10240x128xf32, #tpu.memory_space<vmem_shared>> -> memref<10240x128xf32, #tpu.memory_space<vmem_shared>>
      %dma_start3A_225 = tpu.memref_slice %arg12[%dma_start3A_214] : memref<2x!tpu.dma_semaphore, #tpu.memory_space<semaphore_mem>> -> memref<1x!tpu.dma_semaphore, #tpu.memory_space<semaphore_mem>>
      %dma_start3A_226 = tpu.memref_squeeze %dma_start3A_225 : memref<1x!tpu.dma_semaphore, #tpu.memory_space<semaphore_mem>> -> memref<!tpu.dma_semaphore, #tpu.memory_space<semaphore_mem>>
      tpu.enqueue_indirect_dma source(%dma_start3A_218 : memref<128x128xf32, #tpu.memory_space<vmem>>) target(%dma_start3A_224 : memref<10240x128xf32, #tpu.memory_space<vmem_shared>>) offsets(%dma_start3A_221 : memref<128xi32, #tpu.memory_space<vmem>>) semaphore(%dma_start3A_226 : memref<!tpu.dma_semaphore, #tpu.memory_space<semaphore_mem>>) {add = true}
      %mul3A_227 = arith.constant 4 : i32
      %mul3A_228 = arith.muli %while3A_77, %mul3A_227 : i32
      %add3A_229 = arith.constant 3 : i32
      %add3A_230 = arith.addi %mul3A_228, %add3A_229 : i32
      %ge3A_231 = arith.constant 1 : i32
      %ge3A_232 = arith.cmpi sge, %add3A_230, %ge3A_231 : i32
      %convert_element_type3A_233 = arith.extui %ge3A_232 : i1 to i32
      %cond3A_234 = arith.constant 0 : i32
      %cond3A_235 = arith.cmpi ne, %convert_element_type3A_233, %cond3A_234 : i32
      scf.if %cond3A_235 {
        %dma_wait3A_278 = arith.constant 0 : i32
        %dma_wait3A_279 = arith.constant 0 : i32
        %dma_wait3A_280 = arith.constant 0 : i32
        %dma_wait3A_281 = arith.constant 0 : i32
        %dma_wait3A_282 = arith.constant 0 : i32
        %dma_wait3A_283 = tpu.memref_slice %arg8[%dma_wait3A_278, %dma_wait3A_281, %dma_wait3A_282] : memref<2x128x128xf32, #tpu.memory_space<vmem>> -> memref<1x128x128xf32, #tpu.memory_space<vmem>>
        %dma_wait3A_284 = tpu.memref_squeeze %dma_wait3A_283 : memref<1x128x128xf32, #tpu.memory_space<vmem>> -> memref<128x128xf32, #tpu.memory_space<vmem>>
        %dma_wait3A_285 = arith.constant 0 : i32
        %dma_wait3A_286 = tpu.memref_slice %arg7[%dma_wait3A_279, %dma_wait3A_285] : memref<4x128xi32, #tpu.memory_space<vmem>> -> memref<1x128xi32, #tpu.memory_space<vmem>>
        %dma_wait3A_287 = tpu.memref_squeeze %dma_wait3A_286 : memref<1x128xi32, #tpu.memory_space<vmem>> -> memref<128xi32, #tpu.memory_space<vmem>>
        %dma_wait3A_288 = arith.constant 0 : i32
        %dma_wait3A_289 = arith.constant 0 : i32
        %dma_wait3A_290 = tpu.memref_slice %arg9[%dma_wait3A_288, %dma_wait3A_289] : memref<10240x128xf32, #tpu.memory_space<vmem_shared>> -> memref<10240x128xf32, #tpu.memory_space<vmem_shared>>
        %dma_wait3A_291 = tpu.memref_slice %arg12[%dma_wait3A_280] : memref<2x!tpu.dma_semaphore, #tpu.memory_space<semaphore_mem>> -> memref<1x!tpu.dma_semaphore, #tpu.memory_space<semaphore_mem>>
        %dma_wait3A_292 = tpu.memref_squeeze %dma_wait3A_291 : memref<1x!tpu.dma_semaphore, #tpu.memory_space<semaphore_mem>> -> memref<!tpu.dma_semaphore, #tpu.memory_space<semaphore_mem>>
        tpu.wait_indirect_dma semaphore(%dma_wait3A_292 : memref<!tpu.dma_semaphore, #tpu.memory_space<semaphore_mem>>) src(%dma_wait3A_284 : memref<128x128xf32, #tpu.memory_space<vmem>>) dst(%dma_wait3A_290 : memref<10240x128xf32, #tpu.memory_space<vmem_shared>>)
      } else {
      }
      %add3A_236 = arith.constant 2 : i32
      %add3A_237 = arith.addi %add3A_230, %add3A_236 : i32
      %lt3A_238 = arith.cmpi slt, %add3A_237, %select_n3A_8 : i32
      %convert_element_type3A_239 = arith.extui %lt3A_238 : i1 to i32
      %cond3A_240 = arith.constant 0 : i32
      %cond3A_241 = arith.cmpi ne, %convert_element_type3A_239, %cond3A_240 : i32
      scf.if %cond3A_241 {
        %add3A_278 = arith.constant 2 : i32
        %add3A_279 = arith.addi %add3A_230, %add3A_278 : i32
        %add3A_280 = arith.addi %select_n3A, %add3A_279 : i32
        %dma_start3A_281 = arith.constant 1 : i32
        %dma_start3A_282 = arith.constant 1 : i32
        %dma_start3A_283 = arith.constant 0 : i32
        %dma_start3A_284 = tpu.memref_slice %arg6[%dma_start3A_281, %dma_start3A_283] : memref<4x128xi32, #tpu.memory_space<vmem>> -> memref<1x128xi32, #tpu.memory_space<vmem>>
        %dma_start3A_285 = tpu.memref_squeeze %dma_start3A_284 : memref<1x128xi32, #tpu.memory_space<vmem>> -> memref<128xi32, #tpu.memory_space<vmem>>
        %dma_start3A_286 = arith.constant 0 : i32
        %dma_start3A_287 = tpu.memref_slice %arg2[%add3A_280, %dma_start3A_286] : memref<2560x128xi32, #tpu.memory_space<hbm>> -> memref<1x128xi32, #tpu.memory_space<hbm>>
        %dma_start3A_288 = tpu.memref_squeeze %dma_start3A_287 : memref<1x128xi32, #tpu.memory_space<hbm>> -> memref<128xi32, #tpu.memory_space<hbm>>
        %dma_start3A_289 = tpu.memref_slice %arg10[%dma_start3A_282] : memref<4x!tpu.dma_semaphore, #tpu.memory_space<semaphore_mem>> -> memref<1x!tpu.dma_semaphore, #tpu.memory_space<semaphore_mem>>
        %dma_start3A_290 = tpu.memref_squeeze %dma_start3A_289 : memref<1x!tpu.dma_semaphore, #tpu.memory_space<semaphore_mem>> -> memref<!tpu.dma_semaphore, #tpu.memory_space<semaphore_mem>>
        %dma_start3A_291 = arith.constant 0 : i32
        %dma_start3A_292 = tpu.memref_slice %arg6[%dma_start3A_281, %dma_start3A_291] : memref<4x128xi32, #tpu.memory_space<vmem>> -> memref<1x128xi32, #tpu.memory_space<vmem>>
        %dma_start3A_293 = tpu.memref_squeeze %dma_start3A_292 : memref<1x128xi32, #tpu.memory_space<vmem>> -> memref<128xi32, #tpu.memory_space<vmem>>
        %dma_start3A_294 = arith.constant 0 : i32
        %dma_start3A_295 = tpu.memref_slice %arg2[%add3A_280, %dma_start3A_294] : memref<2560x128xi32, #tpu.memory_space<hbm>> -> memref<1x128xi32, #tpu.memory_space<hbm>>
        %dma_start3A_296 = tpu.memref_squeeze %dma_start3A_295 : memref<1x128xi32, #tpu.memory_space<hbm>> -> memref<128xi32, #tpu.memory_space<hbm>>
        tpu.enqueue_dma source(%dma_start3A_296 : memref<128xi32, #tpu.memory_space<hbm>>) target(%dma_start3A_293 : memref<128xi32, #tpu.memory_space<vmem>>) target_semaphore(%dma_start3A_290 : memref<!tpu.dma_semaphore, #tpu.memory_space<semaphore_mem>>)
        %add3A_297 = arith.addi %select_n3A, %add3A_279 : i32
        %dma_start3A_298 = arith.constant 1 : i32
        %dma_start3A_299 = arith.constant 1 : i32
        %dma_start3A_300 = arith.constant 0 : i32
        %dma_start3A_301 = tpu.memref_slice %arg7[%dma_start3A_298, %dma_start3A_300] : memref<4x128xi32, #tpu.memory_space<vmem>> -> memref<1x128xi32, #tpu.memory_space<vmem>>
        %dma_start3A_302 = tpu.memref_squeeze %dma_start3A_301 : memref<1x128xi32, #tpu.memory_space<vmem>> -> memref<128xi32, #tpu.memory_space<vmem>>
        %dma_start3A_303 = arith.constant 0 : i32
        %dma_start3A_304 = tpu.memref_slice %arg3[%add3A_297, %dma_start3A_303] : memref<2560x128xi32, #tpu.memory_space<hbm>> -> memref<1x128xi32, #tpu.memory_space<hbm>>
        %dma_start3A_305 = tpu.memref_squeeze %dma_start3A_304 : memref<1x128xi32, #tpu.memory_space<hbm>> -> memref<128xi32, #tpu.memory_space<hbm>>
        %dma_start3A_306 = tpu.memref_slice %arg10[%dma_start3A_299] : memref<4x!tpu.dma_semaphore, #tpu.memory_space<semaphore_mem>> -> memref<1x!tpu.dma_semaphore, #tpu.memory_space<semaphore_mem>>
        %dma_start3A_307 = tpu.memref_squeeze %dma_start3A_306 : memref<1x!tpu.dma_semaphore, #tpu.memory_space<semaphore_mem>> -> memref<!tpu.dma_semaphore, #tpu.memory_space<semaphore_mem>>
        %dma_start3A_308 = arith.constant 0 : i32
        %dma_start3A_309 = tpu.memref_slice %arg7[%dma_start3A_298, %dma_start3A_308] : memref<4x128xi32, #tpu.memory_space<vmem>> -> memref<1x128xi32, #tpu.memory_space<vmem>>
        %dma_start3A_310 = tpu.memref_squeeze %dma_start3A_309 : memref<1x128xi32, #tpu.memory_space<vmem>> -> memref<128xi32, #tpu.memory_space<vmem>>
        %dma_start3A_311 = arith.constant 0 : i32
        %dma_start3A_312 = tpu.memref_slice %arg3[%add3A_297, %dma_start3A_311] : memref<2560x128xi32, #tpu.memory_space<hbm>> -> memref<1x128xi32, #tpu.memory_space<hbm>>
        %dma_start3A_313 = tpu.memref_squeeze %dma_start3A_312 : memref<1x128xi32, #tpu.memory_space<hbm>> -> memref<128xi32, #tpu.memory_space<hbm>>
        tpu.enqueue_dma source(%dma_start3A_313 : memref<128xi32, #tpu.memory_space<hbm>>) target(%dma_start3A_310 : memref<128xi32, #tpu.memory_space<vmem>>) target_semaphore(%dma_start3A_307 : memref<!tpu.dma_semaphore, #tpu.memory_space<semaphore_mem>>)
      } else {
      }
      %add3A_242 = arith.constant 1 : i32
      %add3A_243 = arith.addi %add3A_230, %add3A_242 : i32
      %lt3A_244 = arith.cmpi slt, %add3A_243, %select_n3A_8 : i32
      %convert_element_type3A_245 = arith.extui %lt3A_244 : i1 to i32
      %cond3A_246 = arith.constant 0 : i32
      %cond3A_247 = arith.cmpi ne, %convert_element_type3A_245, %cond3A_246 : i32
      scf.if %cond3A_247 {
        %dma_wait3A_278 = arith.constant 0 : i32
        %dma_wait3A_279 = arith.constant 0 : i32
        %dma_wait3A_280 = arith.constant 0 : i32
        %dma_wait3A_281 = tpu.memref_slice %arg6[%dma_wait3A_278, %dma_wait3A_280] : memref<4x128xi32, #tpu.memory_space<vmem>> -> memref<1x128xi32, #tpu.memory_space<vmem>>
        %dma_wait3A_282 = tpu.memref_squeeze %dma_wait3A_281 : memref<1x128xi32, #tpu.memory_space<vmem>> -> memref<128xi32, #tpu.memory_space<vmem>>
        %dma_wait3A_283 = arith.constant 0 : i32
        %dma_wait3A_284 = tpu.memref_slice %arg2[%select_n3A, %dma_wait3A_283] : memref<2560x128xi32, #tpu.memory_space<hbm>> -> memref<1x128xi32, #tpu.memory_space<hbm>>
        %dma_wait3A_285 = tpu.memref_squeeze %dma_wait3A_284 : memref<1x128xi32, #tpu.memory_space<hbm>> -> memref<128xi32, #tpu.memory_space<hbm>>
        %dma_wait3A_286 = tpu.memref_slice %arg10[%dma_wait3A_279] : memref<4x!tpu.dma_semaphore, #tpu.memory_space<semaphore_mem>> -> memref<1x!tpu.dma_semaphore, #tpu.memory_space<semaphore_mem>>
        %dma_wait3A_287 = tpu.memref_squeeze %dma_wait3A_286 : memref<1x!tpu.dma_semaphore, #tpu.memory_space<semaphore_mem>> -> memref<!tpu.dma_semaphore, #tpu.memory_space<semaphore_mem>>
        %dma_wait3A_288 = arith.constant 0 : i32
        %dma_wait3A_289 = tpu.memref_slice %arg6[%dma_wait3A_278, %dma_wait3A_288] : memref<4x128xi32, #tpu.memory_space<vmem>> -> memref<1x128xi32, #tpu.memory_space<vmem>>
        %dma_wait3A_290 = tpu.memref_squeeze %dma_wait3A_289 : memref<1x128xi32, #tpu.memory_space<vmem>> -> memref<128xi32, #tpu.memory_space<vmem>>
        %dma_wait3A_291 = arith.constant 0 : i32
        %dma_wait3A_292 = tpu.memref_slice %arg2[%select_n3A, %dma_wait3A_291] : memref<2560x128xi32, #tpu.memory_space<hbm>> -> memref<1x128xi32, #tpu.memory_space<hbm>>
        %dma_wait3A_293 = tpu.memref_squeeze %dma_wait3A_292 : memref<1x128xi32, #tpu.memory_space<hbm>> -> memref<128xi32, #tpu.memory_space<hbm>>
        tpu.wait_dma2 semaphore(%dma_wait3A_287 : memref<!tpu.dma_semaphore, #tpu.memory_space<semaphore_mem>>) src(%dma_wait3A_293 : memref<128xi32, #tpu.memory_space<hbm>>) dst(%dma_wait3A_290 : memref<128xi32, #tpu.memory_space<vmem>>)
        %dma_wait3A_294 = arith.constant 0 : i32
        %dma_wait3A_295 = arith.constant 0 : i32
        %dma_wait3A_296 = arith.constant 0 : i32
        %dma_wait3A_297 = tpu.memref_slice %arg7[%dma_wait3A_294, %dma_wait3A_296] : memref<4x128xi32, #tpu.memory_space<vmem>> -> memref<1x128xi32, #tpu.memory_space<vmem>>
        %dma_wait3A_298 = tpu.memref_squeeze %dma_wait3A_297 : memref<1x128xi32, #tpu.memory_space<vmem>> -> memref<128xi32, #tpu.memory_space<vmem>>
        %dma_wait3A_299 = arith.constant 0 : i32
        %dma_wait3A_300 = tpu.memref_slice %arg3[%select_n3A, %dma_wait3A_299] : memref<2560x128xi32, #tpu.memory_space<hbm>> -> memref<1x128xi32, #tpu.memory_space<hbm>>
        %dma_wait3A_301 = tpu.memref_squeeze %dma_wait3A_300 : memref<1x128xi32, #tpu.memory_space<hbm>> -> memref<128xi32, #tpu.memory_space<hbm>>
        %dma_wait3A_302 = tpu.memref_slice %arg10[%dma_wait3A_295] : memref<4x!tpu.dma_semaphore, #tpu.memory_space<semaphore_mem>> -> memref<1x!tpu.dma_semaphore, #tpu.memory_space<semaphore_mem>>
        %dma_wait3A_303 = tpu.memref_squeeze %dma_wait3A_302 : memref<1x!tpu.dma_semaphore, #tpu.memory_space<semaphore_mem>> -> memref<!tpu.dma_semaphore, #tpu.memory_space<semaphore_mem>>
        %dma_wait3A_304 = arith.constant 0 : i32
        %dma_wait3A_305 = tpu.memref_slice %arg7[%dma_wait3A_294, %dma_wait3A_304] : memref<4x128xi32, #tpu.memory_space<vmem>> -> memref<1x128xi32, #tpu.memory_space<vmem>>
        %dma_wait3A_306 = tpu.memref_squeeze %dma_wait3A_305 : memref<1x128xi32, #tpu.memory_space<vmem>> -> memref<128xi32, #tpu.memory_space<vmem>>
        %dma_wait3A_307 = arith.constant 0 : i32
        %dma_wait3A_308 = tpu.memref_slice %arg3[%select_n3A, %dma_wait3A_307] : memref<2560x128xi32, #tpu.memory_space<hbm>> -> memref<1x128xi32, #tpu.memory_space<hbm>>
        %dma_wait3A_309 = tpu.memref_squeeze %dma_wait3A_308 : memref<1x128xi32, #tpu.memory_space<hbm>> -> memref<128xi32, #tpu.memory_space<hbm>>
        tpu.wait_dma2 semaphore(%dma_wait3A_303 : memref<!tpu.dma_semaphore, #tpu.memory_space<semaphore_mem>>) src(%dma_wait3A_309 : memref<128xi32, #tpu.memory_space<hbm>>) dst(%dma_wait3A_306 : memref<128xi32, #tpu.memory_space<vmem>>)
        %dma_start3A_310 = arith.constant 0 : i32
        %dma_start3A_311 = arith.constant 0 : i32
        %dma_start3A_312 = arith.constant 0 : i32
        %dma_start3A_313 = arith.constant 0 : i32
        %dma_start3A_314 = arith.constant 0 : i32
        %dma_start3A_315 = tpu.memref_slice %arg8[%dma_start3A_311, %dma_start3A_313, %dma_start3A_314] : memref<2x128x128xf32, #tpu.memory_space<vmem>> -> memref<1x128x128xf32, #tpu.memory_space<vmem>>
        %dma_start3A_316 = tpu.memref_squeeze %dma_start3A_315 : memref<1x128x128xf32, #tpu.memory_space<vmem>> -> memref<128x128xf32, #tpu.memory_space<vmem>>
        %dma_start3A_317 = arith.constant 0 : i32
        %dma_start3A_318 = tpu.memref_slice %arg6[%dma_start3A_310, %dma_start3A_317] : memref<4x128xi32, #tpu.memory_space<vmem>> -> memref<1x128xi32, #tpu.memory_space<vmem>>
        %dma_start3A_319 = tpu.memref_squeeze %dma_start3A_318 : memref<1x128xi32, #tpu.memory_space<vmem>> -> memref<128xi32, #tpu.memory_space<vmem>>
        %dma_start3A_320 = arith.constant 0 : i32
        %dma_start3A_321 = arith.constant 0 : i32
        %dma_start3A_322 = tpu.memref_slice %arg4[%dma_start3A_320, %dma_start3A_321] : memref<10000x128xf32, #tpu.memory_space<hbm>> -> memref<10000x128xf32, #tpu.memory_space<hbm>>
        %dma_start3A_323 = tpu.memref_slice %arg11[%dma_start3A_312] : memref<2x!tpu.dma_semaphore, #tpu.memory_space<semaphore_mem>> -> memref<1x!tpu.dma_semaphore, #tpu.memory_space<semaphore_mem>>
        %dma_start3A_324 = tpu.memref_squeeze %dma_start3A_323 : memref<1x!tpu.dma_semaphore, #tpu.memory_space<semaphore_mem>> -> memref<!tpu.dma_semaphore, #tpu.memory_space<semaphore_mem>>
        tpu.enqueue_indirect_dma source(%dma_start3A_322 : memref<10000x128xf32, #tpu.memory_space<hbm>>) target(%dma_start3A_316 : memref<128x128xf32, #tpu.memory_space<vmem>>) offsets(%dma_start3A_319 : memref<128xi32, #tpu.memory_space<vmem>>) semaphore(%dma_start3A_324 : memref<!tpu.dma_semaphore, #tpu.memory_space<semaphore_mem>>)
      } else {
      }
      %dma_wait3A_248 = arith.constant 0 : i32
      %dma_wait3A_249 = arith.constant 1 : i32
      %dma_wait3A_250 = arith.constant 1 : i32
      %dma_wait3A_251 = arith.constant 0 : i32
      %dma_wait3A_252 = arith.constant 0 : i32
      %dma_wait3A_253 = tpu.memref_slice %arg8[%dma_wait3A_249, %dma_wait3A_251, %dma_wait3A_252] : memref<2x128x128xf32, #tpu.memory_space<vmem>> -> memref<1x128x128xf32, #tpu.memory_space<vmem>>
      %dma_wait3A_254 = tpu.memref_squeeze %dma_wait3A_253 : memref<1x128x128xf32, #tpu.memory_space<vmem>> -> memref<128x128xf32, #tpu.memory_space<vmem>>
      %dma_wait3A_255 = arith.constant 0 : i32
      %dma_wait3A_256 = tpu.memref_slice %arg6[%dma_wait3A_248, %dma_wait3A_255] : memref<4x128xi32, #tpu.memory_space<vmem>> -> memref<1x128xi32, #tpu.memory_space<vmem>>
      %dma_wait3A_257 = tpu.memref_squeeze %dma_wait3A_256 : memref<1x128xi32, #tpu.memory_space<vmem>> -> memref<128xi32, #tpu.memory_space<vmem>>
      %dma_wait3A_258 = arith.constant 0 : i32
      %dma_wait3A_259 = arith.constant 0 : i32
      %dma_wait3A_260 = tpu.memref_slice %arg4[%dma_wait3A_258, %dma_wait3A_259] : memref<10000x128xf32, #tpu.memory_space<hbm>> -> memref<10000x128xf32, #tpu.memory_space<hbm>>
      %dma_wait3A_261 = tpu.memref_slice %arg11[%dma_wait3A_250] : memref<2x!tpu.dma_semaphore, #tpu.memory_space<semaphore_mem>> -> memref<1x!tpu.dma_semaphore, #tpu.memory_space<semaphore_mem>>
      %dma_wait3A_262 = tpu.memref_squeeze %dma_wait3A_261 : memref<1x!tpu.dma_semaphore, #tpu.memory_space<semaphore_mem>> -> memref<!tpu.dma_semaphore, #tpu.memory_space<semaphore_mem>>
      tpu.wait_indirect_dma semaphore(%dma_wait3A_262 : memref<!tpu.dma_semaphore, #tpu.memory_space<semaphore_mem>>) src(%dma_wait3A_260 : memref<10000x128xf32, #tpu.memory_space<hbm>>) dst(%dma_wait3A_254 : memref<128x128xf32, #tpu.memory_space<vmem>>)
      %dma_start3A_263 = arith.constant 1 : i32
      %dma_start3A_264 = arith.constant 3 : i32
      %dma_start3A_265 = arith.constant 1 : i32
      %dma_start3A_266 = arith.constant 0 : i32
      %dma_start3A_267 = arith.constant 0 : i32
      %dma_start3A_268 = tpu.memref_slice %arg8[%dma_start3A_263, %dma_start3A_266, %dma_start3A_267] : memref<2x128x128xf32, #tpu.memory_space<vmem>> -> memref<1x128x128xf32, #tpu.memory_space<vmem>>
      %dma_start3A_269 = tpu.memref_squeeze %dma_start3A_268 : memref<1x128x128xf32, #tpu.memory_space<vmem>> -> memref<128x128xf32, #tpu.memory_space<vmem>>
      %dma_start3A_270 = arith.constant 0 : i32
      %dma_start3A_271 = tpu.memref_slice %arg7[%dma_start3A_264, %dma_start3A_270] : memref<4x128xi32, #tpu.memory_space<vmem>> -> memref<1x128xi32, #tpu.memory_space<vmem>>
      %dma_start3A_272 = tpu.memref_squeeze %dma_start3A_271 : memref<1x128xi32, #tpu.memory_space<vmem>> -> memref<128xi32, #tpu.memory_space<vmem>>
      %dma_start3A_273 = arith.constant 0 : i32
      %dma_start3A_274 = arith.constant 0 : i32
      %dma_start3A_275 = tpu.memref_slice %arg9[%dma_start3A_273, %dma_start3A_274] : memref<10240x128xf32, #tpu.memory_space<vmem_shared>> -> memref<10240x128xf32, #tpu.memory_space<vmem_shared>>
      %dma_start3A_276 = tpu.memref_slice %arg12[%dma_start3A_265] : memref<2x!tpu.dma_semaphore, #tpu.memory_space<semaphore_mem>> -> memref<1x!tpu.dma_semaphore, #tpu.memory_space<semaphore_mem>>
      %dma_start3A_277 = tpu.memref_squeeze %dma_start3A_276 : memref<1x!tpu.dma_semaphore, #tpu.memory_space<semaphore_mem>> -> memref<!tpu.dma_semaphore, #tpu.memory_space<semaphore_mem>>
      tpu.enqueue_indirect_dma source(%dma_start3A_269 : memref<128x128xf32, #tpu.memory_space<vmem>>) target(%dma_start3A_275 : memref<10240x128xf32, #tpu.memory_space<vmem_shared>>) offsets(%dma_start3A_272 : memref<128xi32, #tpu.memory_space<vmem>>) semaphore(%dma_start3A_277 : memref<!tpu.dma_semaphore, #tpu.memory_space<semaphore_mem>>) {add = true}
    }
    %while3A_66 = arith.constant 1 : i32
    scf.for %while3A_77 = %while3A_64 to %while3A_60 step %while3A_66  : i32 {
      %mul3A_78 = arith.constant 4 : i32
      %mul3A_79 = arith.muli %while3A_77, %mul3A_78 : i32
      %add3A_80 = arith.constant 0 : i32
      %add3A_81 = arith.addi %mul3A_79, %add3A_80 : i32
      %ge3A = arith.constant 1 : i32
      %ge3A_82 = arith.cmpi sge, %add3A_81, %ge3A : i32
      %convert_element_type3A_83 = arith.extui %ge3A_82 : i1 to i32
      %cond3A_84 = arith.constant 0 : i32
      %cond3A_85 = arith.cmpi ne, %convert_element_type3A_83, %cond3A_84 : i32
      scf.if %cond3A_85 {
        %dma_wait3A_278 = arith.constant 1 : i32
        %dma_wait3A_279 = arith.constant 0 : i32
        %dma_wait3A_280 = arith.constant 1 : i32
        %dma_wait3A_281 = arith.constant 0 : i32
        %dma_wait3A_282 = arith.constant 0 : i32
        %dma_wait3A_283 = tpu.memref_slice %arg8[%dma_wait3A_278, %dma_wait3A_281, %dma_wait3A_282] : memref<2x128x128xf32, #tpu.memory_space<vmem>> -> memref<1x128x128xf32, #tpu.memory_space<vmem>>
        %dma_wait3A_284 = tpu.memref_squeeze %dma_wait3A_283 : memref<1x128x128xf32, #tpu.memory_space<vmem>> -> memref<128x128xf32, #tpu.memory_space<vmem>>
        %dma_wait3A_285 = arith.constant 0 : i32
        %dma_wait3A_286 = tpu.memref_slice %arg7[%dma_wait3A_279, %dma_wait3A_285] : memref<4x128xi32, #tpu.memory_space<vmem>> -> memref<1x128xi32, #tpu.memory_space<vmem>>
        %dma_wait3A_287 = tpu.memref_squeeze %dma_wait3A_286 : memref<1x128xi32, #tpu.memory_space<vmem>> -> memref<128xi32, #tpu.memory_space<vmem>>
        %dma_wait3A_288 = arith.constant 0 : i32
        %dma_wait3A_289 = arith.constant 0 : i32
        %dma_wait3A_290 = tpu.memref_slice %arg9[%dma_wait3A_288, %dma_wait3A_289] : memref<10240x128xf32, #tpu.memory_space<vmem_shared>> -> memref<10240x128xf32, #tpu.memory_space<vmem_shared>>
        %dma_wait3A_291 = tpu.memref_slice %arg12[%dma_wait3A_280] : memref<2x!tpu.dma_semaphore, #tpu.memory_space<semaphore_mem>> -> memref<1x!tpu.dma_semaphore, #tpu.memory_space<semaphore_mem>>
        %dma_wait3A_292 = tpu.memref_squeeze %dma_wait3A_291 : memref<1x!tpu.dma_semaphore, #tpu.memory_space<semaphore_mem>> -> memref<!tpu.dma_semaphore, #tpu.memory_space<semaphore_mem>>
        tpu.wait_indirect_dma semaphore(%dma_wait3A_292 : memref<!tpu.dma_semaphore, #tpu.memory_space<semaphore_mem>>) src(%dma_wait3A_284 : memref<128x128xf32, #tpu.memory_space<vmem>>) dst(%dma_wait3A_290 : memref<10240x128xf32, #tpu.memory_space<vmem_shared>>)
      } else {
      }
      %add3A_86 = arith.constant 2 : i32
      %add3A_87 = arith.addi %add3A_81, %add3A_86 : i32
      %lt3A = arith.cmpi slt, %add3A_87, %select_n3A_8 : i32
      %convert_element_type3A_88 = arith.extui %lt3A : i1 to i32
      %cond3A_89 = arith.constant 0 : i32
      %cond3A_90 = arith.cmpi ne, %convert_element_type3A_88, %cond3A_89 : i32
      scf.if %cond3A_90 {
        %add3A_278 = arith.constant 2 : i32
        %add3A_279 = arith.addi %add3A_81, %add3A_278 : i32
        %add3A_280 = arith.addi %select_n3A, %add3A_279 : i32
        %dma_start3A_281 = arith.constant 2 : i32
        %dma_start3A_282 = arith.constant 2 : i32
        %dma_start3A_283 = arith.constant 0 : i32
        %dma_start3A_284 = tpu.memref_slice %arg6[%dma_start3A_281, %dma_start3A_283] : memref<4x128xi32, #tpu.memory_space<vmem>> -> memref<1x128xi32, #tpu.memory_space<vmem>>
        %dma_start3A_285 = tpu.memref_squeeze %dma_start3A_284 : memref<1x128xi32, #tpu.memory_space<vmem>> -> memref<128xi32, #tpu.memory_space<vmem>>
        %dma_start3A_286 = arith.constant 0 : i32
        %dma_start3A_287 = tpu.memref_slice %arg2[%add3A_280, %dma_start3A_286] : memref<2560x128xi32, #tpu.memory_space<hbm>> -> memref<1x128xi32, #tpu.memory_space<hbm>>
        %dma_start3A_288 = tpu.memref_squeeze %dma_start3A_287 : memref<1x128xi32, #tpu.memory_space<hbm>> -> memref<128xi32, #tpu.memory_space<hbm>>
        %dma_start3A_289 = tpu.memref_slice %arg10[%dma_start3A_282] : memref<4x!tpu.dma_semaphore, #tpu.memory_space<semaphore_mem>> -> memref<1x!tpu.dma_semaphore, #tpu.memory_space<semaphore_mem>>
        %dma_start3A_290 = tpu.memref_squeeze %dma_start3A_289 : memref<1x!tpu.dma_semaphore, #tpu.memory_space<semaphore_mem>> -> memref<!tpu.dma_semaphore, #tpu.memory_space<semaphore_mem>>
        %dma_start3A_291 = arith.constant 0 : i32
        %dma_start3A_292 = tpu.memref_slice %arg6[%dma_start3A_281, %dma_start3A_291] : memref<4x128xi32, #tpu.memory_space<vmem>> -> memref<1x128xi32, #tpu.memory_space<vmem>>
        %dma_start3A_293 = tpu.memref_squeeze %dma_start3A_292 : memref<1x128xi32, #tpu.memory_space<vmem>> -> memref<128xi32, #tpu.memory_space<vmem>>
        %dma_start3A_294 = arith.constant 0 : i32
        %dma_start3A_295 = tpu.memref_slice %arg2[%add3A_280, %dma_start3A_294] : memref<2560x128xi32, #tpu.memory_space<hbm>> -> memref<1x128xi32, #tpu.memory_space<hbm>>
        %dma_start3A_296 = tpu.memref_squeeze %dma_start3A_295 : memref<1x128xi32, #tpu.memory_space<hbm>> -> memref<128xi32, #tpu.memory_space<hbm>>
        tpu.enqueue_dma source(%dma_start3A_296 : memref<128xi32, #tpu.memory_space<hbm>>) target(%dma_start3A_293 : memref<128xi32, #tpu.memory_space<vmem>>) target_semaphore(%dma_start3A_290 : memref<!tpu.dma_semaphore, #tpu.memory_space<semaphore_mem>>)
        %add3A_297 = arith.addi %select_n3A, %add3A_279 : i32
        %dma_start3A_298 = arith.constant 2 : i32
        %dma_start3A_299 = arith.constant 2 : i32
        %dma_start3A_300 = arith.constant 0 : i32
        %dma_start3A_301 = tpu.memref_slice %arg7[%dma_start3A_298, %dma_start3A_300] : memref<4x128xi32, #tpu.memory_space<vmem>> -> memref<1x128xi32, #tpu.memory_space<vmem>>
        %dma_start3A_302 = tpu.memref_squeeze %dma_start3A_301 : memref<1x128xi32, #tpu.memory_space<vmem>> -> memref<128xi32, #tpu.memory_space<vmem>>
        %dma_start3A_303 = arith.constant 0 : i32
        %dma_start3A_304 = tpu.memref_slice %arg3[%add3A_297, %dma_start3A_303] : memref<2560x128xi32, #tpu.memory_space<hbm>> -> memref<1x128xi32, #tpu.memory_space<hbm>>
        %dma_start3A_305 = tpu.memref_squeeze %dma_start3A_304 : memref<1x128xi32, #tpu.memory_space<hbm>> -> memref<128xi32, #tpu.memory_space<hbm>>
        %dma_start3A_306 = tpu.memref_slice %arg10[%dma_start3A_299] : memref<4x!tpu.dma_semaphore, #tpu.memory_space<semaphore_mem>> -> memref<1x!tpu.dma_semaphore, #tpu.memory_space<semaphore_mem>>
        %dma_start3A_307 = tpu.memref_squeeze %dma_start3A_306 : memref<1x!tpu.dma_semaphore, #tpu.memory_space<semaphore_mem>> -> memref<!tpu.dma_semaphore, #tpu.memory_space<semaphore_mem>>
        %dma_start3A_308 = arith.constant 0 : i32
        %dma_start3A_309 = tpu.memref_slice %arg7[%dma_start3A_298, %dma_start3A_308] : memref<4x128xi32, #tpu.memory_space<vmem>> -> memref<1x128xi32, #tpu.memory_space<vmem>>
        %dma_start3A_310 = tpu.memref_squeeze %dma_start3A_309 : memref<1x128xi32, #tpu.memory_space<vmem>> -> memref<128xi32, #tpu.memory_space<vmem>>
        %dma_start3A_311 = arith.constant 0 : i32
        %dma_start3A_312 = tpu.memref_slice %arg3[%add3A_297, %dma_start3A_311] : memref<2560x128xi32, #tpu.memory_space<hbm>> -> memref<1x128xi32, #tpu.memory_space<hbm>>
        %dma_start3A_313 = tpu.memref_squeeze %dma_start3A_312 : memref<1x128xi32, #tpu.memory_space<hbm>> -> memref<128xi32, #tpu.memory_space<hbm>>
        tpu.enqueue_dma source(%dma_start3A_313 : memref<128xi32, #tpu.memory_space<hbm>>) target(%dma_start3A_310 : memref<128xi32, #tpu.memory_space<vmem>>) target_semaphore(%dma_start3A_307 : memref<!tpu.dma_semaphore, #tpu.memory_space<semaphore_mem>>)
      } else {
      }
      %add3A_91 = arith.constant 1 : i32
      %add3A_92 = arith.addi %add3A_81, %add3A_91 : i32
      %lt3A_93 = arith.cmpi slt, %add3A_92, %select_n3A_8 : i32
      %convert_element_type3A_94 = arith.extui %lt3A_93 : i1 to i32
      %cond3A_95 = arith.constant 0 : i32
      %cond3A_96 = arith.cmpi ne, %convert_element_type3A_94, %cond3A_95 : i32
      scf.if %cond3A_96 {
        %dma_wait3A_278 = arith.constant 1 : i32
        %dma_wait3A_279 = arith.constant 1 : i32
        %dma_wait3A_280 = arith.constant 0 : i32
        %dma_wait3A_281 = tpu.memref_slice %arg6[%dma_wait3A_278, %dma_wait3A_280] : memref<4x128xi32, #tpu.memory_space<vmem>> -> memref<1x128xi32, #tpu.memory_space<vmem>>
        %dma_wait3A_282 = tpu.memref_squeeze %dma_wait3A_281 : memref<1x128xi32, #tpu.memory_space<vmem>> -> memref<128xi32, #tpu.memory_space<vmem>>
        %dma_wait3A_283 = arith.constant 0 : i32
        %dma_wait3A_284 = tpu.memref_slice %arg2[%select_n3A, %dma_wait3A_283] : memref<2560x128xi32, #tpu.memory_space<hbm>> -> memref<1x128xi32, #tpu.memory_space<hbm>>
        %dma_wait3A_285 = tpu.memref_squeeze %dma_wait3A_284 : memref<1x128xi32, #tpu.memory_space<hbm>> -> memref<128xi32, #tpu.memory_space<hbm>>
        %dma_wait3A_286 = tpu.memref_slice %arg10[%dma_wait3A_279] : memref<4x!tpu.dma_semaphore, #tpu.memory_space<semaphore_mem>> -> memref<1x!tpu.dma_semaphore, #tpu.memory_space<semaphore_mem>>
        %dma_wait3A_287 = tpu.memref_squeeze %dma_wait3A_286 : memref<1x!tpu.dma_semaphore, #tpu.memory_space<semaphore_mem>> -> memref<!tpu.dma_semaphore, #tpu.memory_space<semaphore_mem>>
        %dma_wait3A_288 = arith.constant 0 : i32
        %dma_wait3A_289 = tpu.memref_slice %arg6[%dma_wait3A_278, %dma_wait3A_288] : memref<4x128xi32, #tpu.memory_space<vmem>> -> memref<1x128xi32, #tpu.memory_space<vmem>>
        %dma_wait3A_290 = tpu.memref_squeeze %dma_wait3A_289 : memref<1x128xi32, #tpu.memory_space<vmem>> -> memref<128xi32, #tpu.memory_space<vmem>>
        %dma_wait3A_291 = arith.constant 0 : i32
        %dma_wait3A_292 = tpu.memref_slice %arg2[%select_n3A, %dma_wait3A_291] : memref<2560x128xi32, #tpu.memory_space<hbm>> -> memref<1x128xi32, #tpu.memory_space<hbm>>
        %dma_wait3A_293 = tpu.memref_squeeze %dma_wait3A_292 : memref<1x128xi32, #tpu.memory_space<hbm>> -> memref<128xi32, #tpu.memory_space<hbm>>
        tpu.wait_dma2 semaphore(%dma_wait3A_287 : memref<!tpu.dma_semaphore, #tpu.memory_space<semaphore_mem>>) src(%dma_wait3A_293 : memref<128xi32, #tpu.memory_space<hbm>>) dst(%dma_wait3A_290 : memref<128xi32, #tpu.memory_space<vmem>>)
        %dma_wait3A_294 = arith.constant 1 : i32
        %dma_wait3A_295 = arith.constant 1 : i32
        %dma_wait3A_296 = arith.constant 0 : i32
        %dma_wait3A_297 = tpu.memref_slice %arg7[%dma_wait3A_294, %dma_wait3A_296] : memref<4x128xi32, #tpu.memory_space<vmem>> -> memref<1x128xi32, #tpu.memory_space<vmem>>
        %dma_wait3A_298 = tpu.memref_squeeze %dma_wait3A_297 : memref<1x128xi32, #tpu.memory_space<vmem>> -> memref<128xi32, #tpu.memory_space<vmem>>
        %dma_wait3A_299 = arith.constant 0 : i32
        %dma_wait3A_300 = tpu.memref_slice %arg3[%select_n3A, %dma_wait3A_299] : memref<2560x128xi32, #tpu.memory_space<hbm>> -> memref<1x128xi32, #tpu.memory_space<hbm>>
        %dma_wait3A_301 = tpu.memref_squeeze %dma_wait3A_300 : memref<1x128xi32, #tpu.memory_space<hbm>> -> memref<128xi32, #tpu.memory_space<hbm>>
        %dma_wait3A_302 = tpu.memref_slice %arg10[%dma_wait3A_295] : memref<4x!tpu.dma_semaphore, #tpu.memory_space<semaphore_mem>> -> memref<1x!tpu.dma_semaphore, #tpu.memory_space<semaphore_mem>>
        %dma_wait3A_303 = tpu.memref_squeeze %dma_wait3A_302 : memref<1x!tpu.dma_semaphore, #tpu.memory_space<semaphore_mem>> -> memref<!tpu.dma_semaphore, #tpu.memory_space<semaphore_mem>>
        %dma_wait3A_304 = arith.constant 0 : i32
        %dma_wait3A_305 = tpu.memref_slice %arg7[%dma_wait3A_294, %dma_wait3A_304] : memref<4x128xi32, #tpu.memory_space<vmem>> -> memref<1x128xi32, #tpu.memory_space<vmem>>
        %dma_wait3A_306 = tpu.memref_squeeze %dma_wait3A_305 : memref<1x128xi32, #tpu.memory_space<vmem>> -> memref<128xi32, #tpu.memory_space<vmem>>
        %dma_wait3A_307 = arith.constant 0 : i32
        %dma_wait3A_308 = tpu.memref_slice %arg3[%select_n3A, %dma_wait3A_307] : memref<2560x128xi32, #tpu.memory_space<hbm>> -> memref<1x128xi32, #tpu.memory_space<hbm>>
        %dma_wait3A_309 = tpu.memref_squeeze %dma_wait3A_308 : memref<1x128xi32, #tpu.memory_space<hbm>> -> memref<128xi32, #tpu.memory_space<hbm>>
        tpu.wait_dma2 semaphore(%dma_wait3A_303 : memref<!tpu.dma_semaphore, #tpu.memory_space<semaphore_mem>>) src(%dma_wait3A_309 : memref<128xi32, #tpu.memory_space<hbm>>) dst(%dma_wait3A_306 : memref<128xi32, #tpu.memory_space<vmem>>)
        %dma_start3A_310 = arith.constant 1 : i32
        %dma_start3A_311 = arith.constant 1 : i32
        %dma_start3A_312 = arith.constant 1 : i32
        %dma_start3A_313 = arith.constant 0 : i32
        %dma_start3A_314 = arith.constant 0 : i32
        %dma_start3A_315 = tpu.memref_slice %arg8[%dma_start3A_311, %dma_start3A_313, %dma_start3A_314] : memref<2x128x128xf32, #tpu.memory_space<vmem>> -> memref<1x128x128xf32, #tpu.memory_space<vmem>>
        %dma_start3A_316 = tpu.memref_squeeze %dma_start3A_315 : memref<1x128x128xf32, #tpu.memory_space<vmem>> -> memref<128x128xf32, #tpu.memory_space<vmem>>
        %dma_start3A_317 = arith.constant 0 : i32
        %dma_start3A_318 = tpu.memref_slice %arg6[%dma_start3A_310, %dma_start3A_317] : memref<4x128xi32, #tpu.memory_space<vmem>> -> memref<1x128xi32, #tpu.memory_space<vmem>>
        %dma_start3A_319 = tpu.memref_squeeze %dma_start3A_318 : memref<1x128xi32, #tpu.memory_space<vmem>> -> memref<128xi32, #tpu.memory_space<vmem>>
        %dma_start3A_320 = arith.constant 0 : i32
        %dma_start3A_321 = arith.constant 0 : i32
        %dma_start3A_322 = tpu.memref_slice %arg4[%dma_start3A_320, %dma_start3A_321] : memref<10000x128xf32, #tpu.memory_space<hbm>> -> memref<10000x128xf32, #tpu.memory_space<hbm>>
        %dma_start3A_323 = tpu.memref_slice %arg11[%dma_start3A_312] : memref<2x!tpu.dma_semaphore, #tpu.memory_space<semaphore_mem>> -> memref<1x!tpu.dma_semaphore, #tpu.memory_space<semaphore_mem>>
        %dma_start3A_324 = tpu.memref_squeeze %dma_start3A_323 : memref<1x!tpu.dma_semaphore, #tpu.memory_space<semaphore_mem>> -> memref<!tpu.dma_semaphore, #tpu.memory_space<semaphore_mem>>
        tpu.enqueue_indirect_dma source(%dma_start3A_322 : memref<10000x128xf32, #tpu.memory_space<hbm>>) target(%dma_start3A_316 : memref<128x128xf32, #tpu.memory_space<vmem>>) offsets(%dma_start3A_319 : memref<128xi32, #tpu.memory_space<vmem>>) semaphore(%dma_start3A_324 : memref<!tpu.dma_semaphore, #tpu.memory_space<semaphore_mem>>)
      } else {
      }
      %dma_wait3A = arith.constant 0 : i32
      %dma_wait3A_97 = arith.constant 0 : i32
      %dma_wait3A_98 = arith.constant 0 : i32
      %dma_wait3A_99 = arith.constant 0 : i32
      %dma_wait3A_100 = arith.constant 0 : i32
      %dma_wait3A_101 = tpu.memref_slice %arg8[%dma_wait3A_97, %dma_wait3A_99, %dma_wait3A_100] : memref<2x128x128xf32, #tpu.memory_space<vmem>> -> memref<1x128x128xf32, #tpu.memory_space<vmem>>
      %dma_wait3A_102 = tpu.memref_squeeze %dma_wait3A_101 : memref<1x128x128xf32, #tpu.memory_space<vmem>> -> memref<128x128xf32, #tpu.memory_space<vmem>>
      %dma_wait3A_103 = arith.constant 0 : i32
      %dma_wait3A_104 = tpu.memref_slice %arg6[%dma_wait3A, %dma_wait3A_103] : memref<4x128xi32, #tpu.memory_space<vmem>> -> memref<1x128xi32, #tpu.memory_space<vmem>>
      %dma_wait3A_105 = tpu.memref_squeeze %dma_wait3A_104 : memref<1x128xi32, #tpu.memory_space<vmem>> -> memref<128xi32, #tpu.memory_space<vmem>>
      %dma_wait3A_106 = arith.constant 0 : i32
      %dma_wait3A_107 = arith.constant 0 : i32
      %dma_wait3A_108 = tpu.memref_slice %arg4[%dma_wait3A_106, %dma_wait3A_107] : memref<10000x128xf32, #tpu.memory_space<hbm>> -> memref<10000x128xf32, #tpu.memory_space<hbm>>
      %dma_wait3A_109 = tpu.memref_slice %arg11[%dma_wait3A_98] : memref<2x!tpu.dma_semaphore, #tpu.memory_space<semaphore_mem>> -> memref<1x!tpu.dma_semaphore, #tpu.memory_space<semaphore_mem>>
      %dma_wait3A_110 = tpu.memref_squeeze %dma_wait3A_109 : memref<1x!tpu.dma_semaphore, #tpu.memory_space<semaphore_mem>> -> memref<!tpu.dma_semaphore, #tpu.memory_space<semaphore_mem>>
      tpu.wait_indirect_dma semaphore(%dma_wait3A_110 : memref<!tpu.dma_semaphore, #tpu.memory_space<semaphore_mem>>) src(%dma_wait3A_108 : memref<10000x128xf32, #tpu.memory_space<hbm>>) dst(%dma_wait3A_102 : memref<128x128xf32, #tpu.memory_space<vmem>>)
      %dma_start3A = arith.constant 0 : i32
      %dma_start3A_111 = arith.constant 0 : i32
      %dma_start3A_112 = arith.constant 0 : i32
      %dma_start3A_113 = arith.constant 0 : i32
      %dma_start3A_114 = arith.constant 0 : i32
      %dma_start3A_115 = tpu.memref_slice %arg8[%dma_start3A, %dma_start3A_113, %dma_start3A_114] : memref<2x128x128xf32, #tpu.memory_space<vmem>> -> memref<1x128x128xf32, #tpu.memory_space<vmem>>
      %dma_start3A_116 = tpu.memref_squeeze %dma_start3A_115 : memref<1x128x128xf32, #tpu.memory_space<vmem>> -> memref<128x128xf32, #tpu.memory_space<vmem>>
      %dma_start3A_117 = arith.constant 0 : i32
      %dma_start3A_118 = tpu.memref_slice %arg7[%dma_start3A_111, %dma_start3A_117] : memref<4x128xi32, #tpu.memory_space<vmem>> -> memref<1x128xi32, #tpu.memory_space<vmem>>
      %dma_start3A_119 = tpu.memref_squeeze %dma_start3A_118 : memref<1x128xi32, #tpu.memory_space<vmem>> -> memref<128xi32, #tpu.memory_space<vmem>>
      %dma_start3A_120 = arith.constant 0 : i32
      %dma_start3A_121 = arith.constant 0 : i32
      %dma_start3A_122 = tpu.memref_slice %arg9[%dma_start3A_120, %dma_start3A_121] : memref<10240x128xf32, #tpu.memory_space<vmem_shared>> -> memref<10240x128xf32, #tpu.memory_space<vmem_shared>>
      %dma_start3A_123 = tpu.memref_slice %arg12[%dma_start3A_112] : memref<2x!tpu.dma_semaphore, #tpu.memory_space<semaphore_mem>> -> memref<1x!tpu.dma_semaphore, #tpu.memory_space<semaphore_mem>>
      %dma_start3A_124 = tpu.memref_squeeze %dma_start3A_123 : memref<1x!tpu.dma_semaphore, #tpu.memory_space<semaphore_mem>> -> memref<!tpu.dma_semaphore, #tpu.memory_space<semaphore_mem>>
      tpu.enqueue_indirect_dma source(%dma_start3A_116 : memref<128x128xf32, #tpu.memory_space<vmem>>) target(%dma_start3A_122 : memref<10240x128xf32, #tpu.memory_space<vmem_shared>>) offsets(%dma_start3A_119 : memref<128xi32, #tpu.memory_space<vmem>>) semaphore(%dma_start3A_124 : memref<!tpu.dma_semaphore, #tpu.memory_space<semaphore_mem>>) {add = true}
      %mul3A_125 = arith.constant 4 : i32
      %mul3A_126 = arith.muli %while3A_77, %mul3A_125 : i32
      %add3A_127 = arith.constant 1 : i32
      %add3A_128 = arith.addi %mul3A_126, %add3A_127 : i32
      %ge3A_129 = arith.constant 1 : i32
      %ge3A_130 = arith.cmpi sge, %add3A_128, %ge3A_129 : i32
      %convert_element_type3A_131 = arith.extui %ge3A_130 : i1 to i32
      %cond3A_132 = arith.constant 0 : i32
      %cond3A_133 = arith.cmpi ne, %convert_element_type3A_131, %cond3A_132 : i32
      scf.if %cond3A_133 {
        %dma_wait3A_278 = arith.constant 0 : i32
        %dma_wait3A_279 = arith.constant 0 : i32
        %dma_wait3A_280 = arith.constant 0 : i32
        %dma_wait3A_281 = arith.constant 0 : i32
        %dma_wait3A_282 = arith.constant 0 : i32
        %dma_wait3A_283 = tpu.memref_slice %arg8[%dma_wait3A_278, %dma_wait3A_281, %dma_wait3A_282] : memref<2x128x128xf32, #tpu.memory_space<vmem>> -> memref<1x128x128xf32, #tpu.memory_space<vmem>>
        %dma_wait3A_284 = tpu.memref_squeeze %dma_wait3A_283 : memref<1x128x128xf32, #tpu.memory_space<vmem>> -> memref<128x128xf32, #tpu.memory_space<vmem>>
        %dma_wait3A_285 = arith.constant 0 : i32
        %dma_wait3A_286 = tpu.memref_slice %arg7[%dma_wait3A_279, %dma_wait3A_285] : memref<4x128xi32, #tpu.memory_space<vmem>> -> memref<1x128xi32, #tpu.memory_space<vmem>>
        %dma_wait3A_287 = tpu.memref_squeeze %dma_wait3A_286 : memref<1x128xi32, #tpu.memory_space<vmem>> -> memref<128xi32, #tpu.memory_space<vmem>>
        %dma_wait3A_288 = arith.constant 0 : i32
        %dma_wait3A_289 = arith.constant 0 : i32
        %dma_wait3A_290 = tpu.memref_slice %arg9[%dma_wait3A_288, %dma_wait3A_289] : memref<10240x128xf32, #tpu.memory_space<vmem_shared>> -> memref<10240x128xf32, #tpu.memory_space<vmem_shared>>
        %dma_wait3A_291 = tpu.memref_slice %arg12[%dma_wait3A_280] : memref<2x!tpu.dma_semaphore, #tpu.memory_space<semaphore_mem>> -> memref<1x!tpu.dma_semaphore, #tpu.memory_space<semaphore_mem>>
        %dma_wait3A_292 = tpu.memref_squeeze %dma_wait3A_291 : memref<1x!tpu.dma_semaphore, #tpu.memory_space<semaphore_mem>> -> memref<!tpu.dma_semaphore, #tpu.memory_space<semaphore_mem>>
        tpu.wait_indirect_dma semaphore(%dma_wait3A_292 : memref<!tpu.dma_semaphore, #tpu.memory_space<semaphore_mem>>) src(%dma_wait3A_284 : memref<128x128xf32, #tpu.memory_space<vmem>>) dst(%dma_wait3A_290 : memref<10240x128xf32, #tpu.memory_space<vmem_shared>>)
      } else {
      }
      %add3A_134 = arith.constant 2 : i32
      %add3A_135 = arith.addi %add3A_128, %add3A_134 : i32
      %lt3A_136 = arith.cmpi slt, %add3A_135, %select_n3A_8 : i32
      %convert_element_type3A_137 = arith.extui %lt3A_136 : i1 to i32
      %cond3A_138 = arith.constant 0 : i32
      %cond3A_139 = arith.cmpi ne, %convert_element_type3A_137, %cond3A_138 : i32
      scf.if %cond3A_139 {
        %add3A_278 = arith.constant 2 : i32
        %add3A_279 = arith.addi %add3A_128, %add3A_278 : i32
        %add3A_280 = arith.addi %select_n3A, %add3A_279 : i32
        %dma_start3A_281 = arith.constant 3 : i32
        %dma_start3A_282 = arith.constant 3 : i32
        %dma_start3A_283 = arith.constant 0 : i32
        %dma_start3A_284 = tpu.memref_slice %arg6[%dma_start3A_281, %dma_start3A_283] : memref<4x128xi32, #tpu.memory_space<vmem>> -> memref<1x128xi32, #tpu.memory_space<vmem>>
        %dma_start3A_285 = tpu.memref_squeeze %dma_start3A_284 : memref<1x128xi32, #tpu.memory_space<vmem>> -> memref<128xi32, #tpu.memory_space<vmem>>
        %dma_start3A_286 = arith.constant 0 : i32
        %dma_start3A_287 = tpu.memref_slice %arg2[%add3A_280, %dma_start3A_286] : memref<2560x128xi32, #tpu.memory_space<hbm>> -> memref<1x128xi32, #tpu.memory_space<hbm>>
        %dma_start3A_288 = tpu.memref_squeeze %dma_start3A_287 : memref<1x128xi32, #tpu.memory_space<hbm>> -> memref<128xi32, #tpu.memory_space<hbm>>
        %dma_start3A_289 = tpu.memref_slice %arg10[%dma_start3A_282] : memref<4x!tpu.dma_semaphore, #tpu.memory_space<semaphore_mem>> -> memref<1x!tpu.dma_semaphore, #tpu.memory_space<semaphore_mem>>
        %dma_start3A_290 = tpu.memref_squeeze %dma_start3A_289 : memref<1x!tpu.dma_semaphore, #tpu.memory_space<semaphore_mem>> -> memref<!tpu.dma_semaphore, #tpu.memory_space<semaphore_mem>>
        %dma_start3A_291 = arith.constant 0 : i32
        %dma_start3A_292 = tpu.memref_slice %arg6[%dma_start3A_281, %dma_start3A_291] : memref<4x128xi32, #tpu.memory_space<vmem>> -> memref<1x128xi32, #tpu.memory_space<vmem>>
        %dma_start3A_293 = tpu.memref_squeeze %dma_start3A_292 : memref<1x128xi32, #tpu.memory_space<vmem>> -> memref<128xi32, #tpu.memory_space<vmem>>
        %dma_start3A_294 = arith.constant 0 : i32
        %dma_start3A_295 = tpu.memref_slice %arg2[%add3A_280, %dma_start3A_294] : memref<2560x128xi32, #tpu.memory_space<hbm>> -> memref<1x128xi32, #tpu.memory_space<hbm>>
        %dma_start3A_296 = tpu.memref_squeeze %dma_start3A_295 : memref<1x128xi32, #tpu.memory_space<hbm>> -> memref<128xi32, #tpu.memory_space<hbm>>
        tpu.enqueue_dma source(%dma_start3A_296 : memref<128xi32, #tpu.memory_space<hbm>>) target(%dma_start3A_293 : memref<128xi32, #tpu.memory_space<vmem>>) target_semaphore(%dma_start3A_290 : memref<!tpu.dma_semaphore, #tpu.memory_space<semaphore_mem>>)
        %add3A_297 = arith.addi %select_n3A, %add3A_279 : i32
        %dma_start3A_298 = arith.constant 3 : i32
        %dma_start3A_299 = arith.constant 3 : i32
        %dma_start3A_300 = arith.constant 0 : i32
        %dma_start3A_301 = tpu.memref_slice %arg7[%dma_start3A_298, %dma_start3A_300] : memref<4x128xi32, #tpu.memory_space<vmem>> -> memref<1x128xi32, #tpu.memory_space<vmem>>
        %dma_start3A_302 = tpu.memref_squeeze %dma_start3A_301 : memref<1x128xi32, #tpu.memory_space<vmem>> -> memref<128xi32, #tpu.memory_space<vmem>>
        %dma_start3A_303 = arith.constant 0 : i32
        %dma_start3A_304 = tpu.memref_slice %arg3[%add3A_297, %dma_start3A_303] : memref<2560x128xi32, #tpu.memory_space<hbm>> -> memref<1x128xi32, #tpu.memory_space<hbm>>
        %dma_start3A_305 = tpu.memref_squeeze %dma_start3A_304 : memref<1x128xi32, #tpu.memory_space<hbm>> -> memref<128xi32, #tpu.memory_space<hbm>>
        %dma_start3A_306 = tpu.memref_slice %arg10[%dma_start3A_299] : memref<4x!tpu.dma_semaphore, #tpu.memory_space<semaphore_mem>> -> memref<1x!tpu.dma_semaphore, #tpu.memory_space<semaphore_mem>>
        %dma_start3A_307 = tpu.memref_squeeze %dma_start3A_306 : memref<1x!tpu.dma_semaphore, #tpu.memory_space<semaphore_mem>> -> memref<!tpu.dma_semaphore, #tpu.memory_space<semaphore_mem>>
        %dma_start3A_308 = arith.constant 0 : i32
        %dma_start3A_309 = tpu.memref_slice %arg7[%dma_start3A_298, %dma_start3A_308] : memref<4x128xi32, #tpu.memory_space<vmem>> -> memref<1x128xi32, #tpu.memory_space<vmem>>
        %dma_start3A_310 = tpu.memref_squeeze %dma_start3A_309 : memref<1x128xi32, #tpu.memory_space<vmem>> -> memref<128xi32, #tpu.memory_space<vmem>>
        %dma_start3A_311 = arith.constant 0 : i32
        %dma_start3A_312 = tpu.memref_slice %arg3[%add3A_297, %dma_start3A_311] : memref<2560x128xi32, #tpu.memory_space<hbm>> -> memref<1x128xi32, #tpu.memory_space<hbm>>
        %dma_start3A_313 = tpu.memref_squeeze %dma_start3A_312 : memref<1x128xi32, #tpu.memory_space<hbm>> -> memref<128xi32, #tpu.memory_space<hbm>>
        tpu.enqueue_dma source(%dma_start3A_313 : memref<128xi32, #tpu.memory_space<hbm>>) target(%dma_start3A_310 : memref<128xi32, #tpu.memory_space<vmem>>) target_semaphore(%dma_start3A_307 : memref<!tpu.dma_semaphore, #tpu.memory_space<semaphore_mem>>)
      } else {
      }
      %add3A_140 = arith.constant 1 : i32
      %add3A_141 = arith.addi %add3A_128, %add3A_140 : i32
      %lt3A_142 = arith.cmpi slt, %add3A_141, %select_n3A_8 : i32
      %convert_element_type3A_143 = arith.extui %lt3A_142 : i1 to i32
      %cond3A_144 = arith.constant 0 : i32
      %cond3A_145 = arith.cmpi ne, %convert_element_type3A_143, %cond3A_144 : i32
      scf.if %cond3A_145 {
        %dma_wait3A_278 = arith.constant 2 : i32
        %dma_wait3A_279 = arith.constant 2 : i32
        %dma_wait3A_280 = arith.constant 0 : i32
        %dma_wait3A_281 = tpu.memref_slice %arg6[%dma_wait3A_278, %dma_wait3A_280] : memref<4x128xi32, #tpu.memory_space<vmem>> -> memref<1x128xi32, #tpu.memory_space<vmem>>
        %dma_wait3A_282 = tpu.memref_squeeze %dma_wait3A_281 : memref<1x128xi32, #tpu.memory_space<vmem>> -> memref<128xi32, #tpu.memory_space<vmem>>
        %dma_wait3A_283 = arith.constant 0 : i32
        %dma_wait3A_284 = tpu.memref_slice %arg2[%select_n3A, %dma_wait3A_283] : memref<2560x128xi32, #tpu.memory_space<hbm>> -> memref<1x128xi32, #tpu.memory_space<hbm>>
        %dma_wait3A_285 = tpu.memref_squeeze %dma_wait3A_284 : memref<1x128xi32, #tpu.memory_space<hbm>> -> memref<128xi32, #tpu.memory_space<hbm>>
        %dma_wait3A_286 = tpu.memref_slice %arg10[%dma_wait3A_279] : memref<4x!tpu.dma_semaphore, #tpu.memory_space<semaphore_mem>> -> memref<1x!tpu.dma_semaphore, #tpu.memory_space<semaphore_mem>>
        %dma_wait3A_287 = tpu.memref_squeeze %dma_wait3A_286 : memref<1x!tpu.dma_semaphore, #tpu.memory_space<semaphore_mem>> -> memref<!tpu.dma_semaphore, #tpu.memory_space<semaphore_mem>>
        %dma_wait3A_288 = arith.constant 0 : i32
        %dma_wait3A_289 = tpu.memref_slice %arg6[%dma_wait3A_278, %dma_wait3A_288] : memref<4x128xi32, #tpu.memory_space<vmem>> -> memref<1x128xi32, #tpu.memory_space<vmem>>
        %dma_wait3A_290 = tpu.memref_squeeze %dma_wait3A_289 : memref<1x128xi32, #tpu.memory_space<vmem>> -> memref<128xi32, #tpu.memory_space<vmem>>
        %dma_wait3A_291 = arith.constant 0 : i32
        %dma_wait3A_292 = tpu.memref_slice %arg2[%select_n3A, %dma_wait3A_291] : memref<2560x128xi32, #tpu.memory_space<hbm>> -> memref<1x128xi32, #tpu.memory_space<hbm>>
        %dma_wait3A_293 = tpu.memref_squeeze %dma_wait3A_292 : memref<1x128xi32, #tpu.memory_space<hbm>> -> memref<128xi32, #tpu.memory_space<hbm>>
        tpu.wait_dma2 semaphore(%dma_wait3A_287 : memref<!tpu.dma_semaphore, #tpu.memory_space<semaphore_mem>>) src(%dma_wait3A_293 : memref<128xi32, #tpu.memory_space<hbm>>) dst(%dma_wait3A_290 : memref<128xi32, #tpu.memory_space<vmem>>)
        %dma_wait3A_294 = arith.constant 2 : i32
        %dma_wait3A_295 = arith.constant 2 : i32
        %dma_wait3A_296 = arith.constant 0 : i32
        %dma_wait3A_297 = tpu.memref_slice %arg7[%dma_wait3A_294, %dma_wait3A_296] : memref<4x128xi32, #tpu.memory_space<vmem>> -> memref<1x128xi32, #tpu.memory_space<vmem>>
        %dma_wait3A_298 = tpu.memref_squeeze %dma_wait3A_297 : memref<1x128xi32, #tpu.memory_space<vmem>> -> memref<128xi32, #tpu.memory_space<vmem>>
        %dma_wait3A_299 = arith.constant 0 : i32
        %dma_wait3A_300 = tpu.memref_slice %arg3[%select_n3A, %dma_wait3A_299] : memref<2560x128xi32, #tpu.memory_space<hbm>> -> memref<1x128xi32, #tpu.memory_space<hbm>>
        %dma_wait3A_301 = tpu.memref_squeeze %dma_wait3A_300 : memref<1x128xi32, #tpu.memory_space<hbm>> -> memref<128xi32, #tpu.memory_space<hbm>>
        %dma_wait3A_302 = tpu.memref_slice %arg10[%dma_wait3A_295] : memref<4x!tpu.dma_semaphore, #tpu.memory_space<semaphore_mem>> -> memref<1x!tpu.dma_semaphore, #tpu.memory_space<semaphore_mem>>
        %dma_wait3A_303 = tpu.memref_squeeze %dma_wait3A_302 : memref<1x!tpu.dma_semaphore, #tpu.memory_space<semaphore_mem>> -> memref<!tpu.dma_semaphore, #tpu.memory_space<semaphore_mem>>
        %dma_wait3A_304 = arith.constant 0 : i32
        %dma_wait3A_305 = tpu.memref_slice %arg7[%dma_wait3A_294, %dma_wait3A_304] : memref<4x128xi32, #tpu.memory_space<vmem>> -> memref<1x128xi32, #tpu.memory_space<vmem>>
        %dma_wait3A_306 = tpu.memref_squeeze %dma_wait3A_305 : memref<1x128xi32, #tpu.memory_space<vmem>> -> memref<128xi32, #tpu.memory_space<vmem>>
        %dma_wait3A_307 = arith.constant 0 : i32
        %dma_wait3A_308 = tpu.memref_slice %arg3[%select_n3A, %dma_wait3A_307] : memref<2560x128xi32, #tpu.memory_space<hbm>> -> memref<1x128xi32, #tpu.memory_space<hbm>>
        %dma_wait3A_309 = tpu.memref_squeeze %dma_wait3A_308 : memref<1x128xi32, #tpu.memory_space<hbm>> -> memref<128xi32, #tpu.memory_space<hbm>>
        tpu.wait_dma2 semaphore(%dma_wait3A_303 : memref<!tpu.dma_semaphore, #tpu.memory_space<semaphore_mem>>) src(%dma_wait3A_309 : memref<128xi32, #tpu.memory_space<hbm>>) dst(%dma_wait3A_306 : memref<128xi32, #tpu.memory_space<vmem>>)
        %dma_start3A_310 = arith.constant 2 : i32
        %dma_start3A_311 = arith.constant 0 : i32
        %dma_start3A_312 = arith.constant 0 : i32
        %dma_start3A_313 = arith.constant 0 : i32
        %dma_start3A_314 = arith.constant 0 : i32
        %dma_start3A_315 = tpu.memref_slice %arg8[%dma_start3A_311, %dma_start3A_313, %dma_start3A_314] : memref<2x128x128xf32, #tpu.memory_space<vmem>> -> memref<1x128x128xf32, #tpu.memory_space<vmem>>
        %dma_start3A_316 = tpu.memref_squeeze %dma_start3A_315 : memref<1x128x128xf32, #tpu.memory_space<vmem>> -> memref<128x128xf32, #tpu.memory_space<vmem>>
        %dma_start3A_317 = arith.constant 0 : i32
        %dma_start3A_318 = tpu.memref_slice %arg6[%dma_start3A_310, %dma_start3A_317] : memref<4x128xi32, #tpu.memory_space<vmem>> -> memref<1x128xi32, #tpu.memory_space<vmem>>
        %dma_start3A_319 = tpu.memref_squeeze %dma_start3A_318 : memref<1x128xi32, #tpu.memory_space<vmem>> -> memref<128xi32, #tpu.memory_space<vmem>>
        %dma_start3A_320 = arith.constant 0 : i32
        %dma_start3A_321 = arith.constant 0 : i32
        %dma_start3A_322 = tpu.memref_slice %arg4[%dma_start3A_320, %dma_start3A_321] : memref<10000x128xf32, #tpu.memory_space<hbm>> -> memref<10000x128xf32, #tpu.memory_space<hbm>>
        %dma_start3A_323 = tpu.memref_slice %arg11[%dma_start3A_312] : memref<2x!tpu.dma_semaphore, #tpu.memory_space<semaphore_mem>> -> memref<1x!tpu.dma_semaphore, #tpu.memory_space<semaphore_mem>>
        %dma_start3A_324 = tpu.memref_squeeze %dma_start3A_323 : memref<1x!tpu.dma_semaphore, #tpu.memory_space<semaphore_mem>> -> memref<!tpu.dma_semaphore, #tpu.memory_space<semaphore_mem>>
        tpu.enqueue_indirect_dma source(%dma_start3A_322 : memref<10000x128xf32, #tpu.memory_space<hbm>>) target(%dma_start3A_316 : memref<128x128xf32, #tpu.memory_space<vmem>>) offsets(%dma_start3A_319 : memref<128xi32, #tpu.memory_space<vmem>>) semaphore(%dma_start3A_324 : memref<!tpu.dma_semaphore, #tpu.memory_space<semaphore_mem>>)
      } else {
      }
      %dma_wait3A_146 = arith.constant 0 : i32
      %dma_wait3A_147 = arith.constant 1 : i32
      %dma_wait3A_148 = arith.constant 1 : i32
      %dma_wait3A_149 = arith.constant 0 : i32
      %dma_wait3A_150 = arith.constant 0 : i32
      %dma_wait3A_151 = tpu.memref_slice %arg8[%dma_wait3A_147, %dma_wait3A_149, %dma_wait3A_150] : memref<2x128x128xf32, #tpu.memory_space<vmem>> -> memref<1x128x128xf32, #tpu.memory_space<vmem>>
      %dma_wait3A_152 = tpu.memref_squeeze %dma_wait3A_151 : memref<1x128x128xf32, #tpu.memory_space<vmem>> -> memref<128x128xf32, #tpu.memory_space<vmem>>
      %dma_wait3A_153 = arith.constant 0 : i32
      %dma_wait3A_154 = tpu.memref_slice %arg6[%dma_wait3A_146, %dma_wait3A_153] : memref<4x128xi32, #tpu.memory_space<vmem>> -> memref<1x128xi32, #tpu.memory_space<vmem>>
      %dma_wait3A_155 = tpu.memref_squeeze %dma_wait3A_154 : memref<1x128xi32, #tpu.memory_space<vmem>> -> memref<128xi32, #tpu.memory_space<vmem>>
      %dma_wait3A_156 = arith.constant 0 : i32
      %dma_wait3A_157 = arith.constant 0 : i32
      %dma_wait3A_158 = tpu.memref_slice %arg4[%dma_wait3A_156, %dma_wait3A_157] : memref<10000x128xf32, #tpu.memory_space<hbm>> -> memref<10000x128xf32, #tpu.memory_space<hbm>>
      %dma_wait3A_159 = tpu.memref_slice %arg11[%dma_wait3A_148] : memref<2x!tpu.dma_semaphore, #tpu.memory_space<semaphore_mem>> -> memref<1x!tpu.dma_semaphore, #tpu.memory_space<semaphore_mem>>
      %dma_wait3A_160 = tpu.memref_squeeze %dma_wait3A_159 : memref<1x!tpu.dma_semaphore, #tpu.memory_space<semaphore_mem>> -> memref<!tpu.dma_semaphore, #tpu.memory_space<semaphore_mem>>
      tpu.wait_indirect_dma semaphore(%dma_wait3A_160 : memref<!tpu.dma_semaphore, #tpu.memory_space<semaphore_mem>>) src(%dma_wait3A_158 : memref<10000x128xf32, #tpu.memory_space<hbm>>) dst(%dma_wait3A_152 : memref<128x128xf32, #tpu.memory_space<vmem>>)
      %dma_start3A_161 = arith.constant 1 : i32
      %dma_start3A_162 = arith.constant 1 : i32
      %dma_start3A_163 = arith.constant 1 : i32
      %dma_start3A_164 = arith.constant 0 : i32
      %dma_start3A_165 = arith.constant 0 : i32
      %dma_start3A_166 = tpu.memref_slice %arg8[%dma_start3A_161, %dma_start3A_164, %dma_start3A_165] : memref<2x128x128xf32, #tpu.memory_space<vmem>> -> memref<1x128x128xf32, #tpu.memory_space<vmem>>
      %dma_start3A_167 = tpu.memref_squeeze %dma_start3A_166 : memref<1x128x128xf32, #tpu.memory_space<vmem>> -> memref<128x128xf32, #tpu.memory_space<vmem>>
      %dma_start3A_168 = arith.constant 0 : i32
      %dma_start3A_169 = tpu.memref_slice %arg7[%dma_start3A_162, %dma_start3A_168] : memref<4x128xi32, #tpu.memory_space<vmem>> -> memref<1x128xi32, #tpu.memory_space<vmem>>
      %dma_start3A_170 = tpu.memref_squeeze %dma_start3A_169 : memref<1x128xi32, #tpu.memory_space<vmem>> -> memref<128xi32, #tpu.memory_space<vmem>>
      %dma_start3A_171 = arith.constant 0 : i32
      %dma_start3A_172 = arith.constant 0 : i32
      %dma_start3A_173 = tpu.memref_slice %arg9[%dma_start3A_171, %dma_start3A_172] : memref<10240x128xf32, #tpu.memory_space<vmem_shared>> -> memref<10240x128xf32, #tpu.memory_space<vmem_shared>>
      %dma_start3A_174 = tpu.memref_slice %arg12[%dma_start3A_163] : memref<2x!tpu.dma_semaphore, #tpu.memory_space<semaphore_mem>> -> memref<1x!tpu.dma_semaphore, #tpu.memory_space<semaphore_mem>>
      %dma_start3A_175 = tpu.memref_squeeze %dma_start3A_174 : memref<1x!tpu.dma_semaphore, #tpu.memory_space<semaphore_mem>> -> memref<!tpu.dma_semaphore, #tpu.memory_space<semaphore_mem>>
      tpu.enqueue_indirect_dma source(%dma_start3A_167 : memref<128x128xf32, #tpu.memory_space<vmem>>) target(%dma_start3A_173 : memref<10240x128xf32, #tpu.memory_space<vmem_shared>>) offsets(%dma_start3A_170 : memref<128xi32, #tpu.memory_space<vmem>>) semaphore(%dma_start3A_175 : memref<!tpu.dma_semaphore, #tpu.memory_space<semaphore_mem>>) {add = true}
      %mul3A_176 = arith.constant 4 : i32
      %mul3A_177 = arith.muli %while3A_77, %mul3A_176 : i32
      %add3A_178 = arith.constant 2 : i32
      %add3A_179 = arith.addi %mul3A_177, %add3A_178 : i32
      %ge3A_180 = arith.constant 1 : i32
      %ge3A_181 = arith.cmpi sge, %add3A_179, %ge3A_180 : i32
      %convert_element_type3A_182 = arith.extui %ge3A_181 : i1 to i32
      %cond3A_183 = arith.constant 0 : i32
      %cond3A_184 = arith.cmpi ne, %convert_element_type3A_182, %cond3A_183 : i32
      scf.if %cond3A_184 {
        %dma_wait3A_278 = arith.constant 1 : i32
        %dma_wait3A_279 = arith.constant 0 : i32
        %dma_wait3A_280 = arith.constant 1 : i32
        %dma_wait3A_281 = arith.constant 0 : i32
        %dma_wait3A_282 = arith.constant 0 : i32
        %dma_wait3A_283 = tpu.memref_slice %arg8[%dma_wait3A_278, %dma_wait3A_281, %dma_wait3A_282] : memref<2x128x128xf32, #tpu.memory_space<vmem>> -> memref<1x128x128xf32, #tpu.memory_space<vmem>>
        %dma_wait3A_284 = tpu.memref_squeeze %dma_wait3A_283 : memref<1x128x128xf32, #tpu.memory_space<vmem>> -> memref<128x128xf32, #tpu.memory_space<vmem>>
        %dma_wait3A_285 = arith.constant 0 : i32
        %dma_wait3A_286 = tpu.memref_slice %arg7[%dma_wait3A_279, %dma_wait3A_285] : memref<4x128xi32, #tpu.memory_space<vmem>> -> memref<1x128xi32, #tpu.memory_space<vmem>>
        %dma_wait3A_287 = tpu.memref_squeeze %dma_wait3A_286 : memref<1x128xi32, #tpu.memory_space<vmem>> -> memref<128xi32, #tpu.memory_space<vmem>>
        %dma_wait3A_288 = arith.constant 0 : i32
        %dma_wait3A_289 = arith.constant 0 : i32
        %dma_wait3A_290 = tpu.memref_slice %arg9[%dma_wait3A_288, %dma_wait3A_289] : memref<10240x128xf32, #tpu.memory_space<vmem_shared>> -> memref<10240x128xf32, #tpu.memory_space<vmem_shared>>
        %dma_wait3A_291 = tpu.memref_slice %arg12[%dma_wait3A_280] : memref<2x!tpu.dma_semaphore, #tpu.memory_space<semaphore_mem>> -> memref<1x!tpu.dma_semaphore, #tpu.memory_space<semaphore_mem>>
        %dma_wait3A_292 = tpu.memref_squeeze %dma_wait3A_291 : memref<1x!tpu.dma_semaphore, #tpu.memory_space<semaphore_mem>> -> memref<!tpu.dma_semaphore, #tpu.memory_space<semaphore_mem>>
        tpu.wait_indirect_dma semaphore(%dma_wait3A_292 : memref<!tpu.dma_semaphore, #tpu.memory_space<semaphore_mem>>) src(%dma_wait3A_284 : memref<128x128xf32, #tpu.memory_space<vmem>>) dst(%dma_wait3A_290 : memref<10240x128xf32, #tpu.memory_space<vmem_shared>>)
      } else {
      }
      %add3A_185 = arith.constant 2 : i32
      %add3A_186 = arith.addi %add3A_179, %add3A_185 : i32
      %lt3A_187 = arith.cmpi slt, %add3A_186, %select_n3A_8 : i32
      %convert_element_type3A_188 = arith.extui %lt3A_187 : i1 to i32
      %cond3A_189 = arith.constant 0 : i32
      %cond3A_190 = arith.cmpi ne, %convert_element_type3A_188, %cond3A_189 : i32
      scf.if %cond3A_190 {
        %add3A_278 = arith.constant 2 : i32
        %add3A_279 = arith.addi %add3A_179, %add3A_278 : i32
        %add3A_280 = arith.addi %select_n3A, %add3A_279 : i32
        %dma_start3A_281 = arith.constant 0 : i32
        %dma_start3A_282 = arith.constant 0 : i32
        %dma_start3A_283 = arith.constant 0 : i32
        %dma_start3A_284 = tpu.memref_slice %arg6[%dma_start3A_281, %dma_start3A_283] : memref<4x128xi32, #tpu.memory_space<vmem>> -> memref<1x128xi32, #tpu.memory_space<vmem>>
        %dma_start3A_285 = tpu.memref_squeeze %dma_start3A_284 : memref<1x128xi32, #tpu.memory_space<vmem>> -> memref<128xi32, #tpu.memory_space<vmem>>
        %dma_start3A_286 = arith.constant 0 : i32
        %dma_start3A_287 = tpu.memref_slice %arg2[%add3A_280, %dma_start3A_286] : memref<2560x128xi32, #tpu.memory_space<hbm>> -> memref<1x128xi32, #tpu.memory_space<hbm>>
        %dma_start3A_288 = tpu.memref_squeeze %dma_start3A_287 : memref<1x128xi32, #tpu.memory_space<hbm>> -> memref<128xi32, #tpu.memory_space<hbm>>
        %dma_start3A_289 = tpu.memref_slice %arg10[%dma_start3A_282] : memref<4x!tpu.dma_semaphore, #tpu.memory_space<semaphore_mem>> -> memref<1x!tpu.dma_semaphore, #tpu.memory_space<semaphore_mem>>
        %dma_start3A_290 = tpu.memref_squeeze %dma_start3A_289 : memref<1x!tpu.dma_semaphore, #tpu.memory_space<semaphore_mem>> -> memref<!tpu.dma_semaphore, #tpu.memory_space<semaphore_mem>>
        %dma_start3A_291 = arith.constant 0 : i32
        %dma_start3A_292 = tpu.memref_slice %arg6[%dma_start3A_281, %dma_start3A_291] : memref<4x128xi32, #tpu.memory_space<vmem>> -> memref<1x128xi32, #tpu.memory_space<vmem>>
        %dma_start3A_293 = tpu.memref_squeeze %dma_start3A_292 : memref<1x128xi32, #tpu.memory_space<vmem>> -> memref<128xi32, #tpu.memory_space<vmem>>
        %dma_start3A_294 = arith.constant 0 : i32
        %dma_start3A_295 = tpu.memref_slice %arg2[%add3A_280, %dma_start3A_294] : memref<2560x128xi32, #tpu.memory_space<hbm>> -> memref<1x128xi32, #tpu.memory_space<hbm>>
        %dma_start3A_296 = tpu.memref_squeeze %dma_start3A_295 : memref<1x128xi32, #tpu.memory_space<hbm>> -> memref<128xi32, #tpu.memory_space<hbm>>
        tpu.enqueue_dma source(%dma_start3A_296 : memref<128xi32, #tpu.memory_space<hbm>>) target(%dma_start3A_293 : memref<128xi32, #tpu.memory_space<vmem>>) target_semaphore(%dma_start3A_290 : memref<!tpu.dma_semaphore, #tpu.memory_space<semaphore_mem>>)
        %add3A_297 = arith.addi %select_n3A, %add3A_279 : i32
        %dma_start3A_298 = arith.constant 0 : i32
        %dma_start3A_299 = arith.constant 0 : i32
        %dma_start3A_300 = arith.constant 0 : i32
        %dma_start3A_301 = tpu.memref_slice %arg7[%dma_start3A_298, %dma_start3A_300] : memref<4x128xi32, #tpu.memory_space<vmem>> -> memref<1x128xi32, #tpu.memory_space<vmem>>
        %dma_start3A_302 = tpu.memref_squeeze %dma_start3A_301 : memref<1x128xi32, #tpu.memory_space<vmem>> -> memref<128xi32, #tpu.memory_space<vmem>>
        %dma_start3A_303 = arith.constant 0 : i32
        %dma_start3A_304 = tpu.memref_slice %arg3[%add3A_297, %dma_start3A_303] : memref<2560x128xi32, #tpu.memory_space<hbm>> -> memref<1x128xi32, #tpu.memory_space<hbm>>
        %dma_start3A_305 = tpu.memref_squeeze %dma_start3A_304 : memref<1x128xi32, #tpu.memory_space<hbm>> -> memref<128xi32, #tpu.memory_space<hbm>>
        %dma_start3A_306 = tpu.memref_slice %arg10[%dma_start3A_299] : memref<4x!tpu.dma_semaphore, #tpu.memory_space<semaphore_mem>> -> memref<1x!tpu.dma_semaphore, #tpu.memory_space<semaphore_mem>>
        %dma_start3A_307 = tpu.memref_squeeze %dma_start3A_306 : memref<1x!tpu.dma_semaphore, #tpu.memory_space<semaphore_mem>> -> memref<!tpu.dma_semaphore, #tpu.memory_space<semaphore_mem>>
        %dma_start3A_308 = arith.constant 0 : i32
        %dma_start3A_309 = tpu.memref_slice %arg7[%dma_start3A_298, %dma_start3A_308] : memref<4x128xi32, #tpu.memory_space<vmem>> -> memref<1x128xi32, #tpu.memory_space<vmem>>
        %dma_start3A_310 = tpu.memref_squeeze %dma_start3A_309 : memref<1x128xi32, #tpu.memory_space<vmem>> -> memref<128xi32, #tpu.memory_space<vmem>>
        %dma_start3A_311 = arith.constant 0 : i32
        %dma_start3A_312 = tpu.memref_slice %arg3[%add3A_297, %dma_start3A_311] : memref<2560x128xi32, #tpu.memory_space<hbm>> -> memref<1x128xi32, #tpu.memory_space<hbm>>
        %dma_start3A_313 = tpu.memref_squeeze %dma_start3A_312 : memref<1x128xi32, #tpu.memory_space<hbm>> -> memref<128xi32, #tpu.memory_space<hbm>>
        tpu.enqueue_dma source(%dma_start3A_313 : memref<128xi32, #tpu.memory_space<hbm>>) target(%dma_start3A_310 : memref<128xi32, #tpu.memory_space<vmem>>) target_semaphore(%dma_start3A_307 : memref<!tpu.dma_semaphore, #tpu.memory_space<semaphore_mem>>)
      } else {
      }
      %add3A_191 = arith.constant 1 : i32
      %add3A_192 = arith.addi %add3A_179, %add3A_191 : i32
      %lt3A_193 = arith.cmpi slt, %add3A_192, %select_n3A_8 : i32
      %convert_element_type3A_194 = arith.extui %lt3A_193 : i1 to i32
      %cond3A_195 = arith.constant 0 : i32
      %cond3A_196 = arith.cmpi ne, %convert_element_type3A_194, %cond3A_195 : i32
      scf.if %cond3A_196 {
        %dma_wait3A_278 = arith.constant 3 : i32
        %dma_wait3A_279 = arith.constant 3 : i32
        %dma_wait3A_280 = arith.constant 0 : i32
        %dma_wait3A_281 = tpu.memref_slice %arg6[%dma_wait3A_278, %dma_wait3A_280] : memref<4x128xi32, #tpu.memory_space<vmem>> -> memref<1x128xi32, #tpu.memory_space<vmem>>
        %dma_wait3A_282 = tpu.memref_squeeze %dma_wait3A_281 : memref<1x128xi32, #tpu.memory_space<vmem>> -> memref<128xi32, #tpu.memory_space<vmem>>
        %dma_wait3A_283 = arith.constant 0 : i32
        %dma_wait3A_284 = tpu.memref_slice %arg2[%select_n3A, %dma_wait3A_283] : memref<2560x128xi32, #tpu.memory_space<hbm>> -> memref<1x128xi32, #tpu.memory_space<hbm>>
        %dma_wait3A_285 = tpu.memref_squeeze %dma_wait3A_284 : memref<1x128xi32, #tpu.memory_space<hbm>> -> memref<128xi32, #tpu.memory_space<hbm>>
        %dma_wait3A_286 = tpu.memref_slice %arg10[%dma_wait3A_279] : memref<4x!tpu.dma_semaphore, #tpu.memory_space<semaphore_mem>> -> memref<1x!tpu.dma_semaphore, #tpu.memory_space<semaphore_mem>>
        %dma_wait3A_287 = tpu.memref_squeeze %dma_wait3A_286 : memref<1x!tpu.dma_semaphore, #tpu.memory_space<semaphore_mem>> -> memref<!tpu.dma_semaphore, #tpu.memory_space<semaphore_mem>>
        %dma_wait3A_288 = arith.constant 0 : i32
        %dma_wait3A_289 = tpu.memref_slice %arg6[%dma_wait3A_278, %dma_wait3A_288] : memref<4x128xi32, #tpu.memory_space<vmem>> -> memref<1x128xi32, #tpu.memory_space<vmem>>
        %dma_wait3A_290 = tpu.memref_squeeze %dma_wait3A_289 : memref<1x128xi32, #tpu.memory_space<vmem>> -> memref<128xi32, #tpu.memory_space<vmem>>
        %dma_wait3A_291 = arith.constant 0 : i32
        %dma_wait3A_292 = tpu.memref_slice %arg2[%select_n3A, %dma_wait3A_291] : memref<2560x128xi32, #tpu.memory_space<hbm>> -> memref<1x128xi32, #tpu.memory_space<hbm>>
        %dma_wait3A_293 = tpu.memref_squeeze %dma_wait3A_292 : memref<1x128xi32, #tpu.memory_space<hbm>> -> memref<128xi32, #tpu.memory_space<hbm>>
        tpu.wait_dma2 semaphore(%dma_wait3A_287 : memref<!tpu.dma_semaphore, #tpu.memory_space<semaphore_mem>>) src(%dma_wait3A_293 : memref<128xi32, #tpu.memory_space<hbm>>) dst(%dma_wait3A_290 : memref<128xi32, #tpu.memory_space<vmem>>)
        %dma_wait3A_294 = arith.constant 3 : i32
        %dma_wait3A_295 = arith.constant 3 : i32
        %dma_wait3A_296 = arith.constant 0 : i32
        %dma_wait3A_297 = tpu.memref_slice %arg7[%dma_wait3A_294, %dma_wait3A_296] : memref<4x128xi32, #tpu.memory_space<vmem>> -> memref<1x128xi32, #tpu.memory_space<vmem>>
        %dma_wait3A_298 = tpu.memref_squeeze %dma_wait3A_297 : memref<1x128xi32, #tpu.memory_space<vmem>> -> memref<128xi32, #tpu.memory_space<vmem>>
        %dma_wait3A_299 = arith.constant 0 : i32
        %dma_wait3A_300 = tpu.memref_slice %arg3[%select_n3A, %dma_wait3A_299] : memref<2560x128xi32, #tpu.memory_space<hbm>> -> memref<1x128xi32, #tpu.memory_space<hbm>>
        %dma_wait3A_301 = tpu.memref_squeeze %dma_wait3A_300 : memref<1x128xi32, #tpu.memory_space<hbm>> -> memref<128xi32, #tpu.memory_space<hbm>>
        %dma_wait3A_302 = tpu.memref_slice %arg10[%dma_wait3A_295] : memref<4x!tpu.dma_semaphore, #tpu.memory_space<semaphore_mem>> -> memref<1x!tpu.dma_semaphore, #tpu.memory_space<semaphore_mem>>
        %dma_wait3A_303 = tpu.memref_squeeze %dma_wait3A_302 : memref<1x!tpu.dma_semaphore, #tpu.memory_space<semaphore_mem>> -> memref<!tpu.dma_semaphore, #tpu.memory_space<semaphore_mem>>
        %dma_wait3A_304 = arith.constant 0 : i32
        %dma_wait3A_305 = tpu.memref_slice %arg7[%dma_wait3A_294, %dma_wait3A_304] : memref<4x128xi32, #tpu.memory_space<vmem>> -> memref<1x128xi32, #tpu.memory_space<vmem>>
        %dma_wait3A_306 = tpu.memref_squeeze %dma_wait3A_305 : memref<1x128xi32, #tpu.memory_space<vmem>> -> memref<128xi32, #tpu.memory_space<vmem>>
        %dma_wait3A_307 = arith.constant 0 : i32
        %dma_wait3A_308 = tpu.memref_slice %arg3[%select_n3A, %dma_wait3A_307] : memref<2560x128xi32, #tpu.memory_space<hbm>> -> memref<1x128xi32, #tpu.memory_space<hbm>>
        %dma_wait3A_309 = tpu.memref_squeeze %dma_wait3A_308 : memref<1x128xi32, #tpu.memory_space<hbm>> -> memref<128xi32, #tpu.memory_space<hbm>>
        tpu.wait_dma2 semaphore(%dma_wait3A_303 : memref<!tpu.dma_semaphore, #tpu.memory_space<semaphore_mem>>) src(%dma_wait3A_309 : memref<128xi32, #tpu.memory_space<hbm>>) dst(%dma_wait3A_306 : memref<128xi32, #tpu.memory_space<vmem>>)
        %dma_start3A_310 = arith.constant 3 : i32
        %dma_start3A_311 = arith.constant 1 : i32
        %dma_start3A_312 = arith.constant 1 : i32
        %dma_start3A_313 = arith.constant 0 : i32
        %dma_start3A_314 = arith.constant 0 : i32
        %dma_start3A_315 = tpu.memref_slice %arg8[%dma_start3A_311, %dma_start3A_313, %dma_start3A_314] : memref<2x128x128xf32, #tpu.memory_space<vmem>> -> memref<1x128x128xf32, #tpu.memory_space<vmem>>
        %dma_start3A_316 = tpu.memref_squeeze %dma_start3A_315 : memref<1x128x128xf32, #tpu.memory_space<vmem>> -> memref<128x128xf32, #tpu.memory_space<vmem>>
        %dma_start3A_317 = arith.constant 0 : i32
        %dma_start3A_318 = tpu.memref_slice %arg6[%dma_start3A_310, %dma_start3A_317] : memref<4x128xi32, #tpu.memory_space<vmem>> -> memref<1x128xi32, #tpu.memory_space<vmem>>
        %dma_start3A_319 = tpu.memref_squeeze %dma_start3A_318 : memref<1x128xi32, #tpu.memory_space<vmem>> -> memref<128xi32, #tpu.memory_space<vmem>>
        %dma_start3A_320 = arith.constant 0 : i32
        %dma_start3A_321 = arith.constant 0 : i32
        %dma_start3A_322 = tpu.memref_slice %arg4[%dma_start3A_320, %dma_start3A_321] : memref<10000x128xf32, #tpu.memory_space<hbm>> -> memref<10000x128xf32, #tpu.memory_space<hbm>>
        %dma_start3A_323 = tpu.memref_slice %arg11[%dma_start3A_312] : memref<2x!tpu.dma_semaphore, #tpu.memory_space<semaphore_mem>> -> memref<1x!tpu.dma_semaphore, #tpu.memory_space<semaphore_mem>>
        %dma_start3A_324 = tpu.memref_squeeze %dma_start3A_323 : memref<1x!tpu.dma_semaphore, #tpu.memory_space<semaphore_mem>> -> memref<!tpu.dma_semaphore, #tpu.memory_space<semaphore_mem>>
        tpu.enqueue_indirect_dma source(%dma_start3A_322 : memref<10000x128xf32, #tpu.memory_space<hbm>>) target(%dma_start3A_316 : memref<128x128xf32, #tpu.memory_space<vmem>>) offsets(%dma_start3A_319 : memref<128xi32, #tpu.memory_space<vmem>>) semaphore(%dma_start3A_324 : memref<!tpu.dma_semaphore, #tpu.memory_space<semaphore_mem>>)
      } else {
      }
      %dma_wait3A_197 = arith.constant 0 : i32
      %dma_wait3A_198 = arith.constant 0 : i32
      %dma_wait3A_199 = arith.constant 0 : i32
      %dma_wait3A_200 = arith.constant 0 : i32
      %dma_wait3A_201 = arith.constant 0 : i32
      %dma_wait3A_202 = tpu.memref_slice %arg8[%dma_wait3A_198, %dma_wait3A_200, %dma_wait3A_201] : memref<2x128x128xf32, #tpu.memory_space<vmem>> -> memref<1x128x128xf32, #tpu.memory_space<vmem>>
      %dma_wait3A_203 = tpu.memref_squeeze %dma_wait3A_202 : memref<1x128x128xf32, #tpu.memory_space<vmem>> -> memref<128x128xf32, #tpu.memory_space<vmem>>
      %dma_wait3A_204 = arith.constant 0 : i32
      %dma_wait3A_205 = tpu.memref_slice %arg6[%dma_wait3A_197, %dma_wait3A_204] : memref<4x128xi32, #tpu.memory_space<vmem>> -> memref<1x128xi32, #tpu.memory_space<vmem>>
      %dma_wait3A_206 = tpu.memref_squeeze %dma_wait3A_205 : memref<1x128xi32, #tpu.memory_space<vmem>> -> memref<128xi32, #tpu.memory_space<vmem>>
      %dma_wait3A_207 = arith.constant 0 : i32
      %dma_wait3A_208 = arith.constant 0 : i32
      %dma_wait3A_209 = tpu.memref_slice %arg4[%dma_wait3A_207, %dma_wait3A_208] : memref<10000x128xf32, #tpu.memory_space<hbm>> -> memref<10000x128xf32, #tpu.memory_space<hbm>>
      %dma_wait3A_210 = tpu.memref_slice %arg11[%dma_wait3A_199] : memref<2x!tpu.dma_semaphore, #tpu.memory_space<semaphore_mem>> -> memref<1x!tpu.dma_semaphore, #tpu.memory_space<semaphore_mem>>
      %dma_wait3A_211 = tpu.memref_squeeze %dma_wait3A_210 : memref<1x!tpu.dma_semaphore, #tpu.memory_space<semaphore_mem>> -> memref<!tpu.dma_semaphore, #tpu.memory_space<semaphore_mem>>
      tpu.wait_indirect_dma semaphore(%dma_wait3A_211 : memref<!tpu.dma_semaphore, #tpu.memory_space<semaphore_mem>>) src(%dma_wait3A_209 : memref<10000x128xf32, #tpu.memory_space<hbm>>) dst(%dma_wait3A_203 : memref<128x128xf32, #tpu.memory_space<vmem>>)
      %dma_start3A_212 = arith.constant 0 : i32
      %dma_start3A_213 = arith.constant 2 : i32
      %dma_start3A_214 = arith.constant 0 : i32
      %dma_start3A_215 = arith.constant 0 : i32
      %dma_start3A_216 = arith.constant 0 : i32
      %dma_start3A_217 = tpu.memref_slice %arg8[%dma_start3A_212, %dma_start3A_215, %dma_start3A_216] : memref<2x128x128xf32, #tpu.memory_space<vmem>> -> memref<1x128x128xf32, #tpu.memory_space<vmem>>
      %dma_start3A_218 = tpu.memref_squeeze %dma_start3A_217 : memref<1x128x128xf32, #tpu.memory_space<vmem>> -> memref<128x128xf32, #tpu.memory_space<vmem>>
      %dma_start3A_219 = arith.constant 0 : i32
      %dma_start3A_220 = tpu.memref_slice %arg7[%dma_start3A_213, %dma_start3A_219] : memref<4x128xi32, #tpu.memory_space<vmem>> -> memref<1x128xi32, #tpu.memory_space<vmem>>
      %dma_start3A_221 = tpu.memref_squeeze %dma_start3A_220 : memref<1x128xi32, #tpu.memory_space<vmem>> -> memref<128xi32, #tpu.memory_space<vmem>>
      %dma_start3A_222 = arith.constant 0 : i32
      %dma_start3A_223 = arith.constant 0 : i32
      %dma_start3A_224 = tpu.memref_slice %arg9[%dma_start3A_222, %dma_start3A_223] : memref<10240x128xf32, #tpu.memory_space<vmem_shared>> -> memref<10240x128xf32, #tpu.memory_space<vmem_shared>>
      %dma_start3A_225 = tpu.memref_slice %arg12[%dma_start3A_214] : memref<2x!tpu.dma_semaphore, #tpu.memory_space<semaphore_mem>> -> memref<1x!tpu.dma_semaphore, #tpu.memory_space<semaphore_mem>>
      %dma_start3A_226 = tpu.memref_squeeze %dma_start3A_225 : memref<1x!tpu.dma_semaphore, #tpu.memory_space<semaphore_mem>> -> memref<!tpu.dma_semaphore, #tpu.memory_space<semaphore_mem>>
      tpu.enqueue_indirect_dma source(%dma_start3A_218 : memref<128x128xf32, #tpu.memory_space<vmem>>) target(%dma_start3A_224 : memref<10240x128xf32, #tpu.memory_space<vmem_shared>>) offsets(%dma_start3A_221 : memref<128xi32, #tpu.memory_space<vmem>>) semaphore(%dma_start3A_226 : memref<!tpu.dma_semaphore, #tpu.memory_space<semaphore_mem>>) {add = true}
      %mul3A_227 = arith.constant 4 : i32
      %mul3A_228 = arith.muli %while3A_77, %mul3A_227 : i32
      %add3A_229 = arith.constant 3 : i32
      %add3A_230 = arith.addi %mul3A_228, %add3A_229 : i32
      %ge3A_231 = arith.constant 1 : i32
      %ge3A_232 = arith.cmpi sge, %add3A_230, %ge3A_231 : i32
      %convert_element_type3A_233 = arith.extui %ge3A_232 : i1 to i32
      %cond3A_234 = arith.constant 0 : i32
      %cond3A_235 = arith.cmpi ne, %convert_element_type3A_233, %cond3A_234 : i32
      scf.if %cond3A_235 {
        %dma_wait3A_278 = arith.constant 0 : i32
        %dma_wait3A_279 = arith.constant 0 : i32
        %dma_wait3A_280 = arith.constant 0 : i32
        %dma_wait3A_281 = arith.constant 0 : i32
        %dma_wait3A_282 = arith.constant 0 : i32
        %dma_wait3A_283 = tpu.memref_slice %arg8[%dma_wait3A_278, %dma_wait3A_281, %dma_wait3A_282] : memref<2x128x128xf32, #tpu.memory_space<vmem>> -> memref<1x128x128xf32, #tpu.memory_space<vmem>>
        %dma_wait3A_284 = tpu.memref_squeeze %dma_wait3A_283 : memref<1x128x128xf32, #tpu.memory_space<vmem>> -> memref<128x128xf32, #tpu.memory_space<vmem>>
        %dma_wait3A_285 = arith.constant 0 : i32
        %dma_wait3A_286 = tpu.memref_slice %arg7[%dma_wait3A_279, %dma_wait3A_285] : memref<4x128xi32, #tpu.memory_space<vmem>> -> memref<1x128xi32, #tpu.memory_space<vmem>>
        %dma_wait3A_287 = tpu.memref_squeeze %dma_wait3A_286 : memref<1x128xi32, #tpu.memory_space<vmem>> -> memref<128xi32, #tpu.memory_space<vmem>>
        %dma_wait3A_288 = arith.constant 0 : i32
        %dma_wait3A_289 = arith.constant 0 : i32
        %dma_wait3A_290 = tpu.memref_slice %arg9[%dma_wait3A_288, %dma_wait3A_289] : memref<10240x128xf32, #tpu.memory_space<vmem_shared>> -> memref<10240x128xf32, #tpu.memory_space<vmem_shared>>
        %dma_wait3A_291 = tpu.memref_slice %arg12[%dma_wait3A_280] : memref<2x!tpu.dma_semaphore, #tpu.memory_space<semaphore_mem>> -> memref<1x!tpu.dma_semaphore, #tpu.memory_space<semaphore_mem>>
        %dma_wait3A_292 = tpu.memref_squeeze %dma_wait3A_291 : memref<1x!tpu.dma_semaphore, #tpu.memory_space<semaphore_mem>> -> memref<!tpu.dma_semaphore, #tpu.memory_space<semaphore_mem>>
        tpu.wait_indirect_dma semaphore(%dma_wait3A_292 : memref<!tpu.dma_semaphore, #tpu.memory_space<semaphore_mem>>) src(%dma_wait3A_284 : memref<128x128xf32, #tpu.memory_space<vmem>>) dst(%dma_wait3A_290 : memref<10240x128xf32, #tpu.memory_space<vmem_shared>>)
      } else {
      }
      %add3A_236 = arith.constant 2 : i32
      %add3A_237 = arith.addi %add3A_230, %add3A_236 : i32
      %lt3A_238 = arith.cmpi slt, %add3A_237, %select_n3A_8 : i32
      %convert_element_type3A_239 = arith.extui %lt3A_238 : i1 to i32
      %cond3A_240 = arith.constant 0 : i32
      %cond3A_241 = arith.cmpi ne, %convert_element_type3A_239, %cond3A_240 : i32
      scf.if %cond3A_241 {
        %add3A_278 = arith.constant 2 : i32
        %add3A_279 = arith.addi %add3A_230, %add3A_278 : i32
        %add3A_280 = arith.addi %select_n3A, %add3A_279 : i32
        %dma_start3A_281 = arith.constant 1 : i32
        %dma_start3A_282 = arith.constant 1 : i32
        %dma_start3A_283 = arith.constant 0 : i32
        %dma_start3A_284 = tpu.memref_slice %arg6[%dma_start3A_281, %dma_start3A_283] : memref<4x128xi32, #tpu.memory_space<vmem>> -> memref<1x128xi32, #tpu.memory_space<vmem>>
        %dma_start3A_285 = tpu.memref_squeeze %dma_start3A_284 : memref<1x128xi32, #tpu.memory_space<vmem>> -> memref<128xi32, #tpu.memory_space<vmem>>
        %dma_start3A_286 = arith.constant 0 : i32
        %dma_start3A_287 = tpu.memref_slice %arg2[%add3A_280, %dma_start3A_286] : memref<2560x128xi32, #tpu.memory_space<hbm>> -> memref<1x128xi32, #tpu.memory_space<hbm>>
        %dma_start3A_288 = tpu.memref_squeeze %dma_start3A_287 : memref<1x128xi32, #tpu.memory_space<hbm>> -> memref<128xi32, #tpu.memory_space<hbm>>
        %dma_start3A_289 = tpu.memref_slice %arg10[%dma_start3A_282] : memref<4x!tpu.dma_semaphore, #tpu.memory_space<semaphore_mem>> -> memref<1x!tpu.dma_semaphore, #tpu.memory_space<semaphore_mem>>
        %dma_start3A_290 = tpu.memref_squeeze %dma_start3A_289 : memref<1x!tpu.dma_semaphore, #tpu.memory_space<semaphore_mem>> -> memref<!tpu.dma_semaphore, #tpu.memory_space<semaphore_mem>>
        %dma_start3A_291 = arith.constant 0 : i32
        %dma_start3A_292 = tpu.memref_slice %arg6[%dma_start3A_281, %dma_start3A_291] : memref<4x128xi32, #tpu.memory_space<vmem>> -> memref<1x128xi32, #tpu.memory_space<vmem>>
        %dma_start3A_293 = tpu.memref_squeeze %dma_start3A_292 : memref<1x128xi32, #tpu.memory_space<vmem>> -> memref<128xi32, #tpu.memory_space<vmem>>
        %dma_start3A_294 = arith.constant 0 : i32
        %dma_start3A_295 = tpu.memref_slice %arg2[%add3A_280, %dma_start3A_294] : memref<2560x128xi32, #tpu.memory_space<hbm>> -> memref<1x128xi32, #tpu.memory_space<hbm>>
        %dma_start3A_296 = tpu.memref_squeeze %dma_start3A_295 : memref<1x128xi32, #tpu.memory_space<hbm>> -> memref<128xi32, #tpu.memory_space<hbm>>
        tpu.enqueue_dma source(%dma_start3A_296 : memref<128xi32, #tpu.memory_space<hbm>>) target(%dma_start3A_293 : memref<128xi32, #tpu.memory_space<vmem>>) target_semaphore(%dma_start3A_290 : memref<!tpu.dma_semaphore, #tpu.memory_space<semaphore_mem>>)
        %add3A_297 = arith.addi %select_n3A, %add3A_279 : i32
        %dma_start3A_298 = arith.constant 1 : i32
        %dma_start3A_299 = arith.constant 1 : i32
        %dma_start3A_300 = arith.constant 0 : i32
        %dma_start3A_301 = tpu.memref_slice %arg7[%dma_start3A_298, %dma_start3A_300] : memref<4x128xi32, #tpu.memory_space<vmem>> -> memref<1x128xi32, #tpu.memory_space<vmem>>
        %dma_start3A_302 = tpu.memref_squeeze %dma_start3A_301 : memref<1x128xi32, #tpu.memory_space<vmem>> -> memref<128xi32, #tpu.memory_space<vmem>>
        %dma_start3A_303 = arith.constant 0 : i32
        %dma_start3A_304 = tpu.memref_slice %arg3[%add3A_297, %dma_start3A_303] : memref<2560x128xi32, #tpu.memory_space<hbm>> -> memref<1x128xi32, #tpu.memory_space<hbm>>
        %dma_start3A_305 = tpu.memref_squeeze %dma_start3A_304 : memref<1x128xi32, #tpu.memory_space<hbm>> -> memref<128xi32, #tpu.memory_space<hbm>>
        %dma_start3A_306 = tpu.memref_slice %arg10[%dma_start3A_299] : memref<4x!tpu.dma_semaphore, #tpu.memory_space<semaphore_mem>> -> memref<1x!tpu.dma_semaphore, #tpu.memory_space<semaphore_mem>>
        %dma_start3A_307 = tpu.memref_squeeze %dma_start3A_306 : memref<1x!tpu.dma_semaphore, #tpu.memory_space<semaphore_mem>> -> memref<!tpu.dma_semaphore, #tpu.memory_space<semaphore_mem>>
        %dma_start3A_308 = arith.constant 0 : i32
        %dma_start3A_309 = tpu.memref_slice %arg7[%dma_start3A_298, %dma_start3A_308] : memref<4x128xi32, #tpu.memory_space<vmem>> -> memref<1x128xi32, #tpu.memory_space<vmem>>
        %dma_start3A_310 = tpu.memref_squeeze %dma_start3A_309 : memref<1x128xi32, #tpu.memory_space<vmem>> -> memref<128xi32, #tpu.memory_space<vmem>>
        %dma_start3A_311 = arith.constant 0 : i32
        %dma_start3A_312 = tpu.memref_slice %arg3[%add3A_297, %dma_start3A_311] : memref<2560x128xi32, #tpu.memory_space<hbm>> -> memref<1x128xi32, #tpu.memory_space<hbm>>
        %dma_start3A_313 = tpu.memref_squeeze %dma_start3A_312 : memref<1x128xi32, #tpu.memory_space<hbm>> -> memref<128xi32, #tpu.memory_space<hbm>>
        tpu.enqueue_dma source(%dma_start3A_313 : memref<128xi32, #tpu.memory_space<hbm>>) target(%dma_start3A_310 : memref<128xi32, #tpu.memory_space<vmem>>) target_semaphore(%dma_start3A_307 : memref<!tpu.dma_semaphore, #tpu.memory_space<semaphore_mem>>)
      } else {
      }
      %add3A_242 = arith.constant 1 : i32
      %add3A_243 = arith.addi %add3A_230, %add3A_242 : i32
      %lt3A_244 = arith.cmpi slt, %add3A_243, %select_n3A_8 : i32
      %convert_element_type3A_245 = arith.extui %lt3A_244 : i1 to i32
      %cond3A_246 = arith.constant 0 : i32
      %cond3A_247 = arith.cmpi ne, %convert_element_type3A_245, %cond3A_246 : i32
      scf.if %cond3A_247 {
        %dma_wait3A_278 = arith.constant 0 : i32
        %dma_wait3A_279 = arith.constant 0 : i32
        %dma_wait3A_280 = arith.constant 0 : i32
        %dma_wait3A_281 = tpu.memref_slice %arg6[%dma_wait3A_278, %dma_wait3A_280] : memref<4x128xi32, #tpu.memory_space<vmem>> -> memref<1x128xi32, #tpu.memory_space<vmem>>
        %dma_wait3A_282 = tpu.memref_squeeze %dma_wait3A_281 : memref<1x128xi32, #tpu.memory_space<vmem>> -> memref<128xi32, #tpu.memory_space<vmem>>
        %dma_wait3A_283 = arith.constant 0 : i32
        %dma_wait3A_284 = tpu.memref_slice %arg2[%select_n3A, %dma_wait3A_283] : memref<2560x128xi32, #tpu.memory_space<hbm>> -> memref<1x128xi32, #tpu.memory_space<hbm>>
        %dma_wait3A_285 = tpu.memref_squeeze %dma_wait3A_284 : memref<1x128xi32, #tpu.memory_space<hbm>> -> memref<128xi32, #tpu.memory_space<hbm>>
        %dma_wait3A_286 = tpu.memref_slice %arg10[%dma_wait3A_279] : memref<4x!tpu.dma_semaphore, #tpu.memory_space<semaphore_mem>> -> memref<1x!tpu.dma_semaphore, #tpu.memory_space<semaphore_mem>>
        %dma_wait3A_287 = tpu.memref_squeeze %dma_wait3A_286 : memref<1x!tpu.dma_semaphore, #tpu.memory_space<semaphore_mem>> -> memref<!tpu.dma_semaphore, #tpu.memory_space<semaphore_mem>>
        %dma_wait3A_288 = arith.constant 0 : i32
        %dma_wait3A_289 = tpu.memref_slice %arg6[%dma_wait3A_278, %dma_wait3A_288] : memref<4x128xi32, #tpu.memory_space<vmem>> -> memref<1x128xi32, #tpu.memory_space<vmem>>
        %dma_wait3A_290 = tpu.memref_squeeze %dma_wait3A_289 : memref<1x128xi32, #tpu.memory_space<vmem>> -> memref<128xi32, #tpu.memory_space<vmem>>
        %dma_wait3A_291 = arith.constant 0 : i32
        %dma_wait3A_292 = tpu.memref_slice %arg2[%select_n3A, %dma_wait3A_291] : memref<2560x128xi32, #tpu.memory_space<hbm>> -> memref<1x128xi32, #tpu.memory_space<hbm>>
        %dma_wait3A_293 = tpu.memref_squeeze %dma_wait3A_292 : memref<1x128xi32, #tpu.memory_space<hbm>> -> memref<128xi32, #tpu.memory_space<hbm>>
        tpu.wait_dma2 semaphore(%dma_wait3A_287 : memref<!tpu.dma_semaphore, #tpu.memory_space<semaphore_mem>>) src(%dma_wait3A_293 : memref<128xi32, #tpu.memory_space<hbm>>) dst(%dma_wait3A_290 : memref<128xi32, #tpu.memory_space<vmem>>)
        %dma_wait3A_294 = arith.constant 0 : i32
        %dma_wait3A_295 = arith.constant 0 : i32
        %dma_wait3A_296 = arith.constant 0 : i32
        %dma_wait3A_297 = tpu.memref_slice %arg7[%dma_wait3A_294, %dma_wait3A_296] : memref<4x128xi32, #tpu.memory_space<vmem>> -> memref<1x128xi32, #tpu.memory_space<vmem>>
        %dma_wait3A_298 = tpu.memref_squeeze %dma_wait3A_297 : memref<1x128xi32, #tpu.memory_space<vmem>> -> memref<128xi32, #tpu.memory_space<vmem>>
        %dma_wait3A_299 = arith.constant 0 : i32
        %dma_wait3A_300 = tpu.memref_slice %arg3[%select_n3A, %dma_wait3A_299] : memref<2560x128xi32, #tpu.memory_space<hbm>> -> memref<1x128xi32, #tpu.memory_space<hbm>>
        %dma_wait3A_301 = tpu.memref_squeeze %dma_wait3A_300 : memref<1x128xi32, #tpu.memory_space<hbm>> -> memref<128xi32, #tpu.memory_space<hbm>>
        %dma_wait3A_302 = tpu.memref_slice %arg10[%dma_wait3A_295] : memref<4x!tpu.dma_semaphore, #tpu.memory_space<semaphore_mem>> -> memref<1x!tpu.dma_semaphore, #tpu.memory_space<semaphore_mem>>
        %dma_wait3A_303 = tpu.memref_squeeze %dma_wait3A_302 : memref<1x!tpu.dma_semaphore, #tpu.memory_space<semaphore_mem>> -> memref<!tpu.dma_semaphore, #tpu.memory_space<semaphore_mem>>
        %dma_wait3A_304 = arith.constant 0 : i32
        %dma_wait3A_305 = tpu.memref_slice %arg7[%dma_wait3A_294, %dma_wait3A_304] : memref<4x128xi32, #tpu.memory_space<vmem>> -> memref<1x128xi32, #tpu.memory_space<vmem>>
        %dma_wait3A_306 = tpu.memref_squeeze %dma_wait3A_305 : memref<1x128xi32, #tpu.memory_space<vmem>> -> memref<128xi32, #tpu.memory_space<vmem>>
        %dma_wait3A_307 = arith.constant 0 : i32
        %dma_wait3A_308 = tpu.memref_slice %arg3[%select_n3A, %dma_wait3A_307] : memref<2560x128xi32, #tpu.memory_space<hbm>> -> memref<1x128xi32, #tpu.memory_space<hbm>>
        %dma_wait3A_309 = tpu.memref_squeeze %dma_wait3A_308 : memref<1x128xi32, #tpu.memory_space<hbm>> -> memref<128xi32, #tpu.memory_space<hbm>>
        tpu.wait_dma2 semaphore(%dma_wait3A_303 : memref<!tpu.dma_semaphore, #tpu.memory_space<semaphore_mem>>) src(%dma_wait3A_309 : memref<128xi32, #tpu.memory_space<hbm>>) dst(%dma_wait3A_306 : memref<128xi32, #tpu.memory_space<vmem>>)
        %dma_start3A_310 = arith.constant 0 : i32
        %dma_start3A_311 = arith.constant 0 : i32
        %dma_start3A_312 = arith.constant 0 : i32
        %dma_start3A_313 = arith.constant 0 : i32
        %dma_start3A_314 = arith.constant 0 : i32
        %dma_start3A_315 = tpu.memref_slice %arg8[%dma_start3A_311, %dma_start3A_313, %dma_start3A_314] : memref<2x128x128xf32, #tpu.memory_space<vmem>> -> memref<1x128x128xf32, #tpu.memory_space<vmem>>
        %dma_start3A_316 = tpu.memref_squeeze %dma_start3A_315 : memref<1x128x128xf32, #tpu.memory_space<vmem>> -> memref<128x128xf32, #tpu.memory_space<vmem>>
        %dma_start3A_317 = arith.constant 0 : i32
        %dma_start3A_318 = tpu.memref_slice %arg6[%dma_start3A_310, %dma_start3A_317] : memref<4x128xi32, #tpu.memory_space<vmem>> -> memref<1x128xi32, #tpu.memory_space<vmem>>
        %dma_start3A_319 = tpu.memref_squeeze %dma_start3A_318 : memref<1x128xi32, #tpu.memory_space<vmem>> -> memref<128xi32, #tpu.memory_space<vmem>>
        %dma_start3A_320 = arith.constant 0 : i32
        %dma_start3A_321 = arith.constant 0 : i32
        %dma_start3A_322 = tpu.memref_slice %arg4[%dma_start3A_320, %dma_start3A_321] : memref<10000x128xf32, #tpu.memory_space<hbm>> -> memref<10000x128xf32, #tpu.memory_space<hbm>>
        %dma_start3A_323 = tpu.memref_slice %arg11[%dma_start3A_312] : memref<2x!tpu.dma_semaphore, #tpu.memory_space<semaphore_mem>> -> memref<1x!tpu.dma_semaphore, #tpu.memory_space<semaphore_mem>>
        %dma_start3A_324 = tpu.memref_squeeze %dma_start3A_323 : memref<1x!tpu.dma_semaphore, #tpu.memory_space<semaphore_mem>> -> memref<!tpu.dma_semaphore, #tpu.memory_space<semaphore_mem>>
        tpu.enqueue_indirect_dma source(%dma_start3A_322 : memref<10000x128xf32, #tpu.memory_space<hbm>>) target(%dma_start3A_316 : memref<128x128xf32, #tpu.memory_space<vmem>>) offsets(%dma_start3A_319 : memref<128xi32, #tpu.memory_space<vmem>>) semaphore(%dma_start3A_324 : memref<!tpu.dma_semaphore, #tpu.memory_space<semaphore_mem>>)
      } else {
      }
      %dma_wait3A_248 = arith.constant 0 : i32
      %dma_wait3A_249 = arith.constant 1 : i32
      %dma_wait3A_250 = arith.constant 1 : i32
      %dma_wait3A_251 = arith.constant 0 : i32
      %dma_wait3A_252 = arith.constant 0 : i32
      %dma_wait3A_253 = tpu.memref_slice %arg8[%dma_wait3A_249, %dma_wait3A_251, %dma_wait3A_252] : memref<2x128x128xf32, #tpu.memory_space<vmem>> -> memref<1x128x128xf32, #tpu.memory_space<vmem>>
      %dma_wait3A_254 = tpu.memref_squeeze %dma_wait3A_253 : memref<1x128x128xf32, #tpu.memory_space<vmem>> -> memref<128x128xf32, #tpu.memory_space<vmem>>
      %dma_wait3A_255 = arith.constant 0 : i32
      %dma_wait3A_256 = tpu.memref_slice %arg6[%dma_wait3A_248, %dma_wait3A_255] : memref<4x128xi32, #tpu.memory_space<vmem>> -> memref<1x128xi32, #tpu.memory_space<vmem>>
      %dma_wait3A_257 = tpu.memref_squeeze %dma_wait3A_256 : memref<1x128xi32, #tpu.memory_space<vmem>> -> memref<128xi32, #tpu.memory_space<vmem>>
      %dma_wait3A_258 = arith.constant 0 : i32
      %dma_wait3A_259 = arith.constant 0 : i32
      %dma_wait3A_260 = tpu.memref_slice %arg4[%dma_wait3A_258, %dma_wait3A_259] : memref<10000x128xf32, #tpu.memory_space<hbm>> -> memref<10000x128xf32, #tpu.memory_space<hbm>>
      %dma_wait3A_261 = tpu.memref_slice %arg11[%dma_wait3A_250] : memref<2x!tpu.dma_semaphore, #tpu.memory_space<semaphore_mem>> -> memref<1x!tpu.dma_semaphore, #tpu.memory_space<semaphore_mem>>
      %dma_wait3A_262 = tpu.memref_squeeze %dma_wait3A_261 : memref<1x!tpu.dma_semaphore, #tpu.memory_space<semaphore_mem>> -> memref<!tpu.dma_semaphore, #tpu.memory_space<semaphore_mem>>
      tpu.wait_indirect_dma semaphore(%dma_wait3A_262 : memref<!tpu.dma_semaphore, #tpu.memory_space<semaphore_mem>>) src(%dma_wait3A_260 : memref<10000x128xf32, #tpu.memory_space<hbm>>) dst(%dma_wait3A_254 : memref<128x128xf32, #tpu.memory_space<vmem>>)
      %dma_start3A_263 = arith.constant 1 : i32
      %dma_start3A_264 = arith.constant 3 : i32
      %dma_start3A_265 = arith.constant 1 : i32
      %dma_start3A_266 = arith.constant 0 : i32
      %dma_start3A_267 = arith.constant 0 : i32
      %dma_start3A_268 = tpu.memref_slice %arg8[%dma_start3A_263, %dma_start3A_266, %dma_start3A_267] : memref<2x128x128xf32, #tpu.memory_space<vmem>> -> memref<1x128x128xf32, #tpu.memory_space<vmem>>
      %dma_start3A_269 = tpu.memref_squeeze %dma_start3A_268 : memref<1x128x128xf32, #tpu.memory_space<vmem>> -> memref<128x128xf32, #tpu.memory_space<vmem>>
      %dma_start3A_270 = arith.constant 0 : i32
      %dma_start3A_271 = tpu.memref_slice %arg7[%dma_start3A_264, %dma_start3A_270] : memref<4x128xi32, #tpu.memory_space<vmem>> -> memref<1x128xi32, #tpu.memory_space<vmem>>
      %dma_start3A_272 = tpu.memref_squeeze %dma_start3A_271 : memref<1x128xi32, #tpu.memory_space<vmem>> -> memref<128xi32, #tpu.memory_space<vmem>>
      %dma_start3A_273 = arith.constant 0 : i32
      %dma_start3A_274 = arith.constant 0 : i32
      %dma_start3A_275 = tpu.memref_slice %arg9[%dma_start3A_273, %dma_start3A_274] : memref<10240x128xf32, #tpu.memory_space<vmem_shared>> -> memref<10240x128xf32, #tpu.memory_space<vmem_shared>>
      %dma_start3A_276 = tpu.memref_slice %arg12[%dma_start3A_265] : memref<2x!tpu.dma_semaphore, #tpu.memory_space<semaphore_mem>> -> memref<1x!tpu.dma_semaphore, #tpu.memory_space<semaphore_mem>>
      %dma_start3A_277 = tpu.memref_squeeze %dma_start3A_276 : memref<1x!tpu.dma_semaphore, #tpu.memory_space<semaphore_mem>> -> memref<!tpu.dma_semaphore, #tpu.memory_space<semaphore_mem>>
      tpu.enqueue_indirect_dma source(%dma_start3A_269 : memref<128x128xf32, #tpu.memory_space<vmem>>) target(%dma_start3A_275 : memref<10240x128xf32, #tpu.memory_space<vmem_shared>>) offsets(%dma_start3A_272 : memref<128xi32, #tpu.memory_space<vmem>>) semaphore(%dma_start3A_277 : memref<!tpu.dma_semaphore, #tpu.memory_space<semaphore_mem>>) {add = true}
    }
    %gt3A_67 = arith.constant 0 : i32
    %gt3A_68 = arith.cmpi sgt, %select_n3A_8, %gt3A_67 : i32
    %convert_element_type3A_69 = arith.extui %gt3A_68 : i1 to i32
    %cond3A_70 = arith.constant 0 : i32
    %cond3A_71 = arith.cmpi ne, %convert_element_type3A_69, %cond3A_70 : i32
    scf.if %cond3A_71 {
      %dma_wait3A = arith.constant 1 : i32
      %dma_wait3A_77 = arith.constant 0 : i32
      %dma_wait3A_78 = arith.constant 1 : i32
      %dma_wait3A_79 = arith.constant 0 : i32
      %dma_wait3A_80 = arith.constant 0 : i32
      %dma_wait3A_81 = tpu.memref_slice %arg8[%dma_wait3A, %dma_wait3A_79, %dma_wait3A_80] : memref<2x128x128xf32, #tpu.memory_space<vmem>> -> memref<1x128x128xf32, #tpu.memory_space<vmem>>
      %dma_wait3A_82 = tpu.memref_squeeze %dma_wait3A_81 : memref<1x128x128xf32, #tpu.memory_space<vmem>> -> memref<128x128xf32, #tpu.memory_space<vmem>>
      %dma_wait3A_83 = arith.constant 0 : i32
      %dma_wait3A_84 = tpu.memref_slice %arg7[%dma_wait3A_77, %dma_wait3A_83] : memref<4x128xi32, #tpu.memory_space<vmem>> -> memref<1x128xi32, #tpu.memory_space<vmem>>
      %dma_wait3A_85 = tpu.memref_squeeze %dma_wait3A_84 : memref<1x128xi32, #tpu.memory_space<vmem>> -> memref<128xi32, #tpu.memory_space<vmem>>
      %dma_wait3A_86 = arith.constant 0 : i32
      %dma_wait3A_87 = arith.constant 0 : i32
      %dma_wait3A_88 = tpu.memref_slice %arg9[%dma_wait3A_86, %dma_wait3A_87] : memref<10240x128xf32, #tpu.memory_space<vmem_shared>> -> memref<10240x128xf32, #tpu.memory_space<vmem_shared>>
      %dma_wait3A_89 = tpu.memref_slice %arg12[%dma_wait3A_78] : memref<2x!tpu.dma_semaphore, #tpu.memory_space<semaphore_mem>> -> memref<1x!tpu.dma_semaphore, #tpu.memory_space<semaphore_mem>>
      %dma_wait3A_90 = tpu.memref_squeeze %dma_wait3A_89 : memref<1x!tpu.dma_semaphore, #tpu.memory_space<semaphore_mem>> -> memref<!tpu.dma_semaphore, #tpu.memory_space<semaphore_mem>>
      tpu.wait_indirect_dma semaphore(%dma_wait3A_90 : memref<!tpu.dma_semaphore, #tpu.memory_space<semaphore_mem>>) src(%dma_wait3A_82 : memref<128x128xf32, #tpu.memory_space<vmem>>) dst(%dma_wait3A_88 : memref<10240x128xf32, #tpu.memory_space<vmem_shared>>)
    } else {
    }
    %barrier3A_72 = arith.constant 0 : index
    tpu.barrier barrier_id(%barrier3A_72)
    %mul3A_73 = arith.constant 640 : i32
    %mul3A_74 = arith.muli %arg1, %mul3A_73 : i32
    %mul3A_75 = arith.constant 640 : i32
    %mul3A_76 = arith.muli %arg1, %mul3A_75 : i32
    "tpu.region"() ({
      %run_scoped3A_77 = tpu.sem_alloc : memref<!tpu.dma_semaphore, #tpu.memory_space<semaphore_mem>>
      %dma_start3A = arith.constant 0 : i32
      %dma_start3A_78 = tpu.memref_slice %arg5[%arg0, %mul3A_76, %dma_start3A] : memref<2x10240x128xf32, #tpu.memory_space<hbm>> -> memref<1x640x128xf32, #tpu.memory_space<hbm>>
      %dma_start3A_79 = tpu.memref_squeeze %dma_start3A_78 : memref<1x640x128xf32, #tpu.memory_space<hbm>> -> memref<640x128xf32, #tpu.memory_space<hbm>>
      %dma_start3A_80 = arith.constant 0 : i32
      %dma_start3A_81 = tpu.memref_slice %arg9[%mul3A_74, %dma_start3A_80] : memref<10240x128xf32, #tpu.memory_space<vmem_shared>> -> memref<640x128xf32, #tpu.memory_space<vmem_shared>>
      tpu.enqueue_dma source(%dma_start3A_81 : memref<640x128xf32, #tpu.memory_space<vmem_shared>>) target(%dma_start3A_79 : memref<640x128xf32, #tpu.memory_space<hbm>>) target_semaphore(%run_scoped3A_77 : memref<!tpu.dma_semaphore, #tpu.memory_space<semaphore_mem>>)
      %dma_wait3A = arith.constant 0 : i32
      %dma_wait3A_82 = tpu.memref_slice %arg5[%arg0, %mul3A_76, %dma_wait3A] : memref<2x10240x128xf32, #tpu.memory_space<hbm>> -> memref<1x640x128xf32, #tpu.memory_space<hbm>>
      %dma_wait3A_83 = tpu.memref_squeeze %dma_wait3A_82 : memref<1x640x128xf32, #tpu.memory_space<hbm>> -> memref<640x128xf32, #tpu.memory_space<hbm>>
      %dma_wait3A_84 = arith.constant 0 : i32
      %dma_wait3A_85 = tpu.memref_slice %arg9[%mul3A_74, %dma_wait3A_84] : memref<10240x128xf32, #tpu.memory_space<vmem_shared>> -> memref<640x128xf32, #tpu.memory_space<vmem_shared>>
      tpu.wait_dma2 semaphore(%run_scoped3A_77 : memref<!tpu.dma_semaphore, #tpu.memory_space<semaphore_mem>>) src(%dma_wait3A_85 : memref<640x128xf32, #tpu.memory_space<vmem_shared>>) dst(%dma_wait3A_83 : memref<640x128xf32, #tpu.memory_space<hbm>>)
      tpu.yield
    }) : () -> ()
    return
  }
}

module attributes {stable_mosaic.version = 14 : i64} {
  func.func @_mm_body(%arg0: i32, %arg1: memref<2000x128xf32, #tpu.memory_space<vmem>>, %arg2: memref<128x128xf32, #tpu.memory_space<vmem>>, %arg3: memref<2000x2xf32, #tpu.memory_space<vmem>>, %arg4: memref<2000x128xf32, #tpu.memory_space<vmem>>) attributes {dimension_semantics = [#tpu.dimension_semantics<arbitrary>], iteration_bounds = array<i64: 5>, scalar_prefetch = 0 : i64, scratch_operands = 0 : i64, tpu.core_type = #tpu.core_type<tc>, window_params = [{transform_indices = @transform_0, window_bounds = array<i64: 2000, 128>}, {pipeline_mode = #tpu.pipeline_mode<synchronous>, transform_indices = @transform_1, window_bounds = array<i64: 128, 128>}, {transform_indices = @transform_2, window_bounds = array<i64: 2000, 2>}, {transform_indices = @transform_3, window_bounds = array<i64: 2000, 128>}]} {
    %get3A = arith.constant 0 : index
    %get3A_0 = arith.constant 0 : index
    %get3A_1 = vector.load %arg3[%get3A, %get3A_0] : memref<2000x2xf32, #tpu.memory_space<vmem>>, vector<2000x2xf32>
    %slice3A = vector.extract_strided_slice %get3A_1 {offsets = [0, 0], sizes = [2000, 1], strides = [1, 1]} : vector<2000x2xf32> to vector<2000x1xf32>
    %slice3A_2 = vector.extract_strided_slice %get3A_1 {offsets = [0, 1], sizes = [2000, 1], strides = [1, 1]} : vector<2000x2xf32> to vector<2000x1xf32>
    %add3A = arith.addf %slice3A, %slice3A_2 : vector<2000x1xf32>
    %add3A_3 = arith.constant 1.000000e+00 : f32
    %add3A_4 = vector.broadcast %add3A_3 : f32 to vector<2000x1xf32>
    %add3A_5 = arith.addf %add3A, %add3A_4 : vector<2000x1xf32>
    %rsqrt3A = math.rsqrt %add3A_5 : vector<2000x1xf32>
    %get3A_6 = arith.constant 0 : index
    %get3A_7 = arith.constant 0 : index
    %get3A_8 = vector.load %arg1[%get3A_6, %get3A_7] : memref<2000x128xf32, #tpu.memory_space<vmem>>, vector<2000x128xf32>
    %get3A_9 = arith.constant 0 : index
    %get3A_10 = arith.constant 0 : index
    %get3A_11 = vector.load %arg2[%get3A_9, %get3A_10] : memref<128x128xf32, #tpu.memory_space<vmem>>, vector<128x128xf32>
    %dot_general3A = arith.constant dense<0.000000e+00> : vector<2000x128xf32>
    %dot_general3A_12 = tpu.matmul %get3A_8, %get3A_11, %dot_general3A {dimension_numbers = #tpu.dot_dimension_numbers<[1], [0], [0], [1], [0, 0, 1, 1], [], []>, transpose_lhs_hint = false} : vector<2000x128xf32>, vector<128x128xf32>, vector<2000x128xf32> -> vector<2000x128xf32>
    %mul3A = vector.broadcast %rsqrt3A : vector<2000x1xf32> to vector<2000x128xf32>
    %mul3A_13 = arith.mulf %dot_general3A_12, %mul3A : vector<2000x128xf32>
    %swap3A = arith.constant 0 : index
    %swap3A_14 = arith.constant 0 : index
    %swap3A_15 = vector.load %arg4[%swap3A, %swap3A_14] : memref<2000x128xf32, #tpu.memory_space<vmem>>, vector<2000x128xf32>
    tpu.vector_store %arg4[%swap3A, %swap3A_14], %mul3A_13 {strides = array<i32>} : memref<2000x128xf32, #tpu.memory_space<vmem>>, vector<2000x128xf32>,
    return
  }
  func.func @transform_0(%arg0: i32) -> (i32, i32) {
    %c0_i32 = arith.constant 0 : i32
    %c0_i32_0 = arith.constant 0 : i32
    return %arg0, %c0_i32 : i32, i32
  }
  func.func @transform_1(%arg0: i32) -> (i32, i32) {
    %c0_i32 = arith.constant 0 : i32
    %c0_i32_0 = arith.constant 0 : i32
    %c0_i32_1 = arith.constant 0 : i32
    return %c0_i32, %c0_i32_0 : i32, i32
  }
  func.func @transform_2(%arg0: i32) -> (i32, i32) {
    %c0_i32 = arith.constant 0 : i32
    %c0_i32_0 = arith.constant 0 : i32
    return %arg0, %c0_i32 : i32, i32
  }
  func.func @transform_3(%arg0: i32) -> (i32, i32) {
    %c0_i32 = arith.constant 0 : i32
    %c0_i32_0 = arith.constant 0 : i32
    return %arg0, %c0_i32 : i32, i32
  }
}

module attributes {stable_mosaic.version = 14 : i64} {
  func.func @_fin_body(%arg0: i32, %arg1: memref<2x2000x128xf32, #tpu.memory_space<vmem>>, %arg2: memref<2000x128xf32, #tpu.memory_space<vmem>>, %arg3: memref<2000x2xf32, #tpu.memory_space<vmem>>, %arg4: memref<1x128xf32, #tpu.memory_space<vmem>>, %arg5: memref<2000x128xf32, #tpu.memory_space<vmem>>) attributes {dimension_semantics = [#tpu.dimension_semantics<arbitrary>], iteration_bounds = array<i64: 5>, scalar_prefetch = 0 : i64, scratch_operands = 0 : i64, tpu.core_type = #tpu.core_type<tc>, window_params = [{transform_indices = @transform_0, window_bounds = array<i64: 2, 2000, 128>}, {transform_indices = @transform_1, window_bounds = array<i64: 2000, 128>}, {transform_indices = @transform_2, window_bounds = array<i64: 2000, 2>}, {pipeline_mode = #tpu.pipeline_mode<synchronous>, transform_indices = @transform_3, window_bounds = array<i64: 1, 128>}, {transform_indices = @transform_4, window_bounds = array<i64: 2000, 128>}]} {
    %get3A = arith.constant 0 : index
    %get3A_0 = arith.constant 0 : index
    %get3A_1 = vector.load %arg3[%get3A, %get3A_0] : memref<2000x2xf32, #tpu.memory_space<vmem>>, vector<2000x2xf32>
    %slice3A = vector.extract_strided_slice %get3A_1 {offsets = [0, 0], sizes = [2000, 1], strides = [1, 1]} : vector<2000x2xf32> to vector<2000x1xf32>
    %slice3A_2 = vector.extract_strided_slice %get3A_1 {offsets = [0, 1], sizes = [2000, 1], strides = [1, 1]} : vector<2000x2xf32> to vector<2000x1xf32>
    %add3A = arith.addf %slice3A, %slice3A_2 : vector<2000x1xf32>
    %add3A_3 = arith.constant 1.000000e+00 : f32
    %add3A_4 = vector.broadcast %add3A_3 : f32 to vector<2000x1xf32>
    %add3A_5 = arith.addf %add3A, %add3A_4 : vector<2000x1xf32>
    %rsqrt3A = math.rsqrt %add3A_5 : vector<2000x1xf32>
    %get3A_6 = arith.constant 0 : index
    %get3A_7 = arith.constant 0 : index
    %get3A_8 = arith.constant 0 : index
    %get3A_9 = vector.load %arg1[%get3A_6, %get3A_7, %get3A_8] : memref<2x2000x128xf32, #tpu.memory_space<vmem>>, vector<1x2000x128xf32>
    %get3A_10 = vector.shape_cast %get3A_9 : vector<1x2000x128xf32> to vector<2000x128xf32>
    %get3A_11 = arith.constant 1 : index
    %get3A_12 = arith.constant 0 : index
    %get3A_13 = arith.constant 0 : index
    %get3A_14 = vector.load %arg1[%get3A_11, %get3A_12, %get3A_13] : memref<2x2000x128xf32, #tpu.memory_space<vmem>>, vector<1x2000x128xf32>
    %get3A_15 = vector.shape_cast %get3A_14 : vector<1x2000x128xf32> to vector<2000x128xf32>
    %add3A_16 = arith.addf %get3A_10, %get3A_15 : vector<2000x128xf32>
    %get3A_17 = arith.constant 0 : index
    %get3A_18 = arith.constant 0 : index
    %get3A_19 = vector.load %arg2[%get3A_17, %get3A_18] : memref<2000x128xf32, #tpu.memory_space<vmem>>, vector<2000x128xf32>
    %add3A_20 = arith.addf %add3A_16, %get3A_19 : vector<2000x128xf32>
    %mul3A = vector.broadcast %rsqrt3A : vector<2000x1xf32> to vector<2000x128xf32>
    %mul3A_21 = arith.mulf %add3A_20, %mul3A : vector<2000x128xf32>
    %get3A_22 = arith.constant 0 : index
    %get3A_23 = arith.constant 0 : index
    %get3A_24 = vector.load %arg4[%get3A_22, %get3A_23] : memref<1x128xf32, #tpu.memory_space<vmem>>, vector<1x128xf32>
    %add3A_25 = vector.broadcast %get3A_24 : vector<1x128xf32> to vector<2000x128xf32>
    %add3A_26 = arith.addf %mul3A_21, %add3A_25 : vector<2000x128xf32>
    %swap3A = arith.constant 0 : index
    %swap3A_27 = arith.constant 0 : index
    %swap3A_28 = vector.load %arg5[%swap3A, %swap3A_27] : memref<2000x128xf32, #tpu.memory_space<vmem>>, vector<2000x128xf32>
    tpu.vector_store %arg5[%swap3A, %swap3A_27], %add3A_26 {strides = array<i32>} : memref<2000x128xf32, #tpu.memory_space<vmem>>, vector<2000x128xf32>,
    return
  }
  func.func @transform_0(%arg0: i32) -> (i32, i32, i32) {
    %c0_i32 = arith.constant 0 : i32
    %c0_i32_0 = arith.constant 0 : i32
    %c0_i32_1 = arith.constant 0 : i32
    return %c0_i32, %arg0, %c0_i32_0 : i32, i32, i32
  }
  func.func @transform_1(%arg0: i32) -> (i32, i32) {
    %c0_i32 = arith.constant 0 : i32
    %c0_i32_0 = arith.constant 0 : i32
    return %arg0, %c0_i32 : i32, i32
  }
  func.func @transform_2(%arg0: i32) -> (i32, i32) {
    %c0_i32 = arith.constant 0 : i32
    %c0_i32_0 = arith.constant 0 : i32
    return %arg0, %c0_i32 : i32, i32
  }
  func.func @transform_3(%arg0: i32) -> (i32, i32) {
    %c0_i32 = arith.constant 0 : i32
    %c0_i32_0 = arith.constant 0 : i32
    %c0_i32_1 = arith.constant 0 : i32
    return %c0_i32, %c0_i32_0 : i32, i32
  }
  func.func @transform_4(%arg0: i32) -> (i32, i32) {
    %c0_i32 = arith.constant 0 : i32
    %c0_i32_0 = arith.constant 0 : i32
    return %arg0, %c0_i32 : i32, i32
  }
}

</mosaic_0001>

<sc_bundles>
// kernel: kernel.6.cloned.1.call-start
scs
__scs_entry_jumppad:
0x0: {  	(pc) =	sbr.rel $0x88, $3  }
0x1: {  	(tag) =	ssettag $0x0;
	lr =	simm.s32 $0x1  }
0x2: {  	[smem:$0x3F9D] =	sst lr;
	_ =	strace $0xD0000000  }
0x3: {  	_ = 	snop  }
0x4: {  	_ = 	snop  }
0x5: {  	_ = 	snop  }
0x6: {  	_ = 	snop  }
0x7: {  	_ = 	snop  }
__scs_overlays_trampoline_lowered:
0x8: {  	[smem:$0x3FAC] =	sst s0  }
0x9: {  	[smem:$0x3FAD] =	sst s1  }
0xa: {  	[smem:$0x3FAE] =	sst s2  }
0xb: {  	[smem:$0x3FAF] =	sst s3  }
0xc: {  	[smem:$0x3FB0] =	sst s4  }
0xd: {  	[smem:$0x3FB1] =	sst s5  }
0xe: {  	[smem:$0x3FB2] =	sst s6  }
0xf: {  	[smem:$0x3FB3] =	sst s7  }
0x10: {  	[smem:$0x3FB4] =	sst s8  }
0x11: {  	[smem:$0x3FB5] =	sst s9;
	s0 =	simm.s32 @!p0 $0x0  }
0x12: {  	s1 =	sld [smem:$0x3F9B];
	s0 =	simm.s32 @p0 $0x1  }
0x13: {  	[smem:$0x3FB6] =	sst s0;
	s0 =	simm.s32 @!p1 $0x0  }
0x14: {  	s2 =	sld [smem:$0x3F9A];
	s0 =	simm.s32 @p1 $0x1  }
0x15: {  	[smem:$0x3FB7] =	sst s0;
	s0 =	simm.s32 @!p2 $0x0  }
0x16: {  	s3 =	sld [smem:$0x3FDB];
	s0 =	simm.s32 @p2 $0x1  }
0x17: {  	s4 =	simm.s32 $0x1BF5;
	[smem:$0x3FB9] =	sst s0  }
0x18: {  	s0 =	sld [smem:$0x3F9C];
	_ =	swait.ge [sflag:s4], $0x0  }
0x19: {  	s7 =	sld [smem:$0x3F9D]  }
0x1a: {  	s8 =	sadd.s32 $0xFFFFE003, lr  }
0x1b: {  	s9 =	sadd.s32 $0xFFFFFEF7, lr;
	s5 =	simm.s32 $0xFFFFFFFF;
	p2 =	slt.u32 s8, $0xFFFFF086  }
0x1c: {  	p1 =	slt.u32 s9, $0xF7A;
	s5 =	simm.s32 @!p2 $0x0  }
0x1d: {  	s5 =	simm.s32 @p1 $0x1;
	p0 =	seq.s32 s7, s2  }
0x1e: {  	s7 =	smul.u32 @!p0 $0xF7A, s2;
	p2 =	seq.s32 @!p0 s5, $0x0  }
0x1f: {  	s9 =	smul.u32 $0xF7A, s1;
	s8 =	simm.s32 @!p0 $0x1BF5;
	p2 =	por !p2, p0  }
0x20: {  	[sflag:s8] =	ssyncset.s32 @!p0 $0xFFFFF086;
	s6 =	sadd.s32 @!p0 s3, s7;
	s7 =	simm.s32 @!p0 $0x108  }
0x21: {  	s3 =	sadd.s32 s3, s9;
	s6 =	sadd.s32 @!p0 $0x88, s6;
	s7 =	simm.s32 @p2 $0x1082  }
0x22: {  	[simem:s7], [sflag:s8] =	dma.local @!p0 [hbm:s6], $0xF7A  }
0x23: {  	s9 =	sor.u32 $0xD0000000, s2;
	s6 =	simm.s32 $0x108;
	_ =	swait.ge @!p0 [sflag:s8], $0x0  }
0x24: {  	s3 =	sadd.s32 $0x88, s3;
	s6 =	simm.s32 @!p1 $0x1082;
	[sflag:s4] =	ssyncset.s32 $0xFFFFF086  }
0x25: {  	[simem:s6], [sflag:s4] =	dma.local [hbm:s3], $0xF7A  }
0x26: {  	[smem:$0x3F9D] =	sst s1;
	(tag) =	ssettag s2;
	_ =	strace s9  }
0x27: {  	s1 =	sld [smem:$0x3FAD]  }
0x28: {  	s2 =	sld [smem:$0x3FAE]  }
0x29: {  	s4 =	sld [smem:$0x3FB0]  }
0x2a: {  	p0 =	seq.s32 s5, $0x0;
	s5 =	sld [smem:$0x3FB1]  }
0x2b: {  	s6 =	sld [smem:$0x3FB2]  }
0x2c: {  	s7 =	sld [smem:$0x3FB3]  }
0x2d: {  	s3 =	simm.s32 $0x108;
	s8 =	sld [smem:$0x3FB4]  }
0x2e: {  	s3 =	simm.s32 @!p0 $0x1082;
	s9 =	sld [smem:$0x3FB5]  }
0x2f: {  	lr =	sadd.s32 s0, s3;
	s0 =	sld [smem:$0x3FAC]  }
0x30: {  	s3 =	sld [smem:$0x3FAF]  }
0x31: {  	[smem:$0x3FB8] =	sst s10  }
0x32: {  	s10 =	sld [smem:$0x3FB6];
	_ =	sdelay $0x3  }
0x33: {  	p0 =	seq.s32 s10, $0x1;
	s10 =	sld [smem:$0x3FB8];
	_ =	sdelay $0x3  }
0x34: {  	[smem:$0x3FB8] =	sst s10  }
0x35: {  	s10 =	sld [smem:$0x3FB7];
	_ =	sdelay $0x3  }
0x36: {  	p1 =	seq.s32 s10, $0x1;
	s10 =	sld [smem:$0x3FB8];
	_ =	sdelay $0x3  }
0x37: {  	[smem:$0x3FB8] =	sst s10  }
0x38: {  	s10 =	sld [smem:$0x3FB9]  }
0x39: {  	_ = 	snop;
	(pc) =	sbr.ind lr, $3  }
0x3a: {  	_ = 	snop  }
0x3b: {  	_ = 	snop  }
0x3c: {  	p2 =	seq.s32 s10, $0x1;
	s10 =	sld [smem:$0x3FB8]  }
0x3d: {  	_ =	shalt  }
0x3e: {  	_ =	shalt  }
0x3f: {  	_ =	shalt  }
0x40: {  	_ =	shalt  }
0x41: {  	_ =	shalt  }
0x42: {  	_ =	shalt  }
0x43: {  	_ =	shalt  }
0x44: {  	_ =	shalt  }
0x45: {  	_ =	shalt  }
0x46: {  	_ =	shalt  }
0x47: {  	_ =	shalt  }
0x48: {  	_ =	shalt  }
0x49: {  	_ =	shalt  }
0x4a: {  	_ =	shalt  }
0x4b: {  	_ =	shalt  }
0x4c: {  	_ =	shalt  }
0x4d: {  	_ =	shalt  }
0x4e: {  	_ =	shalt  }
0x4f: {  	_ =	shalt  }
0x50: {  	_ =	shalt  }
0x51: {  	_ =	shalt  }
0x52: {  	_ =	shalt  }
0x53: {  	_ =	shalt  }
0x54: {  	_ =	shalt  }
0x55: {  	_ =	shalt  }
0x56: {  	_ =	shalt  }
0x57: {  	_ =	shalt  }
0x58: {  	_ =	shalt  }
0x59: {  	_ =	shalt  }
0x5a: {  	_ =	shalt  }
0x5b: {  	_ =	shalt  }
0x5c: {  	_ =	shalt  }
0x5d: {  	_ =	shalt  }
0x5e: {  	_ =	shalt  }
0x5f: {  	_ =	shalt  }
0x60: {  	_ =	shalt  }
0x61: {  	_ =	shalt  }
0x62: {  	_ =	shalt  }
0x63: {  	_ =	shalt  }
0x64: {  	_ =	shalt  }
0x65: {  	_ =	shalt  }
0x66: {  	_ =	shalt  }
0x67: {  	_ =	shalt  }
0x68: {  	_ =	shalt  }
0x69: {  	_ =	shalt  }
0x6a: {  	_ =	shalt  }
0x6b: {  	_ =	shalt  }
0x6c: {  	_ =	shalt  }
0x6d: {  	_ =	shalt  }
0x6e: {  	_ =	shalt  }
0x6f: {  	_ =	shalt  }
0x70: {  	_ =	shalt  }
0x71: {  	_ =	shalt  }
0x72: {  	_ =	shalt  }
0x73: {  	_ =	shalt  }
0x74: {  	_ =	shalt  }
0x75: {  	_ =	shalt  }
0x76: {  	_ =	shalt  }
0x77: {  	_ =	shalt  }
0x78: {  	_ =	shalt  }
0x79: {  	_ =	shalt  }
0x7a: {  	_ =	shalt  }
0x7b: {  	_ =	shalt  }
0x7c: {  	_ =	shalt  }
0x7d: {  	_ =	shalt  }
0x7e: {  	_ =	shalt  }
0x7f: {  	_ =	shalt  }
0x80: {  	_ =	shalt  }
0x81: {  	_ =	shalt  }
0x82: {  	_ =	shalt  }
0x83: {  	_ =	shalt  }
0x84: {  	_ =	shalt  }
0x85: {  	_ =	shalt  }
0x86: {  	_ =	shalt  }
0x87: {  	_ =	shalt  }
.Lfunc_end0:
.L_simem_size_0:
called_computation_lowered:
.L_overlay_start_0:
0x88: {  	s2 =	sld [smem:$0x3FD9]  }
0x89: {  	s3 =	sld [smem:$0x3FFE];
	_ =	sdelay $0x1  }
0x8a: {  	s1 =	srdreg.scid  }
0x8b: {  	s0 =	sand.u32 $0x1, s1  }
0x8c: {  	s17 =	sshll.u32 s0, $0xA;
	s2 =	sadd.s32 s3, s2  }
0x8d: {  	s2 =	sadd.s32 s2, s17  }
0x8e: {  	[smem:$0x3FC4] =	sst s2  }
0x8f: {  	_ = 	snop  }
0x90: {  	s2 =	sld [smem:$0x3FD0];
	(tm) =	ssettm $0x1  }
0x91: {  	s18 =	sld [smem:$0x3FFB];
	_ =	sdelay $0x3  }
0x92: {  	_ =	strace s18  }
0x93: {  	s3 =	sld [smem:$0x3FFC];
	_ =	sdelay $0x3  }
0x94: {  	_ =	strace s3  }
0x95: {  	s3 =	sld [smem:$0x3FFD];
	_ =	sdelay $0x3  }
0x96: {  	_ =	strace s3  }
0x97: {  	_ =	strace $0x8FFFFFFF  }
0x98: {  	s19 =	sld [smem:$0x3FDB];
	_ =	sdelay $0x1  }
0x99: {  	s4 =	simm.s32 $_scs_section_size  }
0x9a: {  	s5 =	simm.s32 $_size__tile_overlayer_lowered;
	s6 =	simm.s32 $_tile_overlayer_lowered  }
0x9b: {  	s22 =	simm.s32 $0x1BFF;
	s21 =	sshll.u32 s6, $0x1;
	s3 =	sadd.s32 s4, s19  }
0x9c: {  	s7 =	simm.s32 $0x0;
	s20 =	sshll.u32 s5, $0x1;
	s5 =	sadd.s32 s21, s3  }
0x9d: {  	[timem:s7], [sflag:s22] =	dma.local [hbm:s5], s20  }
0x9e: {  	_ =	swait.ge [sflag:s22], s20  }
0x9f: {  	s4 =	ssub.s32 $0x0, s20;
	[sflag:s22] =	ssyncset.done $0x0  }
0xa0: {  	[sflag:s22] =	ssyncadd.s32 s4;
	_ =	sdelay $0x1  }
0xa1: {  	s23 =	simm.s32 $0x1B8B  }
0xa2: {  	_ =	swait.ge [sflag:s23], $0x1  }
0xa3: {  	[sflag:s23] =	ssyncset.done $0x0  }
0xa4: {  	s25 =	simm.s32 $0x1B8E;
	s24 =	sld [smem:$0x3FFE];
	[sflag:s23] =	ssyncadd.s32 $0xFFFFFFFF  }
0xa5: {  	s26 =	simm.s32 $execute0_lowered;
	[smem:$0x3FD2] =	sst s25  }
0xa6: {  	s5 =	sshll.u32 s26, $0x1;
	_ =	strace $0x80000046;
	[dreg:$0x1] =	wrdreg $0xFFFFFFFF  }
0xa7: {  	s28 =	simm.s32 $_size_execute0_lowered;
	s3 =	sadd.s32 s3, s5;
	[dreg:$0x0] =	wrdreg $0x0  }
0xa8: {  	s5 =	sshll.u32 s28, $0x1;
	[dreg:$0x2] =	wrdreg s3  }
0xa9: {  	[dreg:$0x3] =	wrdreg s5  }
0xaa: {  	[dreg:$0x4] =	wrdreg $0xC0  }
0xab: {  	_ =	task [dreg:s7], $0x5FFFF  }
0xac: {  	[dreg:$0x1] =	wrdreg $0xFFFFFFFF  }
0xad: {  	[dreg:$0x0] =	wrdreg $0x60  }
0xae: {  	[dreg:$0x2] =	wrdreg s2  }
0xaf: {  	[dreg:$0x3] =	wrdreg s24  }
0xb0: {  	[dreg:$0x4] =	wrdreg $0x2B000  }
0xb1: {  	[dreg:$0x5] =	wrdreg $0x9  }
0xb2: {  	_ =	task.clear_ibuf [dreg:s7], $0x6FFFF;
	_ =	strace $0x90000046  }
0xb3: {  	s29 =	simm.s32 $0x9;
	_ =	strace $0x80000048  }
0xb4: {  	_ =	swait.ge [sflag:s29], $0x1  }
0xb5: {  	[sflag:s29] =	ssyncadd.s32 $0xFFFFFFFF  }
0xb6: {  	_ =	strace $0x90000048  }
0xb7: {  	_ =	sfence  }
0xb8: {  	s30 =	sld [smem:$0x0];
	_ =	sdelay $0x2  }
0xb9: {  	s31 =	sshll.u32 s1, $0xD;
	s1 =	sshrl.u32 s1, $0x2  }
0xba: {  	s3 =	sand.u32 $0x4000, s31;
	s1 =	sadd.s32 s1, s30  }
0xbb: {  	s0 =	sor.u32 s3, s0;
	s1 =	sshll.u32 s1, $0x11  }
0xbc: {  	s0 =	sor.u32 s1, s0  }
0xbd: {  	s0 =	sadd.s32 $0x8F2B, s0  }
0xbe: {  	[sflag:s0] =	ssyncadd.remote.s32 $0x1  }
0xbf: {  	_ =	sfence.sel $0xFFFF  }
0xc0: {  	[dreg:$0x0] =	wrdreg $0xFFFFFFFF;
	(pc) =	sbr.abs _section_cstart, $3  }
0xc1: {  	[dreg:$0x1] =	wrdreg $0xFFFFFFFF  }
0xc2: {  	_ =	task.clear_ibuf [dreg:s7], $0x2FFFF;
	_ =	strace $0x9FFFFFFF  }
0xc3: {  	(tm) =	ssettm $0x7FFFFFFF  }
tec
execute0_lowered:
.L_overlay_start_1:
0x0: {  	(tag) =	ssettag $0x1  }
0x1: {  	s4 =	rddreg [dreg:$0x0]  }
0x2: {  	s5 =	rddreg [dreg:$0x1]  }
0x3: {  	s2 =	rddreg [dreg:$0x2]  }
0x4: {  	s0 =	rddreg [dreg:$0x3]  }
0x5: {  	s3 =	simm.s32 $0x0;
	s6 =	srdreg.scid;
	s1 =	stileid.u32  }
0x6: {  	s11 =	simm.s32 $0x2800;
	s14 =	simm.s32 $0x20;
	s15 =	simm.s32 $0x10  }
0x7: {  	s16 =	simm.s32 $0x0;
	[smem:$0x7FF] =	sst s3;
	s7 =	smul.u32 $0x500, s1  }
0x8: {  	s6 =	sand.u32 $0x1, s6;
	s9 =	sshll.u32 s1, $0x1;
	s30 =	smul.u32 $0xA00, s1  }
0x9: {  	s12 =	sshll.u32 s1, $0x6;
	_ =	strace $0x80000047;
	s8 =	sshll.u32 s6, $0x7  }
0xa: {  	s29 =	sor.u32 s6, s9;
	s6 =	ssub.s32 $0x2, s6;
	s12 =	sor.u32 $0x1C01, s12  }
0xb: {  	s7 =	sor.u32 s8, s7;
	s8 =	smul.u32 $0x500, s29;
	s31 =	sshrl.u32 s6, $0x1  }
0xc: {  	s9 =	sshrl.u32 s30, $0x2;
	s7 =	sshrl.u32 s7, $0x3;
	s10 =	ssub.s32 s6, s31  }
0xd: {  	s7 =	sadd.s32 s7, s5;
	s4 =	sadd.s32 s4, s8;
	s5 =	sadd.s32 s9, s2  }
0xe: {  	s8 =	simm.s32 $0x1;
	s9 =	simm.s32 $0x2880;
	s6 =	sadd.s32 $0x1200, s7  }
0xf: {  	v0 =	vimm.f32 $1.000000000e+00;
	v1 =	vimm.f32 $0.0e+00;
	s7 =	smax.u32 s10, $0x1;
	s10 =	simm.s32 $0x80;
	s13 =	sshrl.u32 s5, $0x3  }
.LBB2_1:
0x10: {  	[tilespmem:s3], [sflag:$0x1] =	stream.linear.gather [hbm4b:s4+s3], $0x2800, $0x38;
	[tilespmem:$0x2D80] =	vst v63  }
0x11: {  	_ =	swait.ge [sflag:s8], $0x2800  }
0x12: {  	[sflag:s8] =	ssyncset.done $0x0  }
0x13: {  	[sflag:s8] =	ssyncadd.s32 $0xFFFFD800  }
0x14: {  	[tilespmem:$0x2800] =	vst v0  }
0x15: {  	[tilespmem:$0x2810] =	vst v0  }
0x16: {  	[tilespmem:$0x2820] =	vst v0  }
0x17: {  	[tilespmem:$0x2830] =	vst v0  }
0x18: {  	[tilespmem:$0x2840] =	vst v0  }
0x19: {  	[tilespmem:$0x2850] =	vst v0  }
0x1a: {  	[tilespmem:$0x2860] =	vst v0  }
0x1b: {  	[tilespmem:$0x2870] =	vst v0  }
0x1c: {  	[tilespmem:$0x2880] =	vst v1  }
0x1d: {  	[tilespmem:$0x2890] =	vst v1  }
0x1e: {  	[tilespmem:$0x28A0] =	vst v1  }
0x1f: {  	[tilespmem:$0x28B0] =	vst v1  }
0x20: {  	[tilespmem:$0x28C0] =	vst v1  }
0x21: {  	[tilespmem:$0x28D0] =	vst v1  }
0x22: {  	[tilespmem:$0x28E0] =	vst v1  }
0x23: {  	[tilespmem:$0x28F0] =	vst v1  }
0x24: {  	[tilespmem:$0x2900] =	vst v1  }
0x25: {  	[tilespmem:$0x2910] =	vst v1  }
0x26: {  	[tilespmem:$0x2920] =	vst v1  }
0x27: {  	[tilespmem:$0x2930] =	vst v1  }
0x28: {  	[tilespmem:$0x2940] =	vst v1  }
0x29: {  	[tilespmem:$0x2950] =	vst v1  }
0x2a: {  	[tilespmem:$0x2960] =	vst v1  }
0x2b: {  	[tilespmem:$0x2970] =	vst v1  }
0x2c: {  	[tilespmem:$0x2980] =	vst v1  }
0x2d: {  	[tilespmem:$0x2990] =	vst v1  }
0x2e: {  	[tilespmem:$0x29A0] =	vst v1  }
0x2f: {  	[tilespmem:$0x29B0] =	vst v1  }
0x30: {  	[tilespmem:$0x29C0] =	vst v1  }
0x31: {  	[tilespmem:$0x29D0] =	vst v1  }
0x32: {  	[tilespmem:$0x29E0] =	vst v1  }
0x33: {  	[tilespmem:$0x29F0] =	vst v1  }
0x34: {  	[tilespmem:$0x2A00] =	vst v1  }
0x35: {  	[tilespmem:$0x2A10] =	vst v1  }
0x36: {  	[tilespmem:$0x2A20] =	vst v1  }
0x37: {  	[tilespmem:$0x2A30] =	vst v1  }
0x38: {  	[tilespmem:$0x2A40] =	vst v1  }
0x39: {  	[tilespmem:$0x2A50] =	vst v1  }
0x3a: {  	[tilespmem:$0x2A60] =	vst v1  }
0x3b: {  	[tilespmem:$0x2A70] =	vst v1  }
0x3c: {  	[tilespmem:$0x2A80] =	vst v1  }
0x3d: {  	[tilespmem:$0x2A90] =	vst v1  }
0x3e: {  	[tilespmem:$0x2AA0] =	vst v1  }
0x3f: {  	[tilespmem:$0x2AB0] =	vst v1  }
0x40: {  	[tilespmem:$0x2AC0] =	vst v1  }
0x41: {  	[tilespmem:$0x2AD0] =	vst v1  }
0x42: {  	[tilespmem:$0x2AE0] =	vst v1  }
0x43: {  	[tilespmem:$0x2AF0] =	vst v1  }
0x44: {  	[spmem:s5] =	stream.linear.scatter [tilespmem:s9], [sflag:$0x1], $0x280, $0x38;
	[tilespmem:$0x2D80] =	vst v63  }
0x45: {  	_ =	swait.ge [sflag:s8], $0x280  }
0x46: {  	[sflag:s8] =	ssyncset.done $0x0  }
0x47: {  	[sflag:s8] =	ssyncadd.s32 $0xFFFFFD80  }
0x48: {  	s17 =	simm.s32 $0x0;
	[bflag:$0x0] =	sbarrier.arrive $0xFFFF  }
0x49: {  	[spmem:s2] =	stream.indirect.scatter.add.f32 [tilespmem:s11], [sflag:$0x1], $0x1, s17, s10, $0xb8;
	[tilespmem:$0x2D80] =	vst v63  }
0x4a: {  	_ =	swait.ge [sflag:s8], $0x80  }
0x4b: {  	s17 =	simm.s32 $0x200;
	[sflag:s8] =	ssyncset.done $0x0  }
.LBB2_2:
0x4c: {  	s18 =	sshra.s32 s17, $0x2;
	[sflag:s8] =	ssyncadd.s32 $0xFFFFFF80;
	p0 =	sne.s32 s17, $0x9E00  }
0x4d: {  	[spmem:s2] =	stream.indirect.scatter.add.f32 [tilespmem:s11], [sflag:$0x1], $0x1, s18, s10, $0xb8;
	[tilespmem:$0x2D80] =	vst v63  }
.Ltmp0:
0x4e: {  	_ = 	snop;
	(pc) =	sbr.rel @p0 .LBB2_2-.Ltmp0, $4  }
0x4f: {  	_ = 	snop  }
0x50: {  	s17 =	sadd.s32 $0x200, s17  }
0x51: {  	_ =	swait.ge [sflag:s8], $0x80  }
0x52: {  	[sflag:s8] =	ssyncset.done $0x0  }
0x53: {  	s16 =	sadd.s32 $0x1, s16  }
0x54: {  	[sflag:s8] =	ssyncadd.s32 $0xFFFFFF80;
	p0 =	sne.s32 s16, s7  }
.Ltmp1:
0x55: {  	[bflag:$0x0] =	sbarrier.arrive $0xFFFF;
	(pc) =	sbr.rel @p0 .LBB2_1-.Ltmp1, $4  }
0x56: {  	[hbm:s6@s14], [sflag:s12] =	dma.strided [spmem:s13@s15], $0x50, s8, $0x10   }
0x57: {  	_ =	swait.ge [sflag:s8], $0x50  }
0x58: {  	[sflag:s8] =	ssyncset.done $0x0  }
0x59: {  	[sflag:s8] =	ssyncadd.s32 $0xFFFFFFB0  }
0x5a: {  	_ =	sfence.sel $0x180000  }
0x5b: {  	[bflag:$0x0] =	sbarrier.arrive $0xFFFF  }
0x5c: {  	p0 =	sne.s32 s1, $0x0;
	_ =	strace $0x90000047  }
0x5d: {  	s0 =	sadd.s32 @!p0 $0x100000, s0;
	[bflag:$0x2] =	sbarrier.arrive $0xFFFF  }
0x5e: {  	[sflag:s0] =	ssyncadd.tile.s32 @!p0 $0x1;
	_ =	shalt  }
.Lfunc_end2:
_tile_overlayer_lowered:
.L_overlay_start_2:
0x5f: {  	(tag) =	ssettag $0x2  }
0x60: {  	s0 =	rddreg [dreg:$0x0];
	s2 =	stileid.u32  }
0x61: {  	s1 =	rddreg [dreg:$0x1];
	p0 =	sne.s32 s2, $0x0  }
0x62: {  	s3 =	rddreg [dreg:$0x2];
	[bflag:$0x3] =	sbarrier.arrive $0xFFFF;
	s2 =	simm.s32 @!p0 $0x1C01  }
0x63: {  	[timem:s3], [sflag:s2] =	dma.local @!p0 [hbm:s0], s1  }
0x64: {  	s0 =	simm.s32 @!p0 $0x1  }
0x65: {  	_ =	swait.ge @!p0 [sflag:s0], s1  }
0x66: {  	s1 =	ssub.s32 @!p0 $0x0, s1;
	[sflag:s0] =	ssyncset.done @!p0 $0x0  }
0x67: {  	[sflag:s0] =	ssyncadd.s32 @!p0 s1  }
0x68: {  	[bflag:$0x3] =	sbarrier.arrive $0xFFFF  }
0x69: {  	_ =	shalt  }

// kernel: kernel.9.cloned.1.call-start
scs
__scs_entry_jumppad:
0x0: {  	(pc) =	sbr.rel $0x88, $3  }
0x1: {  	(tag) =	ssettag $0x0;
	lr =	simm.s32 $0x1  }
0x2: {  	[smem:$0x3F9D] =	sst lr;
	_ =	strace $0xD0000000  }
0x3: {  	_ = 	snop  }
0x4: {  	_ = 	snop  }
0x5: {  	_ = 	snop  }
0x6: {  	_ = 	snop  }
0x7: {  	_ = 	snop  }
__scs_overlays_trampoline_lowered:
0x8: {  	[smem:$0x3FAC] =	sst s0  }
0x9: {  	[smem:$0x3FAD] =	sst s1  }
0xa: {  	[smem:$0x3FAE] =	sst s2  }
0xb: {  	[smem:$0x3FAF] =	sst s3  }
0xc: {  	[smem:$0x3FB0] =	sst s4  }
0xd: {  	[smem:$0x3FB1] =	sst s5  }
0xe: {  	[smem:$0x3FB2] =	sst s6  }
0xf: {  	[smem:$0x3FB3] =	sst s7  }
0x10: {  	[smem:$0x3FB4] =	sst s8  }
0x11: {  	[smem:$0x3FB5] =	sst s9;
	s0 =	simm.s32 @!p0 $0x0  }
0x12: {  	s1 =	sld [smem:$0x3F9B];
	s0 =	simm.s32 @p0 $0x1  }
0x13: {  	[smem:$0x3FB6] =	sst s0;
	s0 =	simm.s32 @!p1 $0x0  }
0x14: {  	s2 =	sld [smem:$0x3F9A];
	s0 =	simm.s32 @p1 $0x1  }
0x15: {  	[smem:$0x3FB7] =	sst s0;
	s0 =	simm.s32 @!p2 $0x0  }
0x16: {  	s3 =	sld [smem:$0x3FDB];
	s0 =	simm.s32 @p2 $0x1  }
0x17: {  	s4 =	simm.s32 $0x1BF5;
	[smem:$0x3FB9] =	sst s0  }
0x18: {  	s0 =	sld [smem:$0x3F9C];
	_ =	swait.ge [sflag:s4], $0x0  }
0x19: {  	s7 =	sld [smem:$0x3F9D]  }
0x1a: {  	s8 =	sadd.s32 $0xFFFFE003, lr  }
0x1b: {  	s9 =	sadd.s32 $0xFFFFFEF7, lr;
	s5 =	simm.s32 $0xFFFFFFFF;
	p2 =	slt.u32 s8, $0xFFFFF086  }
0x1c: {  	p1 =	slt.u32 s9, $0xF7A;
	s5 =	simm.s32 @!p2 $0x0  }
0x1d: {  	s5 =	simm.s32 @p1 $0x1;
	p0 =	seq.s32 s7, s2  }
0x1e: {  	s7 =	smul.u32 @!p0 $0xF7A, s2;
	p2 =	seq.s32 @!p0 s5, $0x0  }
0x1f: {  	s9 =	smul.u32 $0xF7A, s1;
	s8 =	simm.s32 @!p0 $0x1BF5;
	p2 =	por !p2, p0  }
0x20: {  	[sflag:s8] =	ssyncset.s32 @!p0 $0xFFFFF086;
	s6 =	sadd.s32 @!p0 s3, s7;
	s7 =	simm.s32 @!p0 $0x108  }
0x21: {  	s3 =	sadd.s32 s3, s9;
	s6 =	sadd.s32 @!p0 $0x88, s6;
	s7 =	simm.s32 @p2 $0x1082  }
0x22: {  	[simem:s7], [sflag:s8] =	dma.local @!p0 [hbm:s6], $0xF7A  }
0x23: {  	s9 =	sor.u32 $0xD0000000, s2;
	s6 =	simm.s32 $0x108;
	_ =	swait.ge @!p0 [sflag:s8], $0x0  }
0x24: {  	s3 =	sadd.s32 $0x88, s3;
	s6 =	simm.s32 @!p1 $0x1082;
	[sflag:s4] =	ssyncset.s32 $0xFFFFF086  }
0x25: {  	[simem:s6], [sflag:s4] =	dma.local [hbm:s3], $0xF7A  }
0x26: {  	[smem:$0x3F9D] =	sst s1;
	(tag) =	ssettag s2;
	_ =	strace s9  }
0x27: {  	s1 =	sld [smem:$0x3FAD]  }
0x28: {  	s2 =	sld [smem:$0x3FAE]  }
0x29: {  	s4 =	sld [smem:$0x3FB0]  }
0x2a: {  	p0 =	seq.s32 s5, $0x0;
	s5 =	sld [smem:$0x3FB1]  }
0x2b: {  	s6 =	sld [smem:$0x3FB2]  }
0x2c: {  	s7 =	sld [smem:$0x3FB3]  }
0x2d: {  	s3 =	simm.s32 $0x108;
	s8 =	sld [smem:$0x3FB4]  }
0x2e: {  	s3 =	simm.s32 @!p0 $0x1082;
	s9 =	sld [smem:$0x3FB5]  }
0x2f: {  	lr =	sadd.s32 s0, s3;
	s0 =	sld [smem:$0x3FAC]  }
0x30: {  	s3 =	sld [smem:$0x3FAF]  }
0x31: {  	[smem:$0x3FB8] =	sst s10  }
0x32: {  	s10 =	sld [smem:$0x3FB6];
	_ =	sdelay $0x3  }
0x33: {  	p0 =	seq.s32 s10, $0x1;
	s10 =	sld [smem:$0x3FB8];
	_ =	sdelay $0x3  }
0x34: {  	[smem:$0x3FB8] =	sst s10  }
0x35: {  	s10 =	sld [smem:$0x3FB7];
	_ =	sdelay $0x3  }
0x36: {  	p1 =	seq.s32 s10, $0x1;
	s10 =	sld [smem:$0x3FB8];
	_ =	sdelay $0x3  }
0x37: {  	[smem:$0x3FB8] =	sst s10  }
0x38: {  	s10 =	sld [smem:$0x3FB9]  }
0x39: {  	_ = 	snop;
	(pc) =	sbr.ind lr, $3  }
0x3a: {  	_ = 	snop  }
0x3b: {  	_ = 	snop  }
0x3c: {  	p2 =	seq.s32 s10, $0x1;
	s10 =	sld [smem:$0x3FB8]  }
0x3d: {  	_ =	shalt  }
0x3e: {  	_ =	shalt  }
0x3f: {  	_ =	shalt  }
0x40: {  	_ =	shalt  }
0x41: {  	_ =	shalt  }
0x42: {  	_ =	shalt  }
0x43: {  	_ =	shalt  }
0x44: {  	_ =	shalt  }
0x45: {  	_ =	shalt  }
0x46: {  	_ =	shalt  }
0x47: {  	_ =	shalt  }
0x48: {  	_ =	shalt  }
0x49: {  	_ =	shalt  }
0x4a: {  	_ =	shalt  }
0x4b: {  	_ =	shalt  }
0x4c: {  	_ =	shalt  }
0x4d: {  	_ =	shalt  }
0x4e: {  	_ =	shalt  }
0x4f: {  	_ =	shalt  }
0x50: {  	_ =	shalt  }
0x51: {  	_ =	shalt  }
0x52: {  	_ =	shalt  }
0x53: {  	_ =	shalt  }
0x54: {  	_ =	shalt  }
0x55: {  	_ =	shalt  }
0x56: {  	_ =	shalt  }
0x57: {  	_ =	shalt  }
0x58: {  	_ =	shalt  }
0x59: {  	_ =	shalt  }
0x5a: {  	_ =	shalt  }
0x5b: {  	_ =	shalt  }
0x5c: {  	_ =	shalt  }
0x5d: {  	_ =	shalt  }
0x5e: {  	_ =	shalt  }
0x5f: {  	_ =	shalt  }
0x60: {  	_ =	shalt  }
0x61: {  	_ =	shalt  }
0x62: {  	_ =	shalt  }
0x63: {  	_ =	shalt  }
0x64: {  	_ =	shalt  }
0x65: {  	_ =	shalt  }
0x66: {  	_ =	shalt  }
0x67: {  	_ =	shalt  }
0x68: {  	_ =	shalt  }
0x69: {  	_ =	shalt  }
0x6a: {  	_ =	shalt  }
0x6b: {  	_ =	shalt  }
0x6c: {  	_ =	shalt  }
0x6d: {  	_ =	shalt  }
0x6e: {  	_ =	shalt  }
0x6f: {  	_ =	shalt  }
0x70: {  	_ =	shalt  }
0x71: {  	_ =	shalt  }
0x72: {  	_ =	shalt  }
0x73: {  	_ =	shalt  }
0x74: {  	_ =	shalt  }
0x75: {  	_ =	shalt  }
0x76: {  	_ =	shalt  }
0x77: {  	_ =	shalt  }
0x78: {  	_ =	shalt  }
0x79: {  	_ =	shalt  }
0x7a: {  	_ =	shalt  }
0x7b: {  	_ =	shalt  }
0x7c: {  	_ =	shalt  }
0x7d: {  	_ =	shalt  }
0x7e: {  	_ =	shalt  }
0x7f: {  	_ =	shalt  }
0x80: {  	_ =	shalt  }
0x81: {  	_ =	shalt  }
0x82: {  	_ =	shalt  }
0x83: {  	_ =	shalt  }
0x84: {  	_ =	shalt  }
0x85: {  	_ =	shalt  }
0x86: {  	_ =	shalt  }
0x87: {  	_ =	shalt  }
.Lfunc_end0:
.L_simem_size_0:
called_computation.1_lowered:
.L_overlay_start_0:
0x88: {  	s2 =	sld [smem:$0x3FD9]  }
0x89: {  	s3 =	sld [smem:$0x3FFE];
	_ =	sdelay $0x1  }
0x8a: {  	s1 =	srdreg.scid  }
0x8b: {  	s0 =	sand.u32 $0x1, s1  }
0x8c: {  	s17 =	sshll.u32 s0, $0xA;
	s2 =	sadd.s32 s3, s2  }
0x8d: {  	s2 =	sadd.s32 s2, s17  }
0x8e: {  	[smem:$0x3FC4] =	sst s2  }
0x8f: {  	_ = 	snop  }
0x90: {  	s2 =	sld [smem:$0x3FD0];
	(tm) =	ssettm $0x1  }
0x91: {  	s18 =	sld [smem:$0x3FFB];
	_ =	sdelay $0x3  }
0x92: {  	_ =	strace s18  }
0x93: {  	s3 =	sld [smem:$0x3FFC];
	_ =	sdelay $0x3  }
0x94: {  	_ =	strace s3  }
0x95: {  	s3 =	sld [smem:$0x3FFD];
	_ =	sdelay $0x3  }
0x96: {  	_ =	strace s3  }
0x97: {  	_ =	strace $0x8FFFFFFF  }
0x98: {  	s19 =	sld [smem:$0x3FDB];
	_ =	sdelay $0x1  }
0x99: {  	s4 =	simm.s32 $_scs_section_size  }
0x9a: {  	s5 =	simm.s32 $_size__tile_overlayer_lowered;
	s6 =	simm.s32 $_tile_overlayer_lowered  }
0x9b: {  	s22 =	simm.s32 $0x1BFF;
	s21 =	sshll.u32 s6, $0x1;
	s3 =	sadd.s32 s4, s19  }
0x9c: {  	s7 =	simm.s32 $0x0;
	s20 =	sshll.u32 s5, $0x1;
	s5 =	sadd.s32 s21, s3  }
0x9d: {  	[timem:s7], [sflag:s22] =	dma.local [hbm:s5], s20  }
0x9e: {  	_ =	swait.ge [sflag:s22], s20  }
0x9f: {  	s4 =	ssub.s32 $0x0, s20;
	[sflag:s22] =	ssyncset.done $0x0  }
0xa0: {  	[sflag:s22] =	ssyncadd.s32 s4;
	_ =	sdelay $0x1  }
0xa1: {  	s23 =	simm.s32 $0x1B8B  }
0xa2: {  	_ =	swait.ge [sflag:s23], $0x1  }
0xa3: {  	[sflag:s23] =	ssyncset.done $0x0  }
0xa4: {  	s25 =	simm.s32 $0x1B8E;
	s24 =	sld [smem:$0x3FFE];
	[sflag:s23] =	ssyncadd.s32 $0xFFFFFFFF  }
0xa5: {  	s26 =	simm.s32 $execute0_lowered;
	[smem:$0x3FD2] =	sst s25  }
0xa6: {  	s5 =	sshll.u32 s26, $0x1;
	_ =	strace $0x80000049;
	[dreg:$0x1] =	wrdreg $0xFFFFFFFF  }
0xa7: {  	s28 =	simm.s32 $_size_execute0_lowered;
	s3 =	sadd.s32 s3, s5;
	[dreg:$0x0] =	wrdreg $0x0  }
0xa8: {  	s5 =	sshll.u32 s28, $0x1;
	[dreg:$0x2] =	wrdreg s3  }
0xa9: {  	[dreg:$0x3] =	wrdreg s5  }
0xaa: {  	[dreg:$0x4] =	wrdreg $0xC0  }
0xab: {  	_ =	task [dreg:s7], $0x5FFFF  }
0xac: {  	[dreg:$0x1] =	wrdreg $0xFFFFFFFF  }
0xad: {  	[dreg:$0x0] =	wrdreg $0x60  }
0xae: {  	[dreg:$0x2] =	wrdreg s24  }
0xaf: {  	[dreg:$0x3] =	wrdreg s2  }
0xb0: {  	[dreg:$0x4] =	wrdreg $0x84000  }
0xb1: {  	[dreg:$0x5] =	wrdreg $0x9  }
0xb2: {  	_ =	task.clear_ibuf [dreg:s7], $0x6FFFF;
	_ =	strace $0x90000049  }
0xb3: {  	s29 =	simm.s32 $0x9;
	_ =	strace $0x8000004B  }
0xb4: {  	_ =	swait.ge [sflag:s29], $0x1  }
0xb5: {  	[sflag:s29] =	ssyncadd.s32 $0xFFFFFFFF  }
0xb6: {  	_ =	strace $0x9000004B  }
0xb7: {  	_ =	sfence  }
0xb8: {  	s30 =	sld [smem:$0x0];
	_ =	sdelay $0x2  }
0xb9: {  	s31 =	sshll.u32 s1, $0xD;
	s1 =	sshrl.u32 s1, $0x2  }
0xba: {  	s3 =	sand.u32 $0x4000, s31;
	s1 =	sadd.s32 s1, s30  }
0xbb: {  	s0 =	sor.u32 s3, s0;
	s1 =	sshll.u32 s1, $0x11  }
0xbc: {  	s0 =	sor.u32 s1, s0  }
0xbd: {  	s0 =	sadd.s32 $0x8F2B, s0  }
0xbe: {  	[sflag:s0] =	ssyncadd.remote.s32 $0x1  }
0xbf: {  	_ =	sfence.sel $0xFFFF  }
0xc0: {  	[dreg:$0x0] =	wrdreg $0xFFFFFFFF;
	(pc) =	sbr.abs _section_cstart, $3  }
0xc1: {  	[dreg:$0x1] =	wrdreg $0xFFFFFFFF  }
0xc2: {  	_ =	task.clear_ibuf [dreg:s7], $0x2FFFF;
	_ =	strace $0x9FFFFFFF  }
0xc3: {  	(tm) =	ssettm $0x7FFFFFFF  }
tec
execute0_lowered:
.L_overlay_start_1:
0x0: {  	(tag) =	ssettag $0x1  }
0x1: {  	s0 =	rddreg [dreg:$0x0]  }
0x2: {  	s1 =	rddreg [dreg:$0x1]  }
0x3: {  	s2 =	rddreg [dreg:$0x2];
	s3 =	srdreg.scid  }
0x4: {  	s4 =	simm.s32 $0x0;
	s10 =	stileid.u32;
	s28 =	simm.s32 $0x2  }
0x5: {  	s29 =	simm.s32 $0x4400;
	s30 =	simm.s32 $0x5;
	s31 =	simm.s32 $0x7  }
0x6: {  	s12 =	simm.s32 $0x4;
	s13 =	simm.s32 $0x0;
	s8 =	smul.u32 $0x14000, s10  }
0x7: {  	s3 =	sand.u32 $0x1, s3;
	[smem:$0x7FF] =	sst s4;
	s17 =	smul.u32 $0x50000, s10  }
0x8: {  	s5 =	sadd.s32 $0xBC00, s0;
	s6 =	sadd.s32 $0x1C00, s0;
	s7 =	smul.u32 $0x140000, s3  }
0x9: {  	s10 =	smul.u32 $0x50, s10;
	_ =	strace $0x8000004A;
	s9 =	ssub.s32 $0x2, s3  }
0xa: {  	p0 =	seq.s32 s3, $0x0;
	s7 =	sadd.s32 s8, s7;
	s8 =	sshrl.u32 s17, $0x2  }
0xb: {  	s18 =	sshrl.u32 s9, $0x1;
	s3 =	sadd.s32 $0x500, s10;
	s16 =	sadd.s32 s8, s2  }
0xc: {  	s3 =	smov.u32 @p0 s10;
	s8 =	sadd.s32 $0x4000, s16;
	[dreg:$0x4] =	wrdreg s16  }
0xd: {  	s10 =	simm.s32 $0x8;
	s19 =	sadd.s32 $0x8000, s16;
	[dreg:$0x5] =	wrdreg s8  }
0xe: {  	s7 =	sshrl.u32 s7, $0x3;
	s20 =	sadd.s32 $0xC000, s16;
	[dreg:$0x6] =	wrdreg s19  }
0xf: {  	s11 =	sshll.u32 s3, $0x4;
	s21 =	sadd.s32 $0x10000, s16;
	[dreg:$0x7] =	wrdreg s20  }
0x10: {  	s0 =	sadd.s32 s7, s0;
	s22 =	sadd.s32 s5, s11;
	[dreg:$0x8] =	wrdreg s21  }
0x11: {  	s7 =	ssub.s32 s9, s18;
	s24 =	sadd.s32 s6, s11;
	[dreg:$0x9] =	wrdreg s22  }
0x12: {  	s23 =	sor.u32 $0x10, s11;
	s9 =	simm.s32 $0x6;
	[dreg:$0xa] =	wrdreg s24  }
0x13: {  	s25 =	sadd.s32 s5, s23;
	s3 =	sadd.s32 s6, s23;
	s0 =	sadd.s32 $0x15C00, s0  }
0x14: {  	s26 =	smax.u32 s7, $0x1;
	s19 =	simm.s32 $0x400;
	[dreg:$0xb] =	wrdreg s25  }
0x15: {  	s20 =	simm.s32 $0x9;
	s21 =	simm.s32 $0x200;
	[dreg:$0xc] =	wrdreg s3  }
0x16: {  	s22 =	simm.s32 $0x80;
	s23 =	simm.s32 $0x280;
	[dreg:$0xd] =	wrdreg s0  }
0x17: {  	s8 =	simm.s32 $0x3;
	[dreg:$0xe] =	wrdreg s26;
	s25 =	simm.s32 $0x100  }
0x18: {  	v0 =	vimm.f32 $0.0e+00;
	s26 =	simm.s32 $0x300;
	s0 =	simm.s32 $0x180;
	s3 =	simm.s32 $0x380  }
.LBB2_1:
0x19: {  	[dreg:$0xf] =	wrdreg s13;
	s14 =	simm.s32 $0x0;
	s15 =	simm.s32 $0x200  }
.LBB2_2:
0x1a: {  	p0 =	sne.s32 s15, $0xFE00;
	[tilespmem:s14+$0x470] =	vst v0  }
0x1b: {  	[tilespmem:s14+$0x400] =	vst v0  }
0x1c: {  	[tilespmem:s14+$0x410] =	vst v0  }
.Ltmp0:
0x1d: {  	[tilespmem:s14+$0x420] =	vst v0;
	(pc) =	sbr.rel @p0 .LBB2_2-.Ltmp0, $4  }
0x1e: {  	[tilespmem:s14+$0x430] =	vst v0  }
0x1f: {  	[tilespmem:s14+$0x440] =	vst v0  }
0x20: {  	[tilespmem:s14+$0x450] =	vst v0  }
0x21: {  	[tilespmem:s14+$0x460] =	vst v0;
	s14 =	sshra.s32 s15, $0x2;
	s15 =	sadd.s32 $0x200, s15  }
0x22: {  	[tilespmem:s14+$0x470] =	vst v0  }
0x23: {  	[tilespmem:s14+$0x400] =	vst v0  }
0x24: {  	[tilespmem:s14+$0x410] =	vst v0  }
0x25: {  	[tilespmem:s14+$0x420] =	vst v0  }
0x26: {  	[tilespmem:s14+$0x430] =	vst v0  }
0x27: {  	[tilespmem:s14+$0x440] =	vst v0  }
0x28: {  	[tilespmem:s14+$0x450] =	vst v0  }
0x29: {  	[tilespmem:s14+$0x460] =	vst v0  }
0x2a: {  	[spmem:s16] =	stream.linear.scatter [tilespmem:s19], [sflag:$0x9], $0x4000, $0x38;
	[tilespmem:$0x1C400] =	vst v63  }
0x2b: {  	_ =	swait.ge [sflag:s20], $0x4000  }
0x2c: {  	[sflag:s20] =	ssyncset.done $0x0  }
0x2d: {  	s7 =	rddreg [dreg:$0x5];
	[sflag:s20] =	ssyncadd.s32 $0xFFFFC000  }
0x2e: {  	[spmem:s7] =	stream.linear.scatter [tilespmem:s19], [sflag:$0x9], $0x4000, $0x38;
	[tilespmem:$0x1C400] =	vst v63  }
0x2f: {  	_ =	swait.ge [sflag:s20], $0x4000  }
0x30: {  	[sflag:s20] =	ssyncset.done $0x0  }
0x31: {  	s18 =	rddreg [dreg:$0x6];
	[sflag:s20] =	ssyncadd.s32 $0xFFFFC000  }
0x32: {  	[spmem:s18] =	stream.linear.scatter [tilespmem:s19], [sflag:$0x9], $0x4000, $0x38;
	[tilespmem:$0x1C400] =	vst v63  }
0x33: {  	_ =	swait.ge [sflag:s20], $0x4000  }
0x34: {  	[sflag:s20] =	ssyncset.done $0x0  }
0x35: {  	s24 =	rddreg [dreg:$0x7];
	[sflag:s20] =	ssyncadd.s32 $0xFFFFC000  }
0x36: {  	[spmem:s24] =	stream.linear.scatter [tilespmem:s19], [sflag:$0x9], $0x4000, $0x38;
	[tilespmem:$0x1C400] =	vst v63  }
0x37: {  	_ =	swait.ge [sflag:s20], $0x4000  }
0x38: {  	[sflag:s20] =	ssyncset.done $0x0  }
0x39: {  	s13 =	rddreg [dreg:$0x8];
	[sflag:s20] =	ssyncadd.s32 $0xFFFFC000  }
0x3a: {  	[spmem:s13] =	stream.linear.scatter [tilespmem:s19], [sflag:$0x9], $0x4000, $0x38;
	[tilespmem:$0x1C400] =	vst v63  }
0x3b: {  	_ =	swait.ge [sflag:s20], $0x4000  }
0x3c: {  	[sflag:s20] =	ssyncset.done $0x0  }
0x3d: {  	[sflag:s20] =	ssyncadd.s32 $0xFFFFC000  }
0x3e: {  	[bflag:$0x0] =	sbarrier.arrive $0xFFFF  }
0x3f: {  	s7 =	simm.s32 $0x0;
	s13 =	rddreg [dreg:$0x9]  }
0x40: {  	[tilespmem:s7], [sflag:$0x1] =	stream.linear.gather [hbm4b:s13+s7], $0x80, $0x38;
	[tilespmem:$0x1C400] =	vst v63  }
0x41: {  	s14 =	rddreg [dreg:$0xa]  }
0x42: {  	[tilespmem:s21], [sflag:$0x1] =	stream.linear.gather [hbm4b:s14+s7], $0x80, $0x38;
	[tilespmem:$0x1C400] =	vst v63  }
0x43: {  	s15 =	rddreg [dreg:$0xb]  }
0x44: {  	[tilespmem:s22], [sflag:$0x2] =	stream.linear.gather [hbm4b:s15+s7], $0x80, $0x38;
	[tilespmem:$0x1C400] =	vst v63  }
0x45: {  	s17 =	simm.s32 $0x1;
	s16 =	rddreg [dreg:$0xc]  }
0x46: {  	[tilespmem:s23], [sflag:$0x2] =	stream.linear.gather [hbm4b:s16+s7], $0x80, $0x38;
	[tilespmem:$0x1C400] =	vst v63  }
0x47: {  	_ =	swait.ge [sflag:s17], $0x80  }
0x48: {  	[sflag:s17] =	ssyncset.done $0x0  }
0x49: {  	[sflag:s17] =	ssyncadd.s32 $0xFFFFFF80  }
0x4a: {  	s18 =	sadd.s32 $0x0, s11;
	_ =	swait.ge [sflag:s17], $0x80  }
0x4b: {  	p0 =	por $0x1, $0x1;
	s14 =	sand.u32 $0xFFFFF80, s18;
	[sflag:s17] =	ssyncset.done $0x0  }
0x4c: {  	s15 =	sand.u32 $0x40, s7;
	s16 =	simm.s32 @!p0 $0x8;
	[sflag:s17] =	ssyncadd.s32 $0xFFFFFF80  }
0x4d: {  	[tilespmem:s19], [sflag:$0x5] =	stream.indirect.gather [hbm4b:s1+s22], $0x80, s7, s22, $0xb8;
	[tilespmem:$0x1C400] =	vst v63  }
0x4e: {  	s14 =	sor.u32 s14, s15;
	_ =	swait.ge @!p0 [sflag:s16], $0x4000  }
0x4f: {  	s15 =	sor.u32 $0x20, s14;
	[sflag:s16] =	ssyncset.done @!p0 $0x0  }
0x50: {  	s17 =	sadd.s32 s5, s15;
	[sflag:s16] =	ssyncadd.s32 @!p0 $0xFFFFC000  }
0x51: {  	[tilespmem:s25], [sflag:$0x3] =	stream.linear.gather [hbm4b:s17+s4], $0x80, $0x38;
	[tilespmem:$0x1C400] =	vst v63  }
0x52: {  	s15 =	sadd.s32 s6, s15  }
0x53: {  	[tilespmem:s26], [sflag:$0x3] =	stream.linear.gather [hbm4b:s15+s4], $0x80, $0x38;
	[tilespmem:$0x1C400] =	vst v63  }
0x54: {  	_ =	swait.ge [sflag:s28], $0x80  }
0x55: {  	[sflag:s28] =	ssyncset.done $0x0  }
0x56: {  	[sflag:s28] =	ssyncadd.s32 $0xFFFFFF80  }
0x57: {  	_ =	swait.ge [sflag:s28], $0x80  }
0x58: {  	[sflag:s28] =	ssyncset.done $0x0  }
0x59: {  	[sflag:s28] =	ssyncadd.s32 $0xFFFFFF80  }
0x5a: {  	[tilespmem:s29], [sflag:$0x6] =	stream.indirect.gather [hbm4b:s1+s22], $0x80, s22, s22, $0xb8;
	[tilespmem:$0x1C400] =	vst v63  }
0x5b: {  	_ =	swait.ge [sflag:s30], $0x4000  }
0x5c: {  	[sflag:s30] =	ssyncset.done $0x0  }
0x5d: {  	[sflag:s30] =	ssyncadd.s32 $0xFFFFC000  }
0x5e: {  	[spmem:s2] =	stream.indirect.scatter.add.f32 [tilespmem:s19], [sflag:$0x7], $0x80, s21, s22, $0xb8;
	[tilespmem:$0x1C400] =	vst v63  }
0x5f: {  	_ =	swait.ge [sflag:s31], $0x4000  }
0x60: {  	s14 =	sor.u32 $0x30, s14;
	[sflag:s31] =	ssyncset.done $0x0  }
0x61: {  	s24 =	sadd.s32 s5, s14;
	[sflag:s31] =	ssyncadd.s32 $0xFFFFC000  }
0x62: {  	[tilespmem:s0], [sflag:$0x4] =	stream.linear.gather [hbm4b:s24+s4], $0x80, $0x38;
	[tilespmem:$0x1C400] =	vst v63  }
0x63: {  	s14 =	sadd.s32 s6, s14  }
0x64: {  	[tilespmem:s3], [sflag:$0x4] =	stream.linear.gather [hbm4b:s14+s4], $0x80, $0x38;
	[tilespmem:$0x1C400] =	vst v63  }
0x65: {  	_ =	swait.ge [sflag:s8], $0x80  }
0x66: {  	[sflag:s8] =	ssyncset.done $0x0  }
0x67: {  	[sflag:s8] =	ssyncadd.s32 $0xFFFFFF80  }
0x68: {  	_ =	swait.ge [sflag:s8], $0x80  }
0x69: {  	[sflag:s8] =	ssyncset.done $0x0  }
0x6a: {  	[sflag:s8] =	ssyncadd.s32 $0xFFFFFF80  }
0x6b: {  	[tilespmem:s19], [sflag:$0x5] =	stream.indirect.gather [hbm4b:s1+s22], $0x80, s25, s22, $0xb8;
	[tilespmem:$0x1C400] =	vst v63  }
0x6c: {  	p1 =	por $0x0, $0x0;
	_ =	swait.ge [sflag:s9], $0x4000  }
0x6d: {  	s14 =	sadd.s32 @!p1 $0x0, s11;
	[sflag:s9] =	ssyncset.done $0x0  }
0x6e: {  	s7 =	sxor.u32 @!p1 $0xFFFFFFFF, s7;
	s14 =	sadd.s32 @!p1 $0x40, s14;
	[sflag:s9] =	ssyncadd.s32 $0xFFFFC000  }
0x6f: {  	[spmem:s2] =	stream.indirect.scatter.add.f32 [tilespmem:s29], [sflag:$0x8], $0x80, s23, s22, $0xb8;
	[tilespmem:$0x1C400] =	vst v63  }
0x70: {  	s7 =	sand.u32 @!p1 $0x40, s7;
	s14 =	sand.u32 @!p1 $0xFFFFF80, s14;
	_ =	swait.ge [sflag:s10], $0x4000  }
0x71: {  	s7 =	sor.u32 @!p1 s7, s14;
	[sflag:s10] =	ssyncset.done $0x0  }
0x72: {  	s17 =	simm.s32 @!p1 $0x0;
	s14 =	sadd.s32 @!p1 s5, s7;
	[sflag:s10] =	ssyncadd.s32 $0xFFFFC000  }
0x73: {  	[tilespmem:s17], [sflag:$0x1] =	stream.linear.gather @!p1 [hbm4b:s14+s17], $0x80, $0x38;
	[tilespmem:$0x1C400] =	vst v63  }
0x74: {  	s7 =	sadd.s32 @!p1 s6, s7;
	s14 =	simm.s32 @!p1 $0x200  }
0x75: {  	[tilespmem:s14], [sflag:$0x1] =	stream.linear.gather @!p1 [hbm4b:s7+s17], $0x80, $0x38;
	[tilespmem:$0x1C400] =	vst v63  }
0x76: {  	_ =	swait.ge [sflag:s12], $0x80  }
0x77: {  	[sflag:s12] =	ssyncset.done $0x0  }
0x78: {  	[sflag:s12] =	ssyncadd.s32 $0xFFFFFF80  }
0x79: {  	_ =	swait.ge [sflag:s12], $0x80  }
0x7a: {  	[sflag:s12] =	ssyncset.done $0x0  }
0x7b: {  	[sflag:s12] =	ssyncadd.s32 $0xFFFFFF80  }
0x7c: {  	[tilespmem:s29], [sflag:$0x6] =	stream.indirect.gather [hbm4b:s1+s22], $0x80, s0, s22, $0xb8;
	[tilespmem:$0x1C400] =	vst v63  }
0x7d: {  	_ =	swait.ge [sflag:s30], $0x4000  }
0x7e: {  	[sflag:s30] =	ssyncset.done $0x0  }
0x7f: {  	s7 =	simm.s32 @!p1 $0x50;
	s14 =	sadd.s32 @!p1 $0x50, s11;
	[sflag:s30] =	ssyncadd.s32 $0xFFFFC000  }
0x80: {  	[spmem:s2] =	stream.indirect.scatter.add.f32 [tilespmem:s19], [sflag:$0x7], $0x80, s26, s22, $0xb8;
	[tilespmem:$0x1C400] =	vst v63  }
0x81: {  	s7 =	sand.u32 @!p1 $0x50, s7;
	s14 =	sand.u32 @!p1 $0xFFFFF80, s14;
	_ =	swait.ge [sflag:s31], $0x4000  }
0x82: {  	s7 =	sor.u32 @!p1 s7, s14;
	[sflag:s31] =	ssyncset.done $0x0  }
0x83: {  	s18 =	simm.s32 @!p1 $0x80;
	s14 =	sadd.s32 @!p1 s5, s7;
	[sflag:s31] =	ssyncadd.s32 $0xFFFFC000  }
0x84: {  	[tilespmem:s18], [sflag:$0x2] =	stream.linear.gather @!p1 [hbm4b:s14+s17], $0x80, $0x38;
	[tilespmem:$0x1C400] =	vst v63  }
0x85: {  	s24 =	simm.s32 @!p1 $0x1;
	s7 =	sadd.s32 @!p1 s6, s7;
	s14 =	simm.s32 @!p1 $0x280  }
0x86: {  	[tilespmem:s14], [sflag:$0x2] =	stream.linear.gather @!p1 [hbm4b:s7+s17], $0x80, $0x38;
	[tilespmem:$0x1C400] =	vst v63  }
0x87: {  	_ =	swait.ge @!p1 [sflag:s24], $0x80  }
0x88: {  	[sflag:s24] =	ssyncset.done @!p1 $0x0  }
0x89: {  	p2 =	por $0x0, $0x0;
	[sflag:s24] =	ssyncadd.s32 @!p1 $0xFFFFFF80  }
0x8a: {  	s13 =	sadd.s32 $0x40, s11;
	s16 =	simm.s32 $0x80;
	_ =	swait.ge @!p1 [sflag:s24], $0x80  }
0x8b: {  	s14 =	simm.s32 $0x40;
	s7 =	sand.u32 $0xFFFFF80, s13;
	[sflag:s24] =	ssyncset.done @!p1 $0x0  }
0x8c: {  	s15 =	sand.u32 $0x40, s14;
	[sflag:s24] =	ssyncadd.s32 @!p1 $0xFFFFFF80;
	s24 =	simm.s32 @!p1 $0x400  }
.LBB2_4:
0x8d: {  	[tilespmem:s24], [sflag:$0x5] =	stream.indirect.gather @!p1 [hbm4b:s1+s18], $0x80, s17, s18, $0xb8;
	[tilespmem:$0x1C400] =	vst v63  }
0x8e: {  	s18 =	smov.u32 s16  }
0x8f: {  	s7 =	sor.u32 s7, s15;
	s15 =	sand.u32 $0x40, s16;
	_ =	swait.ge [sflag:s9], $0x4000  }
0x90: {  	s17 =	sor.u32 $0x20, s7;
	s7 =	sor.u32 $0x30, s7;
	[sflag:s9] =	ssyncset.done $0x0  }
0x91: {  	s16 =	sadd.s32 $0x40, s16;
	s24 =	simm.s32 @!p2 $0x8;
	[sflag:s9] =	ssyncadd.s32 $0xFFFFC000  }
0x92: {  	[spmem:s2] =	stream.indirect.scatter.add.f32 [tilespmem:s29], [sflag:$0x8], $0x80, s3, s22, $0xb8;
	[tilespmem:$0x1C400] =	vst v63  }
0x93: {  	p0 =	sne.s32 s16, $0x500;
	_ =	swait.ge @!p2 [sflag:s24], $0x4000  }
0x94: {  	s13 =	sadd.s32 s5, s17;
	[sflag:s24] =	ssyncset.done @!p2 $0x0  }
0x95: {  	[sflag:s24] =	ssyncadd.s32 @!p2 $0xFFFFC000  }
0x96: {  	[tilespmem:s25], [sflag:$0x3] =	stream.linear.gather [hbm4b:s13+s4], $0x80, $0x38;
	[tilespmem:$0x1C400] =	vst v63  }
0x97: {  	s13 =	sadd.s32 s6, s17  }
0x98: {  	[tilespmem:s26], [sflag:$0x3] =	stream.linear.gather [hbm4b:s13+s4], $0x80, $0x38;
	[tilespmem:$0x1C400] =	vst v63  }
0x99: {  	_ =	swait.ge [sflag:s28], $0x80  }
0x9a: {  	[sflag:s28] =	ssyncset.done $0x0  }
0x9b: {  	[sflag:s28] =	ssyncadd.s32 $0xFFFFFF80  }
0x9c: {  	_ =	swait.ge [sflag:s28], $0x80  }
0x9d: {  	[sflag:s28] =	ssyncset.done $0x0  }
0x9e: {  	[sflag:s28] =	ssyncadd.s32 $0xFFFFFF80  }
0x9f: {  	[tilespmem:s29], [sflag:$0x6] =	stream.indirect.gather [hbm4b:s1+s22], $0x80, s22, s22, $0xb8;
	[tilespmem:$0x1C400] =	vst v63  }
0xa0: {  	_ =	swait.ge [sflag:s30], $0x4000  }
0xa1: {  	[sflag:s30] =	ssyncset.done $0x0  }
0xa2: {  	[sflag:s30] =	ssyncadd.s32 $0xFFFFC000  }
0xa3: {  	[spmem:s2] =	stream.indirect.scatter.add.f32 [tilespmem:s19], [sflag:$0x7], $0x80, s21, s22, $0xb8;
	[tilespmem:$0x1C400] =	vst v63  }
0xa4: {  	_ =	swait.ge [sflag:s31], $0x4000  }
0xa5: {  	s13 =	sadd.s32 s5, s7;
	[sflag:s31] =	ssyncset.done $0x0  }
0xa6: {  	[sflag:s31] =	ssyncadd.s32 $0xFFFFC000  }
0xa7: {  	[tilespmem:s0], [sflag:$0x4] =	stream.linear.gather [hbm4b:s13+s4], $0x80, $0x38;
	[tilespmem:$0x1C400] =	vst v63  }
0xa8: {  	s7 =	sadd.s32 s6, s7  }
0xa9: {  	[tilespmem:s3], [sflag:$0x4] =	stream.linear.gather [hbm4b:s7+s4], $0x80, $0x38;
	[tilespmem:$0x1C400] =	vst v63  }
0xaa: {  	_ =	swait.ge [sflag:s8], $0x80  }
0xab: {  	[sflag:s8] =	ssyncset.done $0x0  }
0xac: {  	[sflag:s8] =	ssyncadd.s32 $0xFFFFFF80  }
0xad: {  	_ =	swait.ge [sflag:s8], $0x80  }
0xae: {  	[sflag:s8] =	ssyncset.done $0x0  }
0xaf: {  	[sflag:s8] =	ssyncadd.s32 $0xFFFFFF80  }
0xb0: {  	[tilespmem:s19], [sflag:$0x5] =	stream.indirect.gather [hbm4b:s1+s22], $0x80, s25, s22, $0xb8;
	[tilespmem:$0x1C400] =	vst v63  }
0xb1: {  	p1 =	seq.s32 s14, $0x4C0;
	_ =	swait.ge [sflag:s9], $0x4000  }
0xb2: {  	s13 =	sxor.u32 @!p1 $0xFFFFFFFF, s14;
	s7 =	sadd.s32 @!p1 s14, s11;
	[sflag:s9] =	ssyncset.done $0x0  }
0xb3: {  	s13 =	sand.u32 @!p1 $0x40, s13;
	s7 =	sadd.s32 @!p1 $0x40, s7;
	[sflag:s9] =	ssyncadd.s32 $0xFFFFC000  }
0xb4: {  	[spmem:s2] =	stream.indirect.scatter.add.f32 [tilespmem:s29], [sflag:$0x8], $0x80, s23, s22, $0xb8;
	[tilespmem:$0x1C400] =	vst v63  }
0xb5: {  	s24 =	simm.s32 @!p1 $0x200;
	s7 =	sand.u32 @!p1 $0xFFFFF80, s7;
	_ =	swait.ge [sflag:s10], $0x4000  }
0xb6: {  	s17 =	simm.s32 @!p1 $0x0;
	s7 =	sor.u32 @!p1 s13, s7;
	[sflag:s10] =	ssyncset.done $0x0  }
0xb7: {  	s13 =	sadd.s32 @!p1 s5, s7;
	s7 =	sadd.s32 @!p1 s6, s7;
	[sflag:s10] =	ssyncadd.s32 $0xFFFFC000  }
0xb8: {  	[tilespmem:s17], [sflag:$0x1] =	stream.linear.gather @!p1 [hbm4b:s13+s17], $0x80, $0x38;
	[tilespmem:$0x1C400] =	vst v63  }
0xb9: {  	s13 =	sadd.s32 @!p1 $0x50, s14;
	s14 =	smov.u32 s18  }
0xba: {  	[tilespmem:s24], [sflag:$0x1] =	stream.linear.gather @!p1 [hbm4b:s7+s17], $0x80, $0x38;
	[tilespmem:$0x1C400] =	vst v63  }
0xbb: {  	s7 =	sadd.s32 @!p1 s11, s13;
	s13 =	sand.u32 @!p1 $0x50, s13;
	_ =	swait.ge [sflag:s12], $0x80  }
0xbc: {  	s7 =	sand.u32 @!p1 $0xFFFFF80, s7;
	[sflag:s12] =	ssyncset.done $0x0  }
0xbd: {  	s7 =	sor.u32 @!p1 s13, s7;
	[sflag:s12] =	ssyncadd.s32 $0xFFFFFF80  }
0xbe: {  	s13 =	sadd.s32 @!p1 s5, s7;
	s7 =	sadd.s32 @!p1 s6, s7;
	_ =	swait.ge [sflag:s12], $0x80  }
0xbf: {  	[sflag:s12] =	ssyncset.done $0x0  }
0xc0: {  	[sflag:s12] =	ssyncadd.s32 $0xFFFFFF80  }
0xc1: {  	[tilespmem:s29], [sflag:$0x6] =	stream.indirect.gather [hbm4b:s1+s22], $0x80, s0, s22, $0xb8;
	[tilespmem:$0x1C400] =	vst v63  }
0xc2: {  	_ =	swait.ge [sflag:s30], $0x4000  }
0xc3: {  	[sflag:s30] =	ssyncset.done $0x0  }
0xc4: {  	[sflag:s30] =	ssyncadd.s32 $0xFFFFC000  }
0xc5: {  	[spmem:s2] =	stream.indirect.scatter.add.f32 [tilespmem:s19], [sflag:$0x7], $0x80, s26, s22, $0xb8;
	[tilespmem:$0x1C400] =	vst v63  }
0xc6: {  	_ =	swait.ge [sflag:s31], $0x4000  }
0xc7: {  	s18 =	simm.s32 @!p1 $0x80;
	[sflag:s31] =	ssyncset.done $0x0  }
0xc8: {  	s24 =	simm.s32 @!p1 $0x280;
	[sflag:s31] =	ssyncadd.s32 $0xFFFFC000  }
0xc9: {  	[tilespmem:s18], [sflag:$0x2] =	stream.linear.gather @!p1 [hbm4b:s13+s17], $0x80, $0x38;
	[tilespmem:$0x1C400] =	vst v63  }
0xca: {  	s13 =	simm.s32 @!p1 $0x1  }
0xcb: {  	[tilespmem:s24], [sflag:$0x2] =	stream.linear.gather @!p1 [hbm4b:s7+s17], $0x80, $0x38;
	[tilespmem:$0x1C400] =	vst v63  }
0xcc: {  	_ =	swait.ge @!p1 [sflag:s13], $0x80  }
.Ltmp1:
0xcd: {  	[sflag:s13] =	ssyncset.done @!p1 $0x0;
	(pc) =	sbr.rel @p0 .LBB2_4-.Ltmp1, $4  }
0xce: {  	[sflag:s13] =	ssyncadd.s32 @!p1 $0xFFFFFF80  }
0xcf: {  	s24 =	simm.s32 @!p1 $0x400;
	_ =	swait.ge @!p1 [sflag:s13], $0x80  }
0xd0: {  	p2 =	seq.s32 s14, $0x0;
	s7 =	sadd.s32 s14, s11;
	[sflag:s13] =	ssyncset.done @!p1 $0x0  }
0xd1: {  	s7 =	sand.u32 $0xFFFFF80, s7;
	[sflag:s13] =	ssyncadd.s32 @!p1 $0xFFFFFF80  }
0xd2: {  	[tilespmem:s24], [sflag:$0x5] =	stream.indirect.gather @!p1 [hbm4b:s1+s18], $0x80, s17, s18, $0xb8;
	[tilespmem:$0x1C400] =	vst v63  }
0xd3: {  	_ =	swait.ge [sflag:s9], $0x4000  }
0xd4: {  	[sflag:s9] =	ssyncset.done $0x0  }
0xd5: {  	s13 =	simm.s32 @!p2 $0x8;
	[sflag:s9] =	ssyncadd.s32 $0xFFFFC000  }
0xd6: {  	[spmem:s2] =	stream.indirect.scatter.add.f32 [tilespmem:s29], [sflag:$0x8], $0x80, s3, s22, $0xb8;
	[tilespmem:$0x1C400] =	vst v63  }
0xd7: {  	s7 =	sor.u32 s7, s15;
	_ =	swait.ge @!p2 [sflag:s13], $0x4000  }
0xd8: {  	s15 =	sor.u32 $0x20, s7;
	[sflag:s13] =	ssyncset.done @!p2 $0x0  }
0xd9: {  	s17 =	sadd.s32 s5, s15;
	[sflag:s13] =	ssyncadd.s32 @!p2 $0xFFFFC000  }
0xda: {  	[tilespmem:s25], [sflag:$0x3] =	stream.linear.gather [hbm4b:s17+s4], $0x80, $0x38;
	[tilespmem:$0x1C400] =	vst v63  }
0xdb: {  	s18 =	sadd.s32 s6, s15  }
0xdc: {  	[tilespmem:s26], [sflag:$0x3] =	stream.linear.gather [hbm4b:s18+s4], $0x80, $0x38;
	[tilespmem:$0x1C400] =	vst v63  }
0xdd: {  	_ =	swait.ge [sflag:s28], $0x80  }
0xde: {  	[sflag:s28] =	ssyncset.done $0x0  }
0xdf: {  	[sflag:s28] =	ssyncadd.s32 $0xFFFFFF80  }
0xe0: {  	_ =	swait.ge [sflag:s28], $0x80  }
0xe1: {  	[sflag:s28] =	ssyncset.done $0x0  }
0xe2: {  	[sflag:s28] =	ssyncadd.s32 $0xFFFFFF80  }
0xe3: {  	[tilespmem:s29], [sflag:$0x6] =	stream.indirect.gather [hbm4b:s1+s22], $0x80, s22, s22, $0xb8;
	[tilespmem:$0x1C400] =	vst v63  }
0xe4: {  	_ =	swait.ge [sflag:s30], $0x4000  }
0xe5: {  	[sflag:s30] =	ssyncset.done $0x0  }
0xe6: {  	[sflag:s30] =	ssyncadd.s32 $0xFFFFC000  }
0xe7: {  	[spmem:s2] =	stream.indirect.scatter.add.f32 [tilespmem:s19], [sflag:$0x7], $0x80, s21, s22, $0xb8;
	[tilespmem:$0x1C400] =	vst v63  }
0xe8: {  	_ =	swait.ge [sflag:s31], $0x4000  }
0xe9: {  	s7 =	sor.u32 $0x30, s7;
	[sflag:s31] =	ssyncset.done $0x0  }
0xea: {  	s24 =	sadd.s32 s5, s7;
	[sflag:s31] =	ssyncadd.s32 $0xFFFFC000  }
0xeb: {  	[tilespmem:s0], [sflag:$0x4] =	stream.linear.gather [hbm4b:s24+s4], $0x80, $0x38;
	[tilespmem:$0x1C400] =	vst v63  }
0xec: {  	s7 =	sadd.s32 s6, s7  }
0xed: {  	[tilespmem:s3], [sflag:$0x4] =	stream.linear.gather [hbm4b:s7+s4], $0x80, $0x38;
	[tilespmem:$0x1C400] =	vst v63  }
0xee: {  	_ =	swait.ge [sflag:s8], $0x80  }
0xef: {  	[sflag:s8] =	ssyncset.done $0x0  }
0xf0: {  	[sflag:s8] =	ssyncadd.s32 $0xFFFFFF80  }
0xf1: {  	_ =	swait.ge [sflag:s8], $0x80  }
0xf2: {  	[sflag:s8] =	ssyncset.done $0x0  }
0xf3: {  	[sflag:s8] =	ssyncadd.s32 $0xFFFFFF80  }
0xf4: {  	[tilespmem:s19], [sflag:$0x5] =	stream.indirect.gather [hbm4b:s1+s22], $0x80, s25, s22, $0xb8;
	[tilespmem:$0x1C400] =	vst v63  }
0xf5: {  	p0 =	seq.s32 s14, $0x4C0;
	_ =	swait.ge [sflag:s9], $0x4000  }
0xf6: {  	s7 =	sadd.s32 @!p0 s14, s11;
	[sflag:s9] =	ssyncset.done $0x0  }
0xf7: {  	s13 =	sxor.u32 @!p0 $0xFFFFFFFF, s14;
	s7 =	sadd.s32 @!p0 $0x40, s7;
	[sflag:s9] =	ssyncadd.s32 $0xFFFFC000  }
0xf8: {  	[spmem:s2] =	stream.indirect.scatter.add.f32 [tilespmem:s29], [sflag:$0x8], $0x80, s23, s22, $0xb8;
	[tilespmem:$0x1C400] =	vst v63  }
0xf9: {  	s13 =	sand.u32 @!p0 $0x40, s13;
	s7 =	sand.u32 @!p0 $0xFFFFF80, s7;
	_ =	swait.ge [sflag:s10], $0x4000  }
0xfa: {  	s7 =	sor.u32 @!p0 s13, s7;
	[sflag:s10] =	ssyncset.done $0x0  }
0xfb: {  	s13 =	simm.s32 @!p0 $0x0;
	s15 =	sadd.s32 @!p0 s5, s7;
	[sflag:s10] =	ssyncadd.s32 $0xFFFFC000  }
0xfc: {  	[tilespmem:s13], [sflag:$0x1] =	stream.linear.gather @!p0 [hbm4b:s15+s13], $0x80, $0x38;
	[tilespmem:$0x1C400] =	vst v63  }
0xfd: {  	s7 =	sadd.s32 @!p0 s6, s7;
	s15 =	simm.s32 @!p0 $0x200  }
0xfe: {  	[tilespmem:s15], [sflag:$0x1] =	stream.linear.gather @!p0 [hbm4b:s7+s13], $0x80, $0x38;
	[tilespmem:$0x1C400] =	vst v63  }
0xff: {  	_ =	swait.ge [sflag:s12], $0x80  }
0x100: {  	[sflag:s12] =	ssyncset.done $0x0  }
0x101: {  	[sflag:s12] =	ssyncadd.s32 $0xFFFFFF80  }
0x102: {  	_ =	swait.ge [sflag:s12], $0x80  }
0x103: {  	[sflag:s12] =	ssyncset.done $0x0  }
0x104: {  	[sflag:s12] =	ssyncadd.s32 $0xFFFFFF80  }
0x105: {  	[tilespmem:s29], [sflag:$0x6] =	stream.indirect.gather [hbm4b:s1+s22], $0x80, s0, s22, $0xb8;
	[tilespmem:$0x1C400] =	vst v63  }
0x106: {  	_ =	swait.ge [sflag:s30], $0x4000  }
0x107: {  	s7 =	sadd.s32 @!p0 $0x50, s14;
	[sflag:s30] =	ssyncset.done $0x0  }
0x108: {  	s14 =	sadd.s32 @!p0 s11, s7;
	[sflag:s30] =	ssyncadd.s32 $0xFFFFC000  }
0x109: {  	[spmem:s2] =	stream.indirect.scatter.add.f32 [tilespmem:s19], [sflag:$0x7], $0x80, s26, s22, $0xb8;
	[tilespmem:$0x1C400] =	vst v63  }
0x10a: {  	s7 =	sand.u32 @!p0 $0x50, s7;
	s14 =	sand.u32 @!p0 $0xFFFFF80, s14;
	_ =	swait.ge [sflag:s31], $0x4000  }
0x10b: {  	s7 =	sor.u32 @!p0 s7, s14;
	[sflag:s31] =	ssyncset.done $0x0  }
0x10c: {  	s15 =	simm.s32 @!p0 $0x80;
	s14 =	sadd.s32 @!p0 s5, s7;
	[sflag:s31] =	ssyncadd.s32 $0xFFFFC000  }
0x10d: {  	[tilespmem:s15], [sflag:$0x2] =	stream.linear.gather @!p0 [hbm4b:s14+s13], $0x80, $0x38;
	[tilespmem:$0x1C400] =	vst v63  }
0x10e: {  	s7 =	sadd.s32 @!p0 s6, s7;
	s14 =	simm.s32 @!p0 $0x280  }
0x10f: {  	[tilespmem:s14], [sflag:$0x2] =	stream.linear.gather @!p0 [hbm4b:s7+s13], $0x80, $0x38;
	[tilespmem:$0x1C400] =	vst v63  }
0x110: {  	s7 =	simm.s32 @!p0 $0x1  }
0x111: {  	_ =	swait.ge @!p0 [sflag:s7], $0x80  }
0x112: {  	[sflag:s7] =	ssyncset.done @!p0 $0x0  }
0x113: {  	[sflag:s7] =	ssyncadd.s32 @!p0 $0xFFFFFF80  }
0x114: {  	_ =	swait.ge @!p0 [sflag:s7], $0x80  }
0x115: {  	[sflag:s7] =	ssyncset.done @!p0 $0x0  }
0x116: {  	[sflag:s7] =	ssyncadd.s32 @!p0 $0xFFFFFF80;
	s7 =	simm.s32 @!p0 $0x400  }
0x117: {  	[tilespmem:s7], [sflag:$0x5] =	stream.indirect.gather @!p0 [hbm4b:s1+s15], $0x80, s13, s15, $0xb8;
	[tilespmem:$0x1C400] =	vst v63  }
0x118: {  	_ =	swait.ge [sflag:s9], $0x4000  }
0x119: {  	[sflag:s9] =	ssyncset.done $0x0  }
0x11a: {  	[sflag:s9] =	ssyncadd.s32 $0xFFFFC000  }
0x11b: {  	[spmem:s2] =	stream.indirect.scatter.add.f32 [tilespmem:s29], [sflag:$0x8], $0x80, s3, s22, $0xb8;
	[tilespmem:$0x1C400] =	vst v63  }
0x11c: {  	_ =	swait.ge [sflag:s10], $0x4000  }
0x11d: {  	[sflag:s10] =	ssyncset.done $0x0  }
0x11e: {  	[sflag:s10] =	ssyncadd.s32 $0xFFFFC000  }
0x11f: {  	s14 =	stileid.u32;
	[bflag:$0x0] =	sbarrier.arrive $0xFFFF  }
0x120: {  	s7 =	sshll.u32 s14, $0x6;
	s16 =	rddreg [dreg:$0x4]  }
0x121: {  	s7 =	sor.u32 $0x1C09, s7;
	s17 =	rddreg [dreg:$0xd];
	s15 =	sshrl.u32 s16, $0x3  }
0x122: {  	[hbm:s17], [sflag:s7] =	dma.local [spmem:s15], $0x2800  }
0x123: {  	_ =	swait.ge [sflag:s20], $0x2800  }
0x124: {  	s18 =	rddreg [dreg:$0xf]  }
0x125: {  	s24 =	rddreg [dreg:$0xe];
	s13 =	sadd.s32 $0x1, s18  }
0x126: {  	p0 =	sne.s32 s13, s24  }
.Ltmp2:
0x127: {  	_ = 	snop;
	(pc) =	sbr.rel @p0 .LBB2_1-.Ltmp2, $3  }
0x128: {  	_ =	sdelay $0x1  }
0x129: {  	[sflag:s20] =	ssyncset.done $0x0  }
0x12a: {  	[sflag:s20] =	ssyncadd.s32 $0xFFFFD800  }
0x12b: {  	_ =	sfence.sel $0x180000  }
0x12c: {  	[bflag:$0x0] =	sbarrier.arrive $0xFFFF  }
0x12d: {  	_ =	strace $0x9000004A  }
0x12e: {  	s0 =	stileid.u32;
	[bflag:$0x2] =	sbarrier.arrive $0xFFFF  }
0x12f: {  	p0 =	sne.s32 s0, $0x0;
	s0 =	rddreg [dreg:$0x3]  }
0x130: {  	s0 =	sadd.s32 @!p0 $0x100000, s0  }
0x131: {  	[sflag:s0] =	ssyncadd.tile.s32 @!p0 $0x1;
	_ =	shalt  }
.Lfunc_end2:
_tile_overlayer_lowered:
.L_overlay_start_2:
0x132: {  	(tag) =	ssettag $0x2  }
0x133: {  	s0 =	rddreg [dreg:$0x0];
	s2 =	stileid.u32  }
0x134: {  	s1 =	rddreg [dreg:$0x1];
	p0 =	sne.s32 s2, $0x0  }
0x135: {  	s3 =	rddreg [dreg:$0x2];
	[bflag:$0x3] =	sbarrier.arrive $0xFFFF;
	s2 =	simm.s32 @!p0 $0x1C09  }
0x136: {  	[timem:s3], [sflag:s2] =	dma.local @!p0 [hbm:s0], s1  }
0x137: {  	s0 =	simm.s32 @!p0 $0x9  }
0x138: {  	_ =	swait.ge @!p0 [sflag:s0], s1  }
0x139: {  	s1 =	ssub.s32 @!p0 $0x0, s1;
	[sflag:s0] =	ssyncset.done @!p0 $0x0  }
0x13a: {  	[sflag:s0] =	ssyncadd.s32 @!p0 s1  }
0x13b: {  	[bflag:$0x3] =	sbarrier.arrive $0xFFFF  }
0x13c: {  	_ =	shalt  }

</sc_bundles>
